<compile_context>
chip_gen: v7x
topology: tpu7x:2x2x1
jax: 0.10.2.dev20260603
libtpu: 0.0.44.dev20260713+nightly
codegen_flags: <defaults>
</compile_context>

<pallas_src>
import jax
import jax.numpy as jnp
from jax import lax
from jax.experimental import pallas as pl
from jax.experimental.pallas import tpu as pltpu
from jax.experimental.pallas import tpu_sc as plsc

BATCH = 16384
EMBED_DIM = 16
BUCKETS = 100000
NUM_CORES = 2
NUM_SUBCORES = 16
NUM_WORKERS = NUM_CORES * NUM_SUBCORES
B_PER_W = BATCH // NUM_WORKERS
LANES = 16
NWORDS = B_PER_W * EMBED_DIM
NCHUNK = 4
C_ROWS = B_PER_W // NCHUNK
C_WORDS = C_ROWS * EMBED_DIM


def _worker_id():
    return lax.axis_index("s") * NUM_CORES + lax.axis_index("c")


def _build_fid(idx_v, fid_v, c):
    def body(j, carry):
        iv = idx_v[pl.ds(c * C_ROWS + j * LANES, LANES)]
        for d in range(EMBED_DIM):
            s = pl.ds(c * C_WORDS + d * C_ROWS + j * LANES, LANES)
            fid_v[s] = iv + (d * BUCKETS)
        return carry
    lax.fori_loop(0, C_ROWS // LANES, body, 0)


def _gather_u_body(uid_hbm, utab_hbm, gu_hbm,
                   idx_v, fid_v, g_v, s0, s1, s2, s3):
    sems = (s0, s1, s2, s3)
    base = _worker_id() * B_PER_W
    pltpu.sync_copy(uid_hbm.at[pl.ds(base, B_PER_W)], idx_v)
    copies = []
    for c in range(NCHUNK):
        _build_fid(idx_v, fid_v, c)
        sl = pl.ds(c * C_WORDS, C_WORDS)
        copies.append(
            pltpu.async_copy(utab_hbm.at[fid_v.at[sl]], g_v.at[sl], sems[c]))
    for cp in copies:
        cp.wait()
    pltpu.sync_copy(g_v, gu_hbm.at[pl.ds(base * EMBED_DIM, NWORDS)])


def _gather_t_compute_body(tid_hbm, itab_hbm, gu_hbm, wb_hbm, out_hbm,
                           idx_v, fid_v, gu_v, gt_v, out_v, wb_v,
                           s0, s1, s2, s3, sg):
    sems = (s0, s1, s2, s3)
    wid = _worker_id()
    base = wid * B_PER_W
    pltpu.sync_copy(tid_hbm.at[pl.ds(base, B_PER_W)], idx_v)
    cg = pltpu.async_copy(gu_hbm.at[pl.ds(base * EMBED_DIM, NWORDS)], gu_v, sg)
    copies = []
    for c in range(NCHUNK):
        _build_fid(idx_v, fid_v, c)
        sl = pl.ds(c * C_WORDS, C_WORDS)
        copies.append(
            pltpu.async_copy(itab_hbm.at[fid_v.at[sl]], gt_v.at[sl], sems[c]))
    pltpu.sync_copy(wb_hbm, wb_v)
    wv = wb_v[pl.ds(0, LANES)]
    bv = wb_v[pl.ds(LANES, LANES)]
    cg.wait()
    for c in range(NCHUNK):
        copies[c].wait()

        def grp(j, carry):
            acc = jnp.zeros((LANES,), jnp.float32)
            for d in range(EMBED_DIM):
                s = pl.ds(c * C_WORDS + d * C_ROWS + j * LANES, LANES)
                acc = acc + gu_v[s] * gt_v[s]
            z = acc * wv + bv
            y = 1.0 / (1.0 + jnp.exp(-z))
            out_v[pl.ds(c * C_ROWS + j * LANES, LANES)] = y
            return carry

        lax.fori_loop(0, C_ROWS // LANES, grp, 0)
    pltpu.sync_copy(out_v, out_hbm.at[pl.ds(base, B_PER_W)])


@jax.jit
def _fm_sc(f_uid, f_tid, utab_flat, itab_flat, wb):
    mesh = plsc.VectorSubcoreMesh(core_axis_name="c", subcore_axis_name="s")
    params = pltpu.CompilerParams(needs_layout_passes=False)
    gu = pl.kernel(
        _gather_u_body,
        out_type=jax.ShapeDtypeStruct((BATCH * EMBED_DIM,), jnp.float32),
        mesh=mesh,
        compiler_params=params,
        scratch_types=[
            pltpu.VMEM((B_PER_W,), jnp.int32),
            pltpu.VMEM((NWORDS,), jnp.int32),
            pltpu.VMEM((NWORDS,), jnp.float32),
            pltpu.SemaphoreType.DMA,
            pltpu.SemaphoreType.DMA,
            pltpu.SemaphoreType.DMA,
            pltpu.SemaphoreType.DMA,
        ],
    )(f_uid, utab_flat)
    return pl.kernel(
        _gather_t_compute_body,
        out_type=jax.ShapeDtypeStruct((BATCH,), jnp.float32),
        mesh=mesh,
        compiler_params=params,
        scratch_types=[
            pltpu.VMEM((B_PER_W,), jnp.int32),
            pltpu.VMEM((NWORDS,), jnp.int32),
            pltpu.VMEM((NWORDS,), jnp.float32),
            pltpu.VMEM((NWORDS,), jnp.float32),
            pltpu.VMEM((B_PER_W,), jnp.float32),
            pltpu.VMEM((8 * LANES,), jnp.float32),
            pltpu.SemaphoreType.DMA,
            pltpu.SemaphoreType.DMA,
            pltpu.SemaphoreType.DMA,
            pltpu.SemaphoreType.DMA,
            pltpu.SemaphoreType.DMA,
        ],
    )(f_tid, itab_flat, gu, wb)


def kernel(f_uid, f_tid, user_table, item_table, W, b):
    utab_flat = user_table.T.reshape(-1)
    itab_flat = item_table.T.reshape(-1)
    wb = jnp.concatenate([
        jnp.broadcast_to(W.reshape(1), (LANES,)),
        jnp.broadcast_to(b.reshape(1), (LANES,)),
        jnp.zeros((8 * LANES - 2 * LANES,), jnp.float32),
    ])
    y = _fm_sc(f_uid, f_tid, utab_flat, itab_flat, wb)
    return y.reshape(BATCH, 1)

# --- scband reference (transcript-rebuilt; emitter-appended) ---
"""Pipeline reference for scband-fm-model-21827023798779 (READ-ONLY COPY).

The authoritative reference and input builder live on the scoring server;
editing this copy changes nothing except your own understanding.
"""

import jax, jax.numpy as jnp
import numpy as np

BUCKET_SIZE = 100000
EMBED_DIM = 16
BATCH = 16384

def setup_inputs(seed: int = 0) -> dict:
    key = jax.random.key(seed)
    k1, k2, k3, k4, k5, k6 = jax.random.split(key, 6)
    f_uid = jax.random.randint(k1, (BATCH,), 0, BUCKET_SIZE, dtype=jnp.int64) if jax.config.jax_enable_x64 else jax.random.randint(k1, (BATCH,), 0, BUCKET_SIZE, dtype=jnp.int32)
    f_tid = jax.random.randint(k2, (BATCH,), 0, BUCKET_SIZE, dtype=jnp.int64) if jax.config.jax_enable_x64 else jax.random.randint(k2, (BATCH,), 0, BUCKET_SIZE, dtype=jnp.int32)
    user_table = jax.random.normal(k3, (BUCKET_SIZE, EMBED_DIM), dtype=jnp.float32) * 0.05
    item_table = jax.random.normal(k4, (BUCKET_SIZE, EMBED_DIM), dtype=jnp.float32) * 0.05
    W = jax.random.normal(k5, (1, 1), dtype=jnp.float32)
    b = jnp.zeros((1,), dtype=jnp.float32)
    return {"f_uid": f_uid, "f_tid": f_tid, "user_table": user_table, "item_table": item_table, "W": W, "b": b}

def reference(f_uid, f_tid, user_table, item_table, W, b):
    # embedding lookups (DenseFeatures with embedding_column -> gather by hashed id)
    yu = jnp.take(user_table, f_uid, axis=0)  # [B, D]
    yt = jnp.take(item_table, f_tid, axis=0)  # [B, D]
    # Dot(axes=(1,1)) -> elementwise product summed over embedding dim
    y_uxt = jnp.sum(yu * yt, axis=1, keepdims=True)  # [B, 1]
    # Dense(1, sigmoid)
    y = jax.nn.sigmoid(y_uxt @ W + b)  # [B, 1]
    return y

if __name__ == "__main__":
    import jax
    _d = setup_inputs()
    print(jax.jit(kernel)(*tuple(_d.values())))

</pallas_src>

<mosaic_0001>
#map = affine_map<(d0, d1) -> (0)>
module attributes {stable_mosaic.version = 14 : i64} {
  func.func @_gather_u_body(%arg0: i32, %arg1: i32, %arg2: memref<16384xi32, #tpu.memory_space<hbm>>, %arg3: memref<1600000xf32, #tpu.memory_space<hbm>>, %arg4: memref<262144xf32, #tpu.memory_space<hbm>>, %arg5: memref<512xi32, #tpu.memory_space<vmem>>, %arg6: memref<8192xi32, #tpu.memory_space<vmem>>, %arg7: memref<8192xf32, #tpu.memory_space<vmem>>, %arg8: memref<!tpu.dma_semaphore, #tpu.memory_space<semaphore_mem>>, %arg9: memref<!tpu.dma_semaphore, #tpu.memory_space<semaphore_mem>>, %arg10: memref<!tpu.dma_semaphore, #tpu.memory_space<semaphore_mem>>, %arg11: memref<!tpu.dma_semaphore, #tpu.memory_space<semaphore_mem>>) attributes {dimension_semantics = [#tpu.dimension_semantics<core_parallel>, #tpu.dimension_semantics<subcore_parallel>], iteration_bounds = array<i64: 2, 16>, scalar_prefetch = 0 : i64, scratch_operands = 7 : i64, tpu.core_type = #tpu.core_type<sc_vector_subcore>, window_params = [{transform_indices = #map}, {transform_indices = #map}, {transform_indices = #map}]} {
    %mul3A = arith.constant 2 : i32
    %mul3A_0 = arith.muli %arg1, %mul3A : i32
    %add3A = arith.addi %mul3A_0, %arg0 : i32
    %mul3A_1 = arith.constant 512 : i32
    %mul3A_2 = arith.muli %add3A, %mul3A_1 : i32
    "tpu.region"() ({
      %run_scoped3A = tpu.sem_alloc : memref<!tpu.dma_semaphore, #tpu.memory_space<semaphore_mem>>
      %dma_start3A_74 = tpu.memref_slice %arg2[%mul3A_2] : memref<16384xi32, #tpu.memory_space<hbm>> -> memref<512xi32, #tpu.memory_space<hbm>>
      %dma_start3A_75 = tpu.memref_slice %arg2[%mul3A_2] : memref<16384xi32, #tpu.memory_space<hbm>> -> memref<512xi32, #tpu.memory_space<hbm>>
      tpu.enqueue_dma source(%dma_start3A_75 : memref<512xi32, #tpu.memory_space<hbm>>) target(%arg5 : memref<512xi32, #tpu.memory_space<vmem>>) target_semaphore(%run_scoped3A : memref<!tpu.dma_semaphore, #tpu.memory_space<semaphore_mem>>)
      %dma_wait3A_76 = tpu.memref_slice %arg2[%mul3A_2] : memref<16384xi32, #tpu.memory_space<hbm>> -> memref<512xi32, #tpu.memory_space<hbm>>
      %dma_wait3A_77 = tpu.memref_slice %arg2[%mul3A_2] : memref<16384xi32, #tpu.memory_space<hbm>> -> memref<512xi32, #tpu.memory_space<hbm>>
      tpu.wait_dma2 semaphore(%run_scoped3A : memref<!tpu.dma_semaphore, #tpu.memory_space<semaphore_mem>>) src(%dma_wait3A_77 : memref<512xi32, #tpu.memory_space<hbm>>) dst(%arg5 : memref<512xi32, #tpu.memory_space<vmem>>)
      tpu.yield
    }) : () -> ()
    %scan3A = arith.constant 0 : i32
    %scan3A_3 = arith.constant 0 : i32
    %scan3A_4 = arith.constant 8 : i32
    %scan3A_5 = arith.addi %scan3A_3, %scan3A_4 : i32
    %scan3A_6 = arith.constant 1 : i32
    scf.for %scan3A_74 = %scan3A_3 to %scan3A_5 step %scan3A_6  : i32 {
      %mul3A_75 = arith.constant 16 : i32
      %mul3A_76 = arith.muli %scan3A_74, %mul3A_75 : i32
      %add3A_77 = arith.constant 0 : i32
      %add3A_78 = arith.addi %add3A_77, %mul3A_76 : i32
      %get3A = arith.index_cast %add3A_78 : i32 to index
      %get3A_79 = tpu.vector_load %arg5[%get3A] {strides = array<i32>} : memref<512xi32, #tpu.memory_space<vmem>>, vector<16xi32>,
      %mul3A_80 = arith.constant 16 : i32
      %mul3A_81 = arith.muli %scan3A_74, %mul3A_80 : i32
      %add3A_82 = arith.constant 0 : i32
      %add3A_83 = arith.addi %add3A_82, %mul3A_81 : i32
      %add3A_84 = arith.constant 0 : i32
      %add3A_85 = vector.broadcast %add3A_84 : i32 to vector<16xi32>
      %add3A_86 = arith.addi %get3A_79, %add3A_85 : vector<16xi32>
      %swap3A = arith.index_cast %add3A_83 : i32 to index
      %swap3A_87 = tpu.vector_load %arg6[%swap3A] {strides = array<i32>} : memref<8192xi32, #tpu.memory_space<vmem>>, vector<16xi32>,
      tpu.vector_store %arg6[%swap3A], %add3A_86 {strides = array<i32>} : memref<8192xi32, #tpu.memory_space<vmem>>, vector<16xi32>,
      %mul3A_88 = arith.constant 16 : i32
      %mul3A_89 = arith.muli %scan3A_74, %mul3A_88 : i32
      %add3A_90 = arith.constant 128 : i32
      %add3A_91 = arith.addi %add3A_90, %mul3A_89 : i32
      %add3A_92 = arith.constant 100000 : i32
      %add3A_93 = vector.broadcast %add3A_92 : i32 to vector<16xi32>
      %add3A_94 = arith.addi %get3A_79, %add3A_93 : vector<16xi32>
      %swap3A_95 = arith.index_cast %add3A_91 : i32 to index
      %swap3A_96 = tpu.vector_load %arg6[%swap3A_95] {strides = array<i32>} : memref<8192xi32, #tpu.memory_space<vmem>>, vector<16xi32>,
      tpu.vector_store %arg6[%swap3A_95], %add3A_94 {strides = array<i32>} : memref<8192xi32, #tpu.memory_space<vmem>>, vector<16xi32>,
      %mul3A_97 = arith.constant 16 : i32
      %mul3A_98 = arith.muli %scan3A_74, %mul3A_97 : i32
      %add3A_99 = arith.constant 256 : i32
      %add3A_100 = arith.addi %add3A_99, %mul3A_98 : i32
      %add3A_101 = arith.constant 200000 : i32
      %add3A_102 = vector.broadcast %add3A_101 : i32 to vector<16xi32>
      %add3A_103 = arith.addi %get3A_79, %add3A_102 : vector<16xi32>
      %swap3A_104 = arith.index_cast %add3A_100 : i32 to index
      %swap3A_105 = tpu.vector_load %arg6[%swap3A_104] {strides = array<i32>} : memref<8192xi32, #tpu.memory_space<vmem>>, vector<16xi32>,
      tpu.vector_store %arg6[%swap3A_104], %add3A_103 {strides = array<i32>} : memref<8192xi32, #tpu.memory_space<vmem>>, vector<16xi32>,
      %mul3A_106 = arith.constant 16 : i32
      %mul3A_107 = arith.muli %scan3A_74, %mul3A_106 : i32
      %add3A_108 = arith.constant 384 : i32
      %add3A_109 = arith.addi %add3A_108, %mul3A_107 : i32
      %add3A_110 = arith.constant 300000 : i32
      %add3A_111 = vector.broadcast %add3A_110 : i32 to vector<16xi32>
      %add3A_112 = arith.addi %get3A_79, %add3A_111 : vector<16xi32>
      %swap3A_113 = arith.index_cast %add3A_109 : i32 to index
      %swap3A_114 = tpu.vector_load %arg6[%swap3A_113] {strides = array<i32>} : memref<8192xi32, #tpu.memory_space<vmem>>, vector<16xi32>,
      tpu.vector_store %arg6[%swap3A_113], %add3A_112 {strides = array<i32>} : memref<8192xi32, #tpu.memory_space<vmem>>, vector<16xi32>,
      %mul3A_115 = arith.constant 16 : i32
      %mul3A_116 = arith.muli %scan3A_74, %mul3A_115 : i32
      %add3A_117 = arith.constant 512 : i32
      %add3A_118 = arith.addi %add3A_117, %mul3A_116 : i32
      %add3A_119 = arith.constant 400000 : i32
      %add3A_120 = vector.broadcast %add3A_119 : i32 to vector<16xi32>
      %add3A_121 = arith.addi %get3A_79, %add3A_120 : vector<16xi32>
      %swap3A_122 = arith.index_cast %add3A_118 : i32 to index
      %swap3A_123 = tpu.vector_load %arg6[%swap3A_122] {strides = array<i32>} : memref<8192xi32, #tpu.memory_space<vmem>>, vector<16xi32>,
      tpu.vector_store %arg6[%swap3A_122], %add3A_121 {strides = array<i32>} : memref<8192xi32, #tpu.memory_space<vmem>>, vector<16xi32>,
      %mul3A_124 = arith.constant 16 : i32
      %mul3A_125 = arith.muli %scan3A_74, %mul3A_124 : i32
      %add3A_126 = arith.constant 640 : i32
      %add3A_127 = arith.addi %add3A_126, %mul3A_125 : i32
      %add3A_128 = arith.constant 500000 : i32
      %add3A_129 = vector.broadcast %add3A_128 : i32 to vector<16xi32>
      %add3A_130 = arith.addi %get3A_79, %add3A_129 : vector<16xi32>
      %swap3A_131 = arith.index_cast %add3A_127 : i32 to index
      %swap3A_132 = tpu.vector_load %arg6[%swap3A_131] {strides = array<i32>} : memref<8192xi32, #tpu.memory_space<vmem>>, vector<16xi32>,
      tpu.vector_store %arg6[%swap3A_131], %add3A_130 {strides = array<i32>} : memref<8192xi32, #tpu.memory_space<vmem>>, vector<16xi32>,
      %mul3A_133 = arith.constant 16 : i32
      %mul3A_134 = arith.muli %scan3A_74, %mul3A_133 : i32
      %add3A_135 = arith.constant 768 : i32
      %add3A_136 = arith.addi %add3A_135, %mul3A_134 : i32
      %add3A_137 = arith.constant 600000 : i32
      %add3A_138 = vector.broadcast %add3A_137 : i32 to vector<16xi32>
      %add3A_139 = arith.addi %get3A_79, %add3A_138 : vector<16xi32>
      %swap3A_140 = arith.index_cast %add3A_136 : i32 to index
      %swap3A_141 = tpu.vector_load %arg6[%swap3A_140] {strides = array<i32>} : memref<8192xi32, #tpu.memory_space<vmem>>, vector<16xi32>,
      tpu.vector_store %arg6[%swap3A_140], %add3A_139 {strides = array<i32>} : memref<8192xi32, #tpu.memory_space<vmem>>, vector<16xi32>,
      %mul3A_142 = arith.constant 16 : i32
      %mul3A_143 = arith.muli %scan3A_74, %mul3A_142 : i32
      %add3A_144 = arith.constant 896 : i32
      %add3A_145 = arith.addi %add3A_144, %mul3A_143 : i32
      %add3A_146 = arith.constant 700000 : i32
      %add3A_147 = vector.broadcast %add3A_146 : i32 to vector<16xi32>
      %add3A_148 = arith.addi %get3A_79, %add3A_147 : vector<16xi32>
      %swap3A_149 = arith.index_cast %add3A_145 : i32 to index
      %swap3A_150 = tpu.vector_load %arg6[%swap3A_149] {strides = array<i32>} : memref<8192xi32, #tpu.memory_space<vmem>>, vector<16xi32>,
      tpu.vector_store %arg6[%swap3A_149], %add3A_148 {strides = array<i32>} : memref<8192xi32, #tpu.memory_space<vmem>>, vector<16xi32>,
      %mul3A_151 = arith.constant 16 : i32
      %mul3A_152 = arith.muli %scan3A_74, %mul3A_151 : i32
      %add3A_153 = arith.constant 1024 : i32
      %add3A_154 = arith.addi %add3A_153, %mul3A_152 : i32
      %add3A_155 = arith.constant 800000 : i32
      %add3A_156 = vector.broadcast %add3A_155 : i32 to vector<16xi32>
      %add3A_157 = arith.addi %get3A_79, %add3A_156 : vector<16xi32>
      %swap3A_158 = arith.index_cast %add3A_154 : i32 to index
      %swap3A_159 = tpu.vector_load %arg6[%swap3A_158] {strides = array<i32>} : memref<8192xi32, #tpu.memory_space<vmem>>, vector<16xi32>,
      tpu.vector_store %arg6[%swap3A_158], %add3A_157 {strides = array<i32>} : memref<8192xi32, #tpu.memory_space<vmem>>, vector<16xi32>,
      %mul3A_160 = arith.constant 16 : i32
      %mul3A_161 = arith.muli %scan3A_74, %mul3A_160 : i32
      %add3A_162 = arith.constant 1152 : i32
      %add3A_163 = arith.addi %add3A_162, %mul3A_161 : i32
      %add3A_164 = arith.constant 900000 : i32
      %add3A_165 = vector.broadcast %add3A_164 : i32 to vector<16xi32>
      %add3A_166 = arith.addi %get3A_79, %add3A_165 : vector<16xi32>
      %swap3A_167 = arith.index_cast %add3A_163 : i32 to index
      %swap3A_168 = tpu.vector_load %arg6[%swap3A_167] {strides = array<i32>} : memref<8192xi32, #tpu.memory_space<vmem>>, vector<16xi32>,
      tpu.vector_store %arg6[%swap3A_167], %add3A_166 {strides = array<i32>} : memref<8192xi32, #tpu.memory_space<vmem>>, vector<16xi32>,
      %mul3A_169 = arith.constant 16 : i32
      %mul3A_170 = arith.muli %scan3A_74, %mul3A_169 : i32
      %add3A_171 = arith.constant 1280 : i32
      %add3A_172 = arith.addi %add3A_171, %mul3A_170 : i32
      %add3A_173 = arith.constant 1000000 : i32
      %add3A_174 = vector.broadcast %add3A_173 : i32 to vector<16xi32>
      %add3A_175 = arith.addi %get3A_79, %add3A_174 : vector<16xi32>
      %swap3A_176 = arith.index_cast %add3A_172 : i32 to index
      %swap3A_177 = tpu.vector_load %arg6[%swap3A_176] {strides = array<i32>} : memref<8192xi32, #tpu.memory_space<vmem>>, vector<16xi32>,
      tpu.vector_store %arg6[%swap3A_176], %add3A_175 {strides = array<i32>} : memref<8192xi32, #tpu.memory_space<vmem>>, vector<16xi32>,
      %mul3A_178 = arith.constant 16 : i32
      %mul3A_179 = arith.muli %scan3A_74, %mul3A_178 : i32
      %add3A_180 = arith.constant 1408 : i32
      %add3A_181 = arith.addi %add3A_180, %mul3A_179 : i32
      %add3A_182 = arith.constant 1100000 : i32
      %add3A_183 = vector.broadcast %add3A_182 : i32 to vector<16xi32>
      %add3A_184 = arith.addi %get3A_79, %add3A_183 : vector<16xi32>
      %swap3A_185 = arith.index_cast %add3A_181 : i32 to index
      %swap3A_186 = tpu.vector_load %arg6[%swap3A_185] {strides = array<i32>} : memref<8192xi32, #tpu.memory_space<vmem>>, vector<16xi32>,
      tpu.vector_store %arg6[%swap3A_185], %add3A_184 {strides = array<i32>} : memref<8192xi32, #tpu.memory_space<vmem>>, vector<16xi32>,
      %mul3A_187 = arith.constant 16 : i32
      %mul3A_188 = arith.muli %scan3A_74, %mul3A_187 : i32
      %add3A_189 = arith.constant 1536 : i32
      %add3A_190 = arith.addi %add3A_189, %mul3A_188 : i32
      %add3A_191 = arith.constant 1200000 : i32
      %add3A_192 = vector.broadcast %add3A_191 : i32 to vector<16xi32>
      %add3A_193 = arith.addi %get3A_79, %add3A_192 : vector<16xi32>
      %swap3A_194 = arith.index_cast %add3A_190 : i32 to index
      %swap3A_195 = tpu.vector_load %arg6[%swap3A_194] {strides = array<i32>} : memref<8192xi32, #tpu.memory_space<vmem>>, vector<16xi32>,
      tpu.vector_store %arg6[%swap3A_194], %add3A_193 {strides = array<i32>} : memref<8192xi32, #tpu.memory_space<vmem>>, vector<16xi32>,
      %mul3A_196 = arith.constant 16 : i32
      %mul3A_197 = arith.muli %scan3A_74, %mul3A_196 : i32
      %add3A_198 = arith.constant 1664 : i32
      %add3A_199 = arith.addi %add3A_198, %mul3A_197 : i32
      %add3A_200 = arith.constant 1300000 : i32
      %add3A_201 = vector.broadcast %add3A_200 : i32 to vector<16xi32>
      %add3A_202 = arith.addi %get3A_79, %add3A_201 : vector<16xi32>
      %swap3A_203 = arith.index_cast %add3A_199 : i32 to index
      %swap3A_204 = tpu.vector_load %arg6[%swap3A_203] {strides = array<i32>} : memref<8192xi32, #tpu.memory_space<vmem>>, vector<16xi32>,
      tpu.vector_store %arg6[%swap3A_203], %add3A_202 {strides = array<i32>} : memref<8192xi32, #tpu.memory_space<vmem>>, vector<16xi32>,
      %mul3A_205 = arith.constant 16 : i32
      %mul3A_206 = arith.muli %scan3A_74, %mul3A_205 : i32
      %add3A_207 = arith.constant 1792 : i32
      %add3A_208 = arith.addi %add3A_207, %mul3A_206 : i32
      %add3A_209 = arith.constant 1400000 : i32
      %add3A_210 = vector.broadcast %add3A_209 : i32 to vector<16xi32>
      %add3A_211 = arith.addi %get3A_79, %add3A_210 : vector<16xi32>
      %swap3A_212 = arith.index_cast %add3A_208 : i32 to index
      %swap3A_213 = tpu.vector_load %arg6[%swap3A_212] {strides = array<i32>} : memref<8192xi32, #tpu.memory_space<vmem>>, vector<16xi32>,
      tpu.vector_store %arg6[%swap3A_212], %add3A_211 {strides = array<i32>} : memref<8192xi32, #tpu.memory_space<vmem>>, vector<16xi32>,
      %mul3A_214 = arith.constant 16 : i32
      %mul3A_215 = arith.muli %scan3A_74, %mul3A_214 : i32
      %add3A_216 = arith.constant 1920 : i32
      %add3A_217 = arith.addi %add3A_216, %mul3A_215 : i32
      %add3A_218 = arith.constant 1500000 : i32
      %add3A_219 = vector.broadcast %add3A_218 : i32 to vector<16xi32>
      %add3A_220 = arith.addi %get3A_79, %add3A_219 : vector<16xi32>
      %swap3A_221 = arith.index_cast %add3A_217 : i32 to index
      %swap3A_222 = tpu.vector_load %arg6[%swap3A_221] {strides = array<i32>} : memref<8192xi32, #tpu.memory_space<vmem>>, vector<16xi32>,
      tpu.vector_store %arg6[%swap3A_221], %add3A_220 {strides = array<i32>} : memref<8192xi32, #tpu.memory_space<vmem>>, vector<16xi32>,
    }
    %scan3A_7 = arith.constant 8 : i32
    %dma_start3A = arith.constant 0 : i32
    %dma_start3A_8 = tpu.memref_slice %arg7[%dma_start3A] : memref<8192xf32, #tpu.memory_space<vmem>> -> memref<2048xf32, #tpu.memory_space<vmem>>
    %dma_start3A_9 = arith.constant 0 : i32
    %dma_start3A_10 = tpu.memref_slice %arg6[%dma_start3A_9] : memref<8192xi32, #tpu.memory_space<vmem>> -> memref<2048xi32, #tpu.memory_space<vmem>>
    %dma_start3A_11 = arith.constant 0 : i32
    %dma_start3A_12 = tpu.memref_slice %arg3[%dma_start3A_11] : memref<1600000xf32, #tpu.memory_space<hbm>> -> memref<1600000xf32, #tpu.memory_space<hbm>>
    tpu.enqueue_indirect_dma source(%dma_start3A_12 : memref<1600000xf32, #tpu.memory_space<hbm>>) target(%dma_start3A_8 : memref<2048xf32, #tpu.memory_space<vmem>>) offsets(%dma_start3A_10 : memref<2048xi32, #tpu.memory_space<vmem>>) semaphore(%arg8 : memref<!tpu.dma_semaphore, #tpu.memory_space<semaphore_mem>>)
    %scan3A_13 = arith.constant 0 : i32
    %scan3A_14 = arith.constant 0 : i32
    %scan3A_15 = arith.constant 8 : i32
    %scan3A_16 = arith.addi %scan3A_14, %scan3A_15 : i32
    %scan3A_17 = arith.constant 1 : i32
    scf.for %scan3A_74 = %scan3A_14 to %scan3A_16 step %scan3A_17  : i32 {
      %mul3A_75 = arith.constant 16 : i32
      %mul3A_76 = arith.muli %scan3A_74, %mul3A_75 : i32
      %add3A_77 = arith.constant 128 : i32
      %add3A_78 = arith.addi %add3A_77, %mul3A_76 : i32
      %get3A = arith.index_cast %add3A_78 : i32 to index
      %get3A_79 = tpu.vector_load %arg5[%get3A] {strides = array<i32>} : memref<512xi32, #tpu.memory_space<vmem>>, vector<16xi32>,
      %mul3A_80 = arith.constant 16 : i32
      %mul3A_81 = arith.muli %scan3A_74, %mul3A_80 : i32
      %add3A_82 = arith.constant 2048 : i32
      %add3A_83 = arith.addi %add3A_82, %mul3A_81 : i32
      %add3A_84 = arith.constant 0 : i32
      %add3A_85 = vector.broadcast %add3A_84 : i32 to vector<16xi32>
      %add3A_86 = arith.addi %get3A_79, %add3A_85 : vector<16xi32>
      %swap3A = arith.index_cast %add3A_83 : i32 to index
      %swap3A_87 = tpu.vector_load %arg6[%swap3A] {strides = array<i32>} : memref<8192xi32, #tpu.memory_space<vmem>>, vector<16xi32>,
      tpu.vector_store %arg6[%swap3A], %add3A_86 {strides = array<i32>} : memref<8192xi32, #tpu.memory_space<vmem>>, vector<16xi32>,
      %mul3A_88 = arith.constant 16 : i32
      %mul3A_89 = arith.muli %scan3A_74, %mul3A_88 : i32
      %add3A_90 = arith.constant 2176 : i32
      %add3A_91 = arith.addi %add3A_90, %mul3A_89 : i32
      %add3A_92 = arith.constant 100000 : i32
      %add3A_93 = vector.broadcast %add3A_92 : i32 to vector<16xi32>
      %add3A_94 = arith.addi %get3A_79, %add3A_93 : vector<16xi32>
      %swap3A_95 = arith.index_cast %add3A_91 : i32 to index
      %swap3A_96 = tpu.vector_load %arg6[%swap3A_95] {strides = array<i32>} : memref<8192xi32, #tpu.memory_space<vmem>>, vector<16xi32>,
      tpu.vector_store %arg6[%swap3A_95], %add3A_94 {strides = array<i32>} : memref<8192xi32, #tpu.memory_space<vmem>>, vector<16xi32>,
      %mul3A_97 = arith.constant 16 : i32
      %mul3A_98 = arith.muli %scan3A_74, %mul3A_97 : i32
      %add3A_99 = arith.constant 2304 : i32
      %add3A_100 = arith.addi %add3A_99, %mul3A_98 : i32
      %add3A_101 = arith.constant 200000 : i32
      %add3A_102 = vector.broadcast %add3A_101 : i32 to vector<16xi32>
      %add3A_103 = arith.addi %get3A_79, %add3A_102 : vector<16xi32>
      %swap3A_104 = arith.index_cast %add3A_100 : i32 to index
      %swap3A_105 = tpu.vector_load %arg6[%swap3A_104] {strides = array<i32>} : memref<8192xi32, #tpu.memory_space<vmem>>, vector<16xi32>,
      tpu.vector_store %arg6[%swap3A_104], %add3A_103 {strides = array<i32>} : memref<8192xi32, #tpu.memory_space<vmem>>, vector<16xi32>,
      %mul3A_106 = arith.constant 16 : i32
      %mul3A_107 = arith.muli %scan3A_74, %mul3A_106 : i32
      %add3A_108 = arith.constant 2432 : i32
      %add3A_109 = arith.addi %add3A_108, %mul3A_107 : i32
      %add3A_110 = arith.constant 300000 : i32
      %add3A_111 = vector.broadcast %add3A_110 : i32 to vector<16xi32>
      %add3A_112 = arith.addi %get3A_79, %add3A_111 : vector<16xi32>
      %swap3A_113 = arith.index_cast %add3A_109 : i32 to index
      %swap3A_114 = tpu.vector_load %arg6[%swap3A_113] {strides = array<i32>} : memref<8192xi32, #tpu.memory_space<vmem>>, vector<16xi32>,
      tpu.vector_store %arg6[%swap3A_113], %add3A_112 {strides = array<i32>} : memref<8192xi32, #tpu.memory_space<vmem>>, vector<16xi32>,
      %mul3A_115 = arith.constant 16 : i32
      %mul3A_116 = arith.muli %scan3A_74, %mul3A_115 : i32
      %add3A_117 = arith.constant 2560 : i32
      %add3A_118 = arith.addi %add3A_117, %mul3A_116 : i32
      %add3A_119 = arith.constant 400000 : i32
      %add3A_120 = vector.broadcast %add3A_119 : i32 to vector<16xi32>
      %add3A_121 = arith.addi %get3A_79, %add3A_120 : vector<16xi32>
      %swap3A_122 = arith.index_cast %add3A_118 : i32 to index
      %swap3A_123 = tpu.vector_load %arg6[%swap3A_122] {strides = array<i32>} : memref<8192xi32, #tpu.memory_space<vmem>>, vector<16xi32>,
      tpu.vector_store %arg6[%swap3A_122], %add3A_121 {strides = array<i32>} : memref<8192xi32, #tpu.memory_space<vmem>>, vector<16xi32>,
      %mul3A_124 = arith.constant 16 : i32
      %mul3A_125 = arith.muli %scan3A_74, %mul3A_124 : i32
      %add3A_126 = arith.constant 2688 : i32
      %add3A_127 = arith.addi %add3A_126, %mul3A_125 : i32
      %add3A_128 = arith.constant 500000 : i32
      %add3A_129 = vector.broadcast %add3A_128 : i32 to vector<16xi32>
      %add3A_130 = arith.addi %get3A_79, %add3A_129 : vector<16xi32>
      %swap3A_131 = arith.index_cast %add3A_127 : i32 to index
      %swap3A_132 = tpu.vector_load %arg6[%swap3A_131] {strides = array<i32>} : memref<8192xi32, #tpu.memory_space<vmem>>, vector<16xi32>,
      tpu.vector_store %arg6[%swap3A_131], %add3A_130 {strides = array<i32>} : memref<8192xi32, #tpu.memory_space<vmem>>, vector<16xi32>,
      %mul3A_133 = arith.constant 16 : i32
      %mul3A_134 = arith.muli %scan3A_74, %mul3A_133 : i32
      %add3A_135 = arith.constant 2816 : i32
      %add3A_136 = arith.addi %add3A_135, %mul3A_134 : i32
      %add3A_137 = arith.constant 600000 : i32
      %add3A_138 = vector.broadcast %add3A_137 : i32 to vector<16xi32>
      %add3A_139 = arith.addi %get3A_79, %add3A_138 : vector<16xi32>
      %swap3A_140 = arith.index_cast %add3A_136 : i32 to index
      %swap3A_141 = tpu.vector_load %arg6[%swap3A_140] {strides = array<i32>} : memref<8192xi32, #tpu.memory_space<vmem>>, vector<16xi32>,
      tpu.vector_store %arg6[%swap3A_140], %add3A_139 {strides = array<i32>} : memref<8192xi32, #tpu.memory_space<vmem>>, vector<16xi32>,
      %mul3A_142 = arith.constant 16 : i32
      %mul3A_143 = arith.muli %scan3A_74, %mul3A_142 : i32
      %add3A_144 = arith.constant 2944 : i32
      %add3A_145 = arith.addi %add3A_144, %mul3A_143 : i32
      %add3A_146 = arith.constant 700000 : i32
      %add3A_147 = vector.broadcast %add3A_146 : i32 to vector<16xi32>
      %add3A_148 = arith.addi %get3A_79, %add3A_147 : vector<16xi32>
      %swap3A_149 = arith.index_cast %add3A_145 : i32 to index
      %swap3A_150 = tpu.vector_load %arg6[%swap3A_149] {strides = array<i32>} : memref<8192xi32, #tpu.memory_space<vmem>>, vector<16xi32>,
      tpu.vector_store %arg6[%swap3A_149], %add3A_148 {strides = array<i32>} : memref<8192xi32, #tpu.memory_space<vmem>>, vector<16xi32>,
      %mul3A_151 = arith.constant 16 : i32
      %mul3A_152 = arith.muli %scan3A_74, %mul3A_151 : i32
      %add3A_153 = arith.constant 3072 : i32
      %add3A_154 = arith.addi %add3A_153, %mul3A_152 : i32
      %add3A_155 = arith.constant 800000 : i32
      %add3A_156 = vector.broadcast %add3A_155 : i32 to vector<16xi32>
      %add3A_157 = arith.addi %get3A_79, %add3A_156 : vector<16xi32>
      %swap3A_158 = arith.index_cast %add3A_154 : i32 to index
      %swap3A_159 = tpu.vector_load %arg6[%swap3A_158] {strides = array<i32>} : memref<8192xi32, #tpu.memory_space<vmem>>, vector<16xi32>,
      tpu.vector_store %arg6[%swap3A_158], %add3A_157 {strides = array<i32>} : memref<8192xi32, #tpu.memory_space<vmem>>, vector<16xi32>,
      %mul3A_160 = arith.constant 16 : i32
      %mul3A_161 = arith.muli %scan3A_74, %mul3A_160 : i32
      %add3A_162 = arith.constant 3200 : i32
      %add3A_163 = arith.addi %add3A_162, %mul3A_161 : i32
      %add3A_164 = arith.constant 900000 : i32
      %add3A_165 = vector.broadcast %add3A_164 : i32 to vector<16xi32>
      %add3A_166 = arith.addi %get3A_79, %add3A_165 : vector<16xi32>
      %swap3A_167 = arith.index_cast %add3A_163 : i32 to index
      %swap3A_168 = tpu.vector_load %arg6[%swap3A_167] {strides = array<i32>} : memref<8192xi32, #tpu.memory_space<vmem>>, vector<16xi32>,
      tpu.vector_store %arg6[%swap3A_167], %add3A_166 {strides = array<i32>} : memref<8192xi32, #tpu.memory_space<vmem>>, vector<16xi32>,
      %mul3A_169 = arith.constant 16 : i32
      %mul3A_170 = arith.muli %scan3A_74, %mul3A_169 : i32
      %add3A_171 = arith.constant 3328 : i32
      %add3A_172 = arith.addi %add3A_171, %mul3A_170 : i32
      %add3A_173 = arith.constant 1000000 : i32
      %add3A_174 = vector.broadcast %add3A_173 : i32 to vector<16xi32>
      %add3A_175 = arith.addi %get3A_79, %add3A_174 : vector<16xi32>
      %swap3A_176 = arith.index_cast %add3A_172 : i32 to index
      %swap3A_177 = tpu.vector_load %arg6[%swap3A_176] {strides = array<i32>} : memref<8192xi32, #tpu.memory_space<vmem>>, vector<16xi32>,
      tpu.vector_store %arg6[%swap3A_176], %add3A_175 {strides = array<i32>} : memref<8192xi32, #tpu.memory_space<vmem>>, vector<16xi32>,
      %mul3A_178 = arith.constant 16 : i32
      %mul3A_179 = arith.muli %scan3A_74, %mul3A_178 : i32
      %add3A_180 = arith.constant 3456 : i32
      %add3A_181 = arith.addi %add3A_180, %mul3A_179 : i32
      %add3A_182 = arith.constant 1100000 : i32
      %add3A_183 = vector.broadcast %add3A_182 : i32 to vector<16xi32>
      %add3A_184 = arith.addi %get3A_79, %add3A_183 : vector<16xi32>
      %swap3A_185 = arith.index_cast %add3A_181 : i32 to index
      %swap3A_186 = tpu.vector_load %arg6[%swap3A_185] {strides = array<i32>} : memref<8192xi32, #tpu.memory_space<vmem>>, vector<16xi32>,
      tpu.vector_store %arg6[%swap3A_185], %add3A_184 {strides = array<i32>} : memref<8192xi32, #tpu.memory_space<vmem>>, vector<16xi32>,
      %mul3A_187 = arith.constant 16 : i32
      %mul3A_188 = arith.muli %scan3A_74, %mul3A_187 : i32
      %add3A_189 = arith.constant 3584 : i32
      %add3A_190 = arith.addi %add3A_189, %mul3A_188 : i32
      %add3A_191 = arith.constant 1200000 : i32
      %add3A_192 = vector.broadcast %add3A_191 : i32 to vector<16xi32>
      %add3A_193 = arith.addi %get3A_79, %add3A_192 : vector<16xi32>
      %swap3A_194 = arith.index_cast %add3A_190 : i32 to index
      %swap3A_195 = tpu.vector_load %arg6[%swap3A_194] {strides = array<i32>} : memref<8192xi32, #tpu.memory_space<vmem>>, vector<16xi32>,
      tpu.vector_store %arg6[%swap3A_194], %add3A_193 {strides = array<i32>} : memref<8192xi32, #tpu.memory_space<vmem>>, vector<16xi32>,
      %mul3A_196 = arith.constant 16 : i32
      %mul3A_197 = arith.muli %scan3A_74, %mul3A_196 : i32
      %add3A_198 = arith.constant 3712 : i32
      %add3A_199 = arith.addi %add3A_198, %mul3A_197 : i32
      %add3A_200 = arith.constant 1300000 : i32
      %add3A_201 = vector.broadcast %add3A_200 : i32 to vector<16xi32>
      %add3A_202 = arith.addi %get3A_79, %add3A_201 : vector<16xi32>
      %swap3A_203 = arith.index_cast %add3A_199 : i32 to index
      %swap3A_204 = tpu.vector_load %arg6[%swap3A_203] {strides = array<i32>} : memref<8192xi32, #tpu.memory_space<vmem>>, vector<16xi32>,
      tpu.vector_store %arg6[%swap3A_203], %add3A_202 {strides = array<i32>} : memref<8192xi32, #tpu.memory_space<vmem>>, vector<16xi32>,
      %mul3A_205 = arith.constant 16 : i32
      %mul3A_206 = arith.muli %scan3A_74, %mul3A_205 : i32
      %add3A_207 = arith.constant 3840 : i32
      %add3A_208 = arith.addi %add3A_207, %mul3A_206 : i32
      %add3A_209 = arith.constant 1400000 : i32
      %add3A_210 = vector.broadcast %add3A_209 : i32 to vector<16xi32>
      %add3A_211 = arith.addi %get3A_79, %add3A_210 : vector<16xi32>
      %swap3A_212 = arith.index_cast %add3A_208 : i32 to index
      %swap3A_213 = tpu.vector_load %arg6[%swap3A_212] {strides = array<i32>} : memref<8192xi32, #tpu.memory_space<vmem>>, vector<16xi32>,
      tpu.vector_store %arg6[%swap3A_212], %add3A_211 {strides = array<i32>} : memref<8192xi32, #tpu.memory_space<vmem>>, vector<16xi32>,
      %mul3A_214 = arith.constant 16 : i32
      %mul3A_215 = arith.muli %scan3A_74, %mul3A_214 : i32
      %add3A_216 = arith.constant 3968 : i32
      %add3A_217 = arith.addi %add3A_216, %mul3A_215 : i32
      %add3A_218 = arith.constant 1500000 : i32
      %add3A_219 = vector.broadcast %add3A_218 : i32 to vector<16xi32>
      %add3A_220 = arith.addi %get3A_79, %add3A_219 : vector<16xi32>
      %swap3A_221 = arith.index_cast %add3A_217 : i32 to index
      %swap3A_222 = tpu.vector_load %arg6[%swap3A_221] {strides = array<i32>} : memref<8192xi32, #tpu.memory_space<vmem>>, vector<16xi32>,
      tpu.vector_store %arg6[%swap3A_221], %add3A_220 {strides = array<i32>} : memref<8192xi32, #tpu.memory_space<vmem>>, vector<16xi32>,
    }
    %scan3A_18 = arith.constant 8 : i32
    %dma_start3A_19 = arith.constant 2048 : i32
    %dma_start3A_20 = tpu.memref_slice %arg7[%dma_start3A_19] : memref<8192xf32, #tpu.memory_space<vmem>> -> memref<2048xf32, #tpu.memory_space<vmem>>
    %dma_start3A_21 = arith.constant 2048 : i32
    %dma_start3A_22 = tpu.memref_slice %arg6[%dma_start3A_21] : memref<8192xi32, #tpu.memory_space<vmem>> -> memref<2048xi32, #tpu.memory_space<vmem>>
    %dma_start3A_23 = arith.constant 0 : i32
    %dma_start3A_24 = tpu.memref_slice %arg3[%dma_start3A_23] : memref<1600000xf32, #tpu.memory_space<hbm>> -> memref<1600000xf32, #tpu.memory_space<hbm>>
    tpu.enqueue_indirect_dma source(%dma_start3A_24 : memref<1600000xf32, #tpu.memory_space<hbm>>) target(%dma_start3A_20 : memref<2048xf32, #tpu.memory_space<vmem>>) offsets(%dma_start3A_22 : memref<2048xi32, #tpu.memory_space<vmem>>) semaphore(%arg9 : memref<!tpu.dma_semaphore, #tpu.memory_space<semaphore_mem>>)
    %scan3A_25 = arith.constant 0 : i32
    %scan3A_26 = arith.constant 0 : i32
    %scan3A_27 = arith.constant 8 : i32
    %scan3A_28 = arith.addi %scan3A_26, %scan3A_27 : i32
    %scan3A_29 = arith.constant 1 : i32
    scf.for %scan3A_74 = %scan3A_26 to %scan3A_28 step %scan3A_29  : i32 {
      %mul3A_75 = arith.constant 16 : i32
      %mul3A_76 = arith.muli %scan3A_74, %mul3A_75 : i32
      %add3A_77 = arith.constant 256 : i32
      %add3A_78 = arith.addi %add3A_77, %mul3A_76 : i32
      %get3A = arith.index_cast %add3A_78 : i32 to index
      %get3A_79 = tpu.vector_load %arg5[%get3A] {strides = array<i32>} : memref<512xi32, #tpu.memory_space<vmem>>, vector<16xi32>,
      %mul3A_80 = arith.constant 16 : i32
      %mul3A_81 = arith.muli %scan3A_74, %mul3A_80 : i32
      %add3A_82 = arith.constant 4096 : i32
      %add3A_83 = arith.addi %add3A_82, %mul3A_81 : i32
      %add3A_84 = arith.constant 0 : i32
      %add3A_85 = vector.broadcast %add3A_84 : i32 to vector<16xi32>
      %add3A_86 = arith.addi %get3A_79, %add3A_85 : vector<16xi32>
      %swap3A = arith.index_cast %add3A_83 : i32 to index
      %swap3A_87 = tpu.vector_load %arg6[%swap3A] {strides = array<i32>} : memref<8192xi32, #tpu.memory_space<vmem>>, vector<16xi32>,
      tpu.vector_store %arg6[%swap3A], %add3A_86 {strides = array<i32>} : memref<8192xi32, #tpu.memory_space<vmem>>, vector<16xi32>,
      %mul3A_88 = arith.constant 16 : i32
      %mul3A_89 = arith.muli %scan3A_74, %mul3A_88 : i32
      %add3A_90 = arith.constant 4224 : i32
      %add3A_91 = arith.addi %add3A_90, %mul3A_89 : i32
      %add3A_92 = arith.constant 100000 : i32
      %add3A_93 = vector.broadcast %add3A_92 : i32 to vector<16xi32>
      %add3A_94 = arith.addi %get3A_79, %add3A_93 : vector<16xi32>
      %swap3A_95 = arith.index_cast %add3A_91 : i32 to index
      %swap3A_96 = tpu.vector_load %arg6[%swap3A_95] {strides = array<i32>} : memref<8192xi32, #tpu.memory_space<vmem>>, vector<16xi32>,
      tpu.vector_store %arg6[%swap3A_95], %add3A_94 {strides = array<i32>} : memref<8192xi32, #tpu.memory_space<vmem>>, vector<16xi32>,
      %mul3A_97 = arith.constant 16 : i32
      %mul3A_98 = arith.muli %scan3A_74, %mul3A_97 : i32
      %add3A_99 = arith.constant 4352 : i32
      %add3A_100 = arith.addi %add3A_99, %mul3A_98 : i32
      %add3A_101 = arith.constant 200000 : i32
      %add3A_102 = vector.broadcast %add3A_101 : i32 to vector<16xi32>
      %add3A_103 = arith.addi %get3A_79, %add3A_102 : vector<16xi32>
      %swap3A_104 = arith.index_cast %add3A_100 : i32 to index
      %swap3A_105 = tpu.vector_load %arg6[%swap3A_104] {strides = array<i32>} : memref<8192xi32, #tpu.memory_space<vmem>>, vector<16xi32>,
      tpu.vector_store %arg6[%swap3A_104], %add3A_103 {strides = array<i32>} : memref<8192xi32, #tpu.memory_space<vmem>>, vector<16xi32>,
      %mul3A_106 = arith.constant 16 : i32
      %mul3A_107 = arith.muli %scan3A_74, %mul3A_106 : i32
      %add3A_108 = arith.constant 4480 : i32
      %add3A_109 = arith.addi %add3A_108, %mul3A_107 : i32
      %add3A_110 = arith.constant 300000 : i32
      %add3A_111 = vector.broadcast %add3A_110 : i32 to vector<16xi32>
      %add3A_112 = arith.addi %get3A_79, %add3A_111 : vector<16xi32>
      %swap3A_113 = arith.index_cast %add3A_109 : i32 to index
      %swap3A_114 = tpu.vector_load %arg6[%swap3A_113] {strides = array<i32>} : memref<8192xi32, #tpu.memory_space<vmem>>, vector<16xi32>,
      tpu.vector_store %arg6[%swap3A_113], %add3A_112 {strides = array<i32>} : memref<8192xi32, #tpu.memory_space<vmem>>, vector<16xi32>,
      %mul3A_115 = arith.constant 16 : i32
      %mul3A_116 = arith.muli %scan3A_74, %mul3A_115 : i32
      %add3A_117 = arith.constant 4608 : i32
      %add3A_118 = arith.addi %add3A_117, %mul3A_116 : i32
      %add3A_119 = arith.constant 400000 : i32
      %add3A_120 = vector.broadcast %add3A_119 : i32 to vector<16xi32>
      %add3A_121 = arith.addi %get3A_79, %add3A_120 : vector<16xi32>
      %swap3A_122 = arith.index_cast %add3A_118 : i32 to index
      %swap3A_123 = tpu.vector_load %arg6[%swap3A_122] {strides = array<i32>} : memref<8192xi32, #tpu.memory_space<vmem>>, vector<16xi32>,
      tpu.vector_store %arg6[%swap3A_122], %add3A_121 {strides = array<i32>} : memref<8192xi32, #tpu.memory_space<vmem>>, vector<16xi32>,
      %mul3A_124 = arith.constant 16 : i32
      %mul3A_125 = arith.muli %scan3A_74, %mul3A_124 : i32
      %add3A_126 = arith.constant 4736 : i32
      %add3A_127 = arith.addi %add3A_126, %mul3A_125 : i32
      %add3A_128 = arith.constant 500000 : i32
      %add3A_129 = vector.broadcast %add3A_128 : i32 to vector<16xi32>
      %add3A_130 = arith.addi %get3A_79, %add3A_129 : vector<16xi32>
      %swap3A_131 = arith.index_cast %add3A_127 : i32 to index
      %swap3A_132 = tpu.vector_load %arg6[%swap3A_131] {strides = array<i32>} : memref<8192xi32, #tpu.memory_space<vmem>>, vector<16xi32>,
      tpu.vector_store %arg6[%swap3A_131], %add3A_130 {strides = array<i32>} : memref<8192xi32, #tpu.memory_space<vmem>>, vector<16xi32>,
      %mul3A_133 = arith.constant 16 : i32
      %mul3A_134 = arith.muli %scan3A_74, %mul3A_133 : i32
      %add3A_135 = arith.constant 4864 : i32
      %add3A_136 = arith.addi %add3A_135, %mul3A_134 : i32
      %add3A_137 = arith.constant 600000 : i32
      %add3A_138 = vector.broadcast %add3A_137 : i32 to vector<16xi32>
      %add3A_139 = arith.addi %get3A_79, %add3A_138 : vector<16xi32>
      %swap3A_140 = arith.index_cast %add3A_136 : i32 to index
      %swap3A_141 = tpu.vector_load %arg6[%swap3A_140] {strides = array<i32>} : memref<8192xi32, #tpu.memory_space<vmem>>, vector<16xi32>,
      tpu.vector_store %arg6[%swap3A_140], %add3A_139 {strides = array<i32>} : memref<8192xi32, #tpu.memory_space<vmem>>, vector<16xi32>,
      %mul3A_142 = arith.constant 16 : i32
      %mul3A_143 = arith.muli %scan3A_74, %mul3A_142 : i32
      %add3A_144 = arith.constant 4992 : i32
      %add3A_145 = arith.addi %add3A_144, %mul3A_143 : i32
      %add3A_146 = arith.constant 700000 : i32
      %add3A_147 = vector.broadcast %add3A_146 : i32 to vector<16xi32>
      %add3A_148 = arith.addi %get3A_79, %add3A_147 : vector<16xi32>
      %swap3A_149 = arith.index_cast %add3A_145 : i32 to index
      %swap3A_150 = tpu.vector_load %arg6[%swap3A_149] {strides = array<i32>} : memref<8192xi32, #tpu.memory_space<vmem>>, vector<16xi32>,
      tpu.vector_store %arg6[%swap3A_149], %add3A_148 {strides = array<i32>} : memref<8192xi32, #tpu.memory_space<vmem>>, vector<16xi32>,
      %mul3A_151 = arith.constant 16 : i32
      %mul3A_152 = arith.muli %scan3A_74, %mul3A_151 : i32
      %add3A_153 = arith.constant 5120 : i32
      %add3A_154 = arith.addi %add3A_153, %mul3A_152 : i32
      %add3A_155 = arith.constant 800000 : i32
      %add3A_156 = vector.broadcast %add3A_155 : i32 to vector<16xi32>
      %add3A_157 = arith.addi %get3A_79, %add3A_156 : vector<16xi32>
      %swap3A_158 = arith.index_cast %add3A_154 : i32 to index
      %swap3A_159 = tpu.vector_load %arg6[%swap3A_158] {strides = array<i32>} : memref<8192xi32, #tpu.memory_space<vmem>>, vector<16xi32>,
      tpu.vector_store %arg6[%swap3A_158], %add3A_157 {strides = array<i32>} : memref<8192xi32, #tpu.memory_space<vmem>>, vector<16xi32>,
      %mul3A_160 = arith.constant 16 : i32
      %mul3A_161 = arith.muli %scan3A_74, %mul3A_160 : i32
      %add3A_162 = arith.constant 5248 : i32
      %add3A_163 = arith.addi %add3A_162, %mul3A_161 : i32
      %add3A_164 = arith.constant 900000 : i32
      %add3A_165 = vector.broadcast %add3A_164 : i32 to vector<16xi32>
      %add3A_166 = arith.addi %get3A_79, %add3A_165 : vector<16xi32>
      %swap3A_167 = arith.index_cast %add3A_163 : i32 to index
      %swap3A_168 = tpu.vector_load %arg6[%swap3A_167] {strides = array<i32>} : memref<8192xi32, #tpu.memory_space<vmem>>, vector<16xi32>,
      tpu.vector_store %arg6[%swap3A_167], %add3A_166 {strides = array<i32>} : memref<8192xi32, #tpu.memory_space<vmem>>, vector<16xi32>,
      %mul3A_169 = arith.constant 16 : i32
      %mul3A_170 = arith.muli %scan3A_74, %mul3A_169 : i32
      %add3A_171 = arith.constant 5376 : i32
      %add3A_172 = arith.addi %add3A_171, %mul3A_170 : i32
      %add3A_173 = arith.constant 1000000 : i32
      %add3A_174 = vector.broadcast %add3A_173 : i32 to vector<16xi32>
      %add3A_175 = arith.addi %get3A_79, %add3A_174 : vector<16xi32>
      %swap3A_176 = arith.index_cast %add3A_172 : i32 to index
      %swap3A_177 = tpu.vector_load %arg6[%swap3A_176] {strides = array<i32>} : memref<8192xi32, #tpu.memory_space<vmem>>, vector<16xi32>,
      tpu.vector_store %arg6[%swap3A_176], %add3A_175 {strides = array<i32>} : memref<8192xi32, #tpu.memory_space<vmem>>, vector<16xi32>,
      %mul3A_178 = arith.constant 16 : i32
      %mul3A_179 = arith.muli %scan3A_74, %mul3A_178 : i32
      %add3A_180 = arith.constant 5504 : i32
      %add3A_181 = arith.addi %add3A_180, %mul3A_179 : i32
      %add3A_182 = arith.constant 1100000 : i32
      %add3A_183 = vector.broadcast %add3A_182 : i32 to vector<16xi32>
      %add3A_184 = arith.addi %get3A_79, %add3A_183 : vector<16xi32>
      %swap3A_185 = arith.index_cast %add3A_181 : i32 to index
      %swap3A_186 = tpu.vector_load %arg6[%swap3A_185] {strides = array<i32>} : memref<8192xi32, #tpu.memory_space<vmem>>, vector<16xi32>,
      tpu.vector_store %arg6[%swap3A_185], %add3A_184 {strides = array<i32>} : memref<8192xi32, #tpu.memory_space<vmem>>, vector<16xi32>,
      %mul3A_187 = arith.constant 16 : i32
      %mul3A_188 = arith.muli %scan3A_74, %mul3A_187 : i32
      %add3A_189 = arith.constant 5632 : i32
      %add3A_190 = arith.addi %add3A_189, %mul3A_188 : i32
      %add3A_191 = arith.constant 1200000 : i32
      %add3A_192 = vector.broadcast %add3A_191 : i32 to vector<16xi32>
      %add3A_193 = arith.addi %get3A_79, %add3A_192 : vector<16xi32>
      %swap3A_194 = arith.index_cast %add3A_190 : i32 to index
      %swap3A_195 = tpu.vector_load %arg6[%swap3A_194] {strides = array<i32>} : memref<8192xi32, #tpu.memory_space<vmem>>, vector<16xi32>,
      tpu.vector_store %arg6[%swap3A_194], %add3A_193 {strides = array<i32>} : memref<8192xi32, #tpu.memory_space<vmem>>, vector<16xi32>,
      %mul3A_196 = arith.constant 16 : i32
      %mul3A_197 = arith.muli %scan3A_74, %mul3A_196 : i32
      %add3A_198 = arith.constant 5760 : i32
      %add3A_199 = arith.addi %add3A_198, %mul3A_197 : i32
      %add3A_200 = arith.constant 1300000 : i32
      %add3A_201 = vector.broadcast %add3A_200 : i32 to vector<16xi32>
      %add3A_202 = arith.addi %get3A_79, %add3A_201 : vector<16xi32>
      %swap3A_203 = arith.index_cast %add3A_199 : i32 to index
      %swap3A_204 = tpu.vector_load %arg6[%swap3A_203] {strides = array<i32>} : memref<8192xi32, #tpu.memory_space<vmem>>, vector<16xi32>,
      tpu.vector_store %arg6[%swap3A_203], %add3A_202 {strides = array<i32>} : memref<8192xi32, #tpu.memory_space<vmem>>, vector<16xi32>,
      %mul3A_205 = arith.constant 16 : i32
      %mul3A_206 = arith.muli %scan3A_74, %mul3A_205 : i32
      %add3A_207 = arith.constant 5888 : i32
      %add3A_208 = arith.addi %add3A_207, %mul3A_206 : i32
      %add3A_209 = arith.constant 1400000 : i32
      %add3A_210 = vector.broadcast %add3A_209 : i32 to vector<16xi32>
      %add3A_211 = arith.addi %get3A_79, %add3A_210 : vector<16xi32>
      %swap3A_212 = arith.index_cast %add3A_208 : i32 to index
      %swap3A_213 = tpu.vector_load %arg6[%swap3A_212] {strides = array<i32>} : memref<8192xi32, #tpu.memory_space<vmem>>, vector<16xi32>,
      tpu.vector_store %arg6[%swap3A_212], %add3A_211 {strides = array<i32>} : memref<8192xi32, #tpu.memory_space<vmem>>, vector<16xi32>,
      %mul3A_214 = arith.constant 16 : i32
      %mul3A_215 = arith.muli %scan3A_74, %mul3A_214 : i32
      %add3A_216 = arith.constant 6016 : i32
      %add3A_217 = arith.addi %add3A_216, %mul3A_215 : i32
      %add3A_218 = arith.constant 1500000 : i32
      %add3A_219 = vector.broadcast %add3A_218 : i32 to vector<16xi32>
      %add3A_220 = arith.addi %get3A_79, %add3A_219 : vector<16xi32>
      %swap3A_221 = arith.index_cast %add3A_217 : i32 to index
      %swap3A_222 = tpu.vector_load %arg6[%swap3A_221] {strides = array<i32>} : memref<8192xi32, #tpu.memory_space<vmem>>, vector<16xi32>,
      tpu.vector_store %arg6[%swap3A_221], %add3A_220 {strides = array<i32>} : memref<8192xi32, #tpu.memory_space<vmem>>, vector<16xi32>,
    }
    %scan3A_30 = arith.constant 8 : i32
    %dma_start3A_31 = arith.constant 4096 : i32
    %dma_start3A_32 = tpu.memref_slice %arg7[%dma_start3A_31] : memref<8192xf32, #tpu.memory_space<vmem>> -> memref<2048xf32, #tpu.memory_space<vmem>>
    %dma_start3A_33 = arith.constant 4096 : i32
    %dma_start3A_34 = tpu.memref_slice %arg6[%dma_start3A_33] : memref<8192xi32, #tpu.memory_space<vmem>> -> memref<2048xi32, #tpu.memory_space<vmem>>
    %dma_start3A_35 = arith.constant 0 : i32
    %dma_start3A_36 = tpu.memref_slice %arg3[%dma_start3A_35] : memref<1600000xf32, #tpu.memory_space<hbm>> -> memref<1600000xf32, #tpu.memory_space<hbm>>
    tpu.enqueue_indirect_dma source(%dma_start3A_36 : memref<1600000xf32, #tpu.memory_space<hbm>>) target(%dma_start3A_32 : memref<2048xf32, #tpu.memory_space<vmem>>) offsets(%dma_start3A_34 : memref<2048xi32, #tpu.memory_space<vmem>>) semaphore(%arg10 : memref<!tpu.dma_semaphore, #tpu.memory_space<semaphore_mem>>)
    %scan3A_37 = arith.constant 0 : i32
    %scan3A_38 = arith.constant 0 : i32
    %scan3A_39 = arith.constant 8 : i32
    %scan3A_40 = arith.addi %scan3A_38, %scan3A_39 : i32
    %scan3A_41 = arith.constant 1 : i32
    scf.for %scan3A_74 = %scan3A_38 to %scan3A_40 step %scan3A_41  : i32 {
      %mul3A_75 = arith.constant 16 : i32
      %mul3A_76 = arith.muli %scan3A_74, %mul3A_75 : i32
      %add3A_77 = arith.constant 384 : i32
      %add3A_78 = arith.addi %add3A_77, %mul3A_76 : i32
      %get3A = arith.index_cast %add3A_78 : i32 to index
      %get3A_79 = tpu.vector_load %arg5[%get3A] {strides = array<i32>} : memref<512xi32, #tpu.memory_space<vmem>>, vector<16xi32>,
      %mul3A_80 = arith.constant 16 : i32
      %mul3A_81 = arith.muli %scan3A_74, %mul3A_80 : i32
      %add3A_82 = arith.constant 6144 : i32
      %add3A_83 = arith.addi %add3A_82, %mul3A_81 : i32
      %add3A_84 = arith.constant 0 : i32
      %add3A_85 = vector.broadcast %add3A_84 : i32 to vector<16xi32>
      %add3A_86 = arith.addi %get3A_79, %add3A_85 : vector<16xi32>
      %swap3A = arith.index_cast %add3A_83 : i32 to index
      %swap3A_87 = tpu.vector_load %arg6[%swap3A] {strides = array<i32>} : memref<8192xi32, #tpu.memory_space<vmem>>, vector<16xi32>,
      tpu.vector_store %arg6[%swap3A], %add3A_86 {strides = array<i32>} : memref<8192xi32, #tpu.memory_space<vmem>>, vector<16xi32>,
      %mul3A_88 = arith.constant 16 : i32
      %mul3A_89 = arith.muli %scan3A_74, %mul3A_88 : i32
      %add3A_90 = arith.constant 6272 : i32
      %add3A_91 = arith.addi %add3A_90, %mul3A_89 : i32
      %add3A_92 = arith.constant 100000 : i32
      %add3A_93 = vector.broadcast %add3A_92 : i32 to vector<16xi32>
      %add3A_94 = arith.addi %get3A_79, %add3A_93 : vector<16xi32>
      %swap3A_95 = arith.index_cast %add3A_91 : i32 to index
      %swap3A_96 = tpu.vector_load %arg6[%swap3A_95] {strides = array<i32>} : memref<8192xi32, #tpu.memory_space<vmem>>, vector<16xi32>,
      tpu.vector_store %arg6[%swap3A_95], %add3A_94 {strides = array<i32>} : memref<8192xi32, #tpu.memory_space<vmem>>, vector<16xi32>,
      %mul3A_97 = arith.constant 16 : i32
      %mul3A_98 = arith.muli %scan3A_74, %mul3A_97 : i32
      %add3A_99 = arith.constant 6400 : i32
      %add3A_100 = arith.addi %add3A_99, %mul3A_98 : i32
      %add3A_101 = arith.constant 200000 : i32
      %add3A_102 = vector.broadcast %add3A_101 : i32 to vector<16xi32>
      %add3A_103 = arith.addi %get3A_79, %add3A_102 : vector<16xi32>
      %swap3A_104 = arith.index_cast %add3A_100 : i32 to index
      %swap3A_105 = tpu.vector_load %arg6[%swap3A_104] {strides = array<i32>} : memref<8192xi32, #tpu.memory_space<vmem>>, vector<16xi32>,
      tpu.vector_store %arg6[%swap3A_104], %add3A_103 {strides = array<i32>} : memref<8192xi32, #tpu.memory_space<vmem>>, vector<16xi32>,
      %mul3A_106 = arith.constant 16 : i32
      %mul3A_107 = arith.muli %scan3A_74, %mul3A_106 : i32
      %add3A_108 = arith.constant 6528 : i32
      %add3A_109 = arith.addi %add3A_108, %mul3A_107 : i32
      %add3A_110 = arith.constant 300000 : i32
      %add3A_111 = vector.broadcast %add3A_110 : i32 to vector<16xi32>
      %add3A_112 = arith.addi %get3A_79, %add3A_111 : vector<16xi32>
      %swap3A_113 = arith.index_cast %add3A_109 : i32 to index
      %swap3A_114 = tpu.vector_load %arg6[%swap3A_113] {strides = array<i32>} : memref<8192xi32, #tpu.memory_space<vmem>>, vector<16xi32>,
      tpu.vector_store %arg6[%swap3A_113], %add3A_112 {strides = array<i32>} : memref<8192xi32, #tpu.memory_space<vmem>>, vector<16xi32>,
      %mul3A_115 = arith.constant 16 : i32
      %mul3A_116 = arith.muli %scan3A_74, %mul3A_115 : i32
      %add3A_117 = arith.constant 6656 : i32
      %add3A_118 = arith.addi %add3A_117, %mul3A_116 : i32
      %add3A_119 = arith.constant 400000 : i32
      %add3A_120 = vector.broadcast %add3A_119 : i32 to vector<16xi32>
      %add3A_121 = arith.addi %get3A_79, %add3A_120 : vector<16xi32>
      %swap3A_122 = arith.index_cast %add3A_118 : i32 to index
      %swap3A_123 = tpu.vector_load %arg6[%swap3A_122] {strides = array<i32>} : memref<8192xi32, #tpu.memory_space<vmem>>, vector<16xi32>,
      tpu.vector_store %arg6[%swap3A_122], %add3A_121 {strides = array<i32>} : memref<8192xi32, #tpu.memory_space<vmem>>, vector<16xi32>,
      %mul3A_124 = arith.constant 16 : i32
      %mul3A_125 = arith.muli %scan3A_74, %mul3A_124 : i32
      %add3A_126 = arith.constant 6784 : i32
      %add3A_127 = arith.addi %add3A_126, %mul3A_125 : i32
      %add3A_128 = arith.constant 500000 : i32
      %add3A_129 = vector.broadcast %add3A_128 : i32 to vector<16xi32>
      %add3A_130 = arith.addi %get3A_79, %add3A_129 : vector<16xi32>
      %swap3A_131 = arith.index_cast %add3A_127 : i32 to index
      %swap3A_132 = tpu.vector_load %arg6[%swap3A_131] {strides = array<i32>} : memref<8192xi32, #tpu.memory_space<vmem>>, vector<16xi32>,
      tpu.vector_store %arg6[%swap3A_131], %add3A_130 {strides = array<i32>} : memref<8192xi32, #tpu.memory_space<vmem>>, vector<16xi32>,
      %mul3A_133 = arith.constant 16 : i32
      %mul3A_134 = arith.muli %scan3A_74, %mul3A_133 : i32
      %add3A_135 = arith.constant 6912 : i32
      %add3A_136 = arith.addi %add3A_135, %mul3A_134 : i32
      %add3A_137 = arith.constant 600000 : i32
      %add3A_138 = vector.broadcast %add3A_137 : i32 to vector<16xi32>
      %add3A_139 = arith.addi %get3A_79, %add3A_138 : vector<16xi32>
      %swap3A_140 = arith.index_cast %add3A_136 : i32 to index
      %swap3A_141 = tpu.vector_load %arg6[%swap3A_140] {strides = array<i32>} : memref<8192xi32, #tpu.memory_space<vmem>>, vector<16xi32>,
      tpu.vector_store %arg6[%swap3A_140], %add3A_139 {strides = array<i32>} : memref<8192xi32, #tpu.memory_space<vmem>>, vector<16xi32>,
      %mul3A_142 = arith.constant 16 : i32
      %mul3A_143 = arith.muli %scan3A_74, %mul3A_142 : i32
      %add3A_144 = arith.constant 7040 : i32
      %add3A_145 = arith.addi %add3A_144, %mul3A_143 : i32
      %add3A_146 = arith.constant 700000 : i32
      %add3A_147 = vector.broadcast %add3A_146 : i32 to vector<16xi32>
      %add3A_148 = arith.addi %get3A_79, %add3A_147 : vector<16xi32>
      %swap3A_149 = arith.index_cast %add3A_145 : i32 to index
      %swap3A_150 = tpu.vector_load %arg6[%swap3A_149] {strides = array<i32>} : memref<8192xi32, #tpu.memory_space<vmem>>, vector<16xi32>,
      tpu.vector_store %arg6[%swap3A_149], %add3A_148 {strides = array<i32>} : memref<8192xi32, #tpu.memory_space<vmem>>, vector<16xi32>,
      %mul3A_151 = arith.constant 16 : i32
      %mul3A_152 = arith.muli %scan3A_74, %mul3A_151 : i32
      %add3A_153 = arith.constant 7168 : i32
      %add3A_154 = arith.addi %add3A_153, %mul3A_152 : i32
      %add3A_155 = arith.constant 800000 : i32
      %add3A_156 = vector.broadcast %add3A_155 : i32 to vector<16xi32>
      %add3A_157 = arith.addi %get3A_79, %add3A_156 : vector<16xi32>
      %swap3A_158 = arith.index_cast %add3A_154 : i32 to index
      %swap3A_159 = tpu.vector_load %arg6[%swap3A_158] {strides = array<i32>} : memref<8192xi32, #tpu.memory_space<vmem>>, vector<16xi32>,
      tpu.vector_store %arg6[%swap3A_158], %add3A_157 {strides = array<i32>} : memref<8192xi32, #tpu.memory_space<vmem>>, vector<16xi32>,
      %mul3A_160 = arith.constant 16 : i32
      %mul3A_161 = arith.muli %scan3A_74, %mul3A_160 : i32
      %add3A_162 = arith.constant 7296 : i32
      %add3A_163 = arith.addi %add3A_162, %mul3A_161 : i32
      %add3A_164 = arith.constant 900000 : i32
      %add3A_165 = vector.broadcast %add3A_164 : i32 to vector<16xi32>
      %add3A_166 = arith.addi %get3A_79, %add3A_165 : vector<16xi32>
      %swap3A_167 = arith.index_cast %add3A_163 : i32 to index
      %swap3A_168 = tpu.vector_load %arg6[%swap3A_167] {strides = array<i32>} : memref<8192xi32, #tpu.memory_space<vmem>>, vector<16xi32>,
      tpu.vector_store %arg6[%swap3A_167], %add3A_166 {strides = array<i32>} : memref<8192xi32, #tpu.memory_space<vmem>>, vector<16xi32>,
      %mul3A_169 = arith.constant 16 : i32
      %mul3A_170 = arith.muli %scan3A_74, %mul3A_169 : i32
      %add3A_171 = arith.constant 7424 : i32
      %add3A_172 = arith.addi %add3A_171, %mul3A_170 : i32
      %add3A_173 = arith.constant 1000000 : i32
      %add3A_174 = vector.broadcast %add3A_173 : i32 to vector<16xi32>
      %add3A_175 = arith.addi %get3A_79, %add3A_174 : vector<16xi32>
      %swap3A_176 = arith.index_cast %add3A_172 : i32 to index
      %swap3A_177 = tpu.vector_load %arg6[%swap3A_176] {strides = array<i32>} : memref<8192xi32, #tpu.memory_space<vmem>>, vector<16xi32>,
      tpu.vector_store %arg6[%swap3A_176], %add3A_175 {strides = array<i32>} : memref<8192xi32, #tpu.memory_space<vmem>>, vector<16xi32>,
      %mul3A_178 = arith.constant 16 : i32
      %mul3A_179 = arith.muli %scan3A_74, %mul3A_178 : i32
      %add3A_180 = arith.constant 7552 : i32
      %add3A_181 = arith.addi %add3A_180, %mul3A_179 : i32
      %add3A_182 = arith.constant 1100000 : i32
      %add3A_183 = vector.broadcast %add3A_182 : i32 to vector<16xi32>
      %add3A_184 = arith.addi %get3A_79, %add3A_183 : vector<16xi32>
      %swap3A_185 = arith.index_cast %add3A_181 : i32 to index
      %swap3A_186 = tpu.vector_load %arg6[%swap3A_185] {strides = array<i32>} : memref<8192xi32, #tpu.memory_space<vmem>>, vector<16xi32>,
      tpu.vector_store %arg6[%swap3A_185], %add3A_184 {strides = array<i32>} : memref<8192xi32, #tpu.memory_space<vmem>>, vector<16xi32>,
      %mul3A_187 = arith.constant 16 : i32
      %mul3A_188 = arith.muli %scan3A_74, %mul3A_187 : i32
      %add3A_189 = arith.constant 7680 : i32
      %add3A_190 = arith.addi %add3A_189, %mul3A_188 : i32
      %add3A_191 = arith.constant 1200000 : i32
      %add3A_192 = vector.broadcast %add3A_191 : i32 to vector<16xi32>
      %add3A_193 = arith.addi %get3A_79, %add3A_192 : vector<16xi32>
      %swap3A_194 = arith.index_cast %add3A_190 : i32 to index
      %swap3A_195 = tpu.vector_load %arg6[%swap3A_194] {strides = array<i32>} : memref<8192xi32, #tpu.memory_space<vmem>>, vector<16xi32>,
      tpu.vector_store %arg6[%swap3A_194], %add3A_193 {strides = array<i32>} : memref<8192xi32, #tpu.memory_space<vmem>>, vector<16xi32>,
      %mul3A_196 = arith.constant 16 : i32
      %mul3A_197 = arith.muli %scan3A_74, %mul3A_196 : i32
      %add3A_198 = arith.constant 7808 : i32
      %add3A_199 = arith.addi %add3A_198, %mul3A_197 : i32
      %add3A_200 = arith.constant 1300000 : i32
      %add3A_201 = vector.broadcast %add3A_200 : i32 to vector<16xi32>
      %add3A_202 = arith.addi %get3A_79, %add3A_201 : vector<16xi32>
      %swap3A_203 = arith.index_cast %add3A_199 : i32 to index
      %swap3A_204 = tpu.vector_load %arg6[%swap3A_203] {strides = array<i32>} : memref<8192xi32, #tpu.memory_space<vmem>>, vector<16xi32>,
      tpu.vector_store %arg6[%swap3A_203], %add3A_202 {strides = array<i32>} : memref<8192xi32, #tpu.memory_space<vmem>>, vector<16xi32>,
      %mul3A_205 = arith.constant 16 : i32
      %mul3A_206 = arith.muli %scan3A_74, %mul3A_205 : i32
      %add3A_207 = arith.constant 7936 : i32
      %add3A_208 = arith.addi %add3A_207, %mul3A_206 : i32
      %add3A_209 = arith.constant 1400000 : i32
      %add3A_210 = vector.broadcast %add3A_209 : i32 to vector<16xi32>
      %add3A_211 = arith.addi %get3A_79, %add3A_210 : vector<16xi32>
      %swap3A_212 = arith.index_cast %add3A_208 : i32 to index
      %swap3A_213 = tpu.vector_load %arg6[%swap3A_212] {strides = array<i32>} : memref<8192xi32, #tpu.memory_space<vmem>>, vector<16xi32>,
      tpu.vector_store %arg6[%swap3A_212], %add3A_211 {strides = array<i32>} : memref<8192xi32, #tpu.memory_space<vmem>>, vector<16xi32>,
      %mul3A_214 = arith.constant 16 : i32
      %mul3A_215 = arith.muli %scan3A_74, %mul3A_214 : i32
      %add3A_216 = arith.constant 8064 : i32
      %add3A_217 = arith.addi %add3A_216, %mul3A_215 : i32
      %add3A_218 = arith.constant 1500000 : i32
      %add3A_219 = vector.broadcast %add3A_218 : i32 to vector<16xi32>
      %add3A_220 = arith.addi %get3A_79, %add3A_219 : vector<16xi32>
      %swap3A_221 = arith.index_cast %add3A_217 : i32 to index
      %swap3A_222 = tpu.vector_load %arg6[%swap3A_221] {strides = array<i32>} : memref<8192xi32, #tpu.memory_space<vmem>>, vector<16xi32>,
      tpu.vector_store %arg6[%swap3A_221], %add3A_220 {strides = array<i32>} : memref<8192xi32, #tpu.memory_space<vmem>>, vector<16xi32>,
    }
    %scan3A_42 = arith.constant 8 : i32
    %dma_start3A_43 = arith.constant 6144 : i32
    %dma_start3A_44 = tpu.memref_slice %arg7[%dma_start3A_43] : memref<8192xf32, #tpu.memory_space<vmem>> -> memref<2048xf32, #tpu.memory_space<vmem>>
    %dma_start3A_45 = arith.constant 6144 : i32
    %dma_start3A_46 = tpu.memref_slice %arg6[%dma_start3A_45] : memref<8192xi32, #tpu.memory_space<vmem>> -> memref<2048xi32, #tpu.memory_space<vmem>>
    %dma_start3A_47 = arith.constant 0 : i32
    %dma_start3A_48 = tpu.memref_slice %arg3[%dma_start3A_47] : memref<1600000xf32, #tpu.memory_space<hbm>> -> memref<1600000xf32, #tpu.memory_space<hbm>>
    tpu.enqueue_indirect_dma source(%dma_start3A_48 : memref<1600000xf32, #tpu.memory_space<hbm>>) target(%dma_start3A_44 : memref<2048xf32, #tpu.memory_space<vmem>>) offsets(%dma_start3A_46 : memref<2048xi32, #tpu.memory_space<vmem>>) semaphore(%arg11 : memref<!tpu.dma_semaphore, #tpu.memory_space<semaphore_mem>>)
    %dma_wait3A = arith.constant 0 : i32
    %dma_wait3A_49 = tpu.memref_slice %arg7[%dma_wait3A] : memref<8192xf32, #tpu.memory_space<vmem>> -> memref<2048xf32, #tpu.memory_space<vmem>>
    %dma_wait3A_50 = arith.constant 0 : i32
    %dma_wait3A_51 = tpu.memref_slice %arg6[%dma_wait3A_50] : memref<8192xi32, #tpu.memory_space<vmem>> -> memref<2048xi32, #tpu.memory_space<vmem>>
    %dma_wait3A_52 = arith.constant 0 : i32
    %dma_wait3A_53 = tpu.memref_slice %arg3[%dma_wait3A_52] : memref<1600000xf32, #tpu.memory_space<hbm>> -> memref<1600000xf32, #tpu.memory_space<hbm>>
    tpu.wait_indirect_dma semaphore(%arg8 : memref<!tpu.dma_semaphore, #tpu.memory_space<semaphore_mem>>) src(%dma_wait3A_53 : memref<1600000xf32, #tpu.memory_space<hbm>>) dst(%dma_wait3A_49 : memref<2048xf32, #tpu.memory_space<vmem>>)
    %dma_wait3A_54 = arith.constant 2048 : i32
    %dma_wait3A_55 = tpu.memref_slice %arg7[%dma_wait3A_54] : memref<8192xf32, #tpu.memory_space<vmem>> -> memref<2048xf32, #tpu.memory_space<vmem>>
    %dma_wait3A_56 = arith.constant 2048 : i32
    %dma_wait3A_57 = tpu.memref_slice %arg6[%dma_wait3A_56] : memref<8192xi32, #tpu.memory_space<vmem>> -> memref<2048xi32, #tpu.memory_space<vmem>>
    %dma_wait3A_58 = arith.constant 0 : i32
    %dma_wait3A_59 = tpu.memref_slice %arg3[%dma_wait3A_58] : memref<1600000xf32, #tpu.memory_space<hbm>> -> memref<1600000xf32, #tpu.memory_space<hbm>>
    tpu.wait_indirect_dma semaphore(%arg9 : memref<!tpu.dma_semaphore, #tpu.memory_space<semaphore_mem>>) src(%dma_wait3A_59 : memref<1600000xf32, #tpu.memory_space<hbm>>) dst(%dma_wait3A_55 : memref<2048xf32, #tpu.memory_space<vmem>>)
    %dma_wait3A_60 = arith.constant 4096 : i32
    %dma_wait3A_61 = tpu.memref_slice %arg7[%dma_wait3A_60] : memref<8192xf32, #tpu.memory_space<vmem>> -> memref<2048xf32, #tpu.memory_space<vmem>>
    %dma_wait3A_62 = arith.constant 4096 : i32
    %dma_wait3A_63 = tpu.memref_slice %arg6[%dma_wait3A_62] : memref<8192xi32, #tpu.memory_space<vmem>> -> memref<2048xi32, #tpu.memory_space<vmem>>
    %dma_wait3A_64 = arith.constant 0 : i32
    %dma_wait3A_65 = tpu.memref_slice %arg3[%dma_wait3A_64] : memref<1600000xf32, #tpu.memory_space<hbm>> -> memref<1600000xf32, #tpu.memory_space<hbm>>
    tpu.wait_indirect_dma semaphore(%arg10 : memref<!tpu.dma_semaphore, #tpu.memory_space<semaphore_mem>>) src(%dma_wait3A_65 : memref<1600000xf32, #tpu.memory_space<hbm>>) dst(%dma_wait3A_61 : memref<2048xf32, #tpu.memory_space<vmem>>)
    %dma_wait3A_66 = arith.constant 6144 : i32
    %dma_wait3A_67 = tpu.memref_slice %arg7[%dma_wait3A_66] : memref<8192xf32, #tpu.memory_space<vmem>> -> memref<2048xf32, #tpu.memory_space<vmem>>
    %dma_wait3A_68 = arith.constant 6144 : i32
    %dma_wait3A_69 = tpu.memref_slice %arg6[%dma_wait3A_68] : memref<8192xi32, #tpu.memory_space<vmem>> -> memref<2048xi32, #tpu.memory_space<vmem>>
    %dma_wait3A_70 = arith.constant 0 : i32
    %dma_wait3A_71 = tpu.memref_slice %arg3[%dma_wait3A_70] : memref<1600000xf32, #tpu.memory_space<hbm>> -> memref<1600000xf32, #tpu.memory_space<hbm>>
    tpu.wait_indirect_dma semaphore(%arg11 : memref<!tpu.dma_semaphore, #tpu.memory_space<semaphore_mem>>) src(%dma_wait3A_71 : memref<1600000xf32, #tpu.memory_space<hbm>>) dst(%dma_wait3A_67 : memref<2048xf32, #tpu.memory_space<vmem>>)
    %mul3A_72 = arith.constant 16 : i32
    %mul3A_73 = arith.muli %mul3A_2, %mul3A_72 : i32
    "tpu.region"() ({
      %run_scoped3A = tpu.sem_alloc : memref<!tpu.dma_semaphore, #tpu.memory_space<semaphore_mem>>
      %dma_start3A_74 = tpu.memref_slice %arg4[%mul3A_73] : memref<262144xf32, #tpu.memory_space<hbm>> -> memref<8192xf32, #tpu.memory_space<hbm>>
      %dma_start3A_75 = tpu.memref_slice %arg4[%mul3A_73] : memref<262144xf32, #tpu.memory_space<hbm>> -> memref<8192xf32, #tpu.memory_space<hbm>>
      tpu.enqueue_dma source(%arg7 : memref<8192xf32, #tpu.memory_space<vmem>>) target(%dma_start3A_75 : memref<8192xf32, #tpu.memory_space<hbm>>) target_semaphore(%run_scoped3A : memref<!tpu.dma_semaphore, #tpu.memory_space<semaphore_mem>>)
      %dma_wait3A_76 = tpu.memref_slice %arg4[%mul3A_73] : memref<262144xf32, #tpu.memory_space<hbm>> -> memref<8192xf32, #tpu.memory_space<hbm>>
      %dma_wait3A_77 = tpu.memref_slice %arg4[%mul3A_73] : memref<262144xf32, #tpu.memory_space<hbm>> -> memref<8192xf32, #tpu.memory_space<hbm>>
      tpu.wait_dma2 semaphore(%run_scoped3A : memref<!tpu.dma_semaphore, #tpu.memory_space<semaphore_mem>>) src(%arg7 : memref<8192xf32, #tpu.memory_space<vmem>>) dst(%dma_wait3A_77 : memref<8192xf32, #tpu.memory_space<hbm>>)
      tpu.yield
    }) : () -> ()
    return
  }
}

#map = affine_map<(d0, d1) -> (0)>
module attributes {stable_mosaic.version = 14 : i64} {
  func.func @_gather_t_compute_body(%arg0: i32, %arg1: i32, %arg2: memref<16384xi32, #tpu.memory_space<hbm>>, %arg3: memref<1600000xf32, #tpu.memory_space<hbm>>, %arg4: memref<262144xf32, #tpu.memory_space<hbm>>, %arg5: memref<128xf32, #tpu.memory_space<hbm>>, %arg6: memref<16384xf32, #tpu.memory_space<hbm>>, %arg7: memref<512xi32, #tpu.memory_space<vmem>>, %arg8: memref<8192xi32, #tpu.memory_space<vmem>>, %arg9: memref<8192xf32, #tpu.memory_space<vmem>>, %arg10: memref<8192xf32, #tpu.memory_space<vmem>>, %arg11: memref<512xf32, #tpu.memory_space<vmem>>, %arg12: memref<128xf32, #tpu.memory_space<vmem>>, %arg13: memref<!tpu.dma_semaphore, #tpu.memory_space<semaphore_mem>>, %arg14: memref<!tpu.dma_semaphore, #tpu.memory_space<semaphore_mem>>, %arg15: memref<!tpu.dma_semaphore, #tpu.memory_space<semaphore_mem>>, %arg16: memref<!tpu.dma_semaphore, #tpu.memory_space<semaphore_mem>>, %arg17: memref<!tpu.dma_semaphore, #tpu.memory_space<semaphore_mem>>) attributes {dimension_semantics = [#tpu.dimension_semantics<core_parallel>, #tpu.dimension_semantics<subcore_parallel>], iteration_bounds = array<i64: 2, 16>, scalar_prefetch = 0 : i64, scratch_operands = 11 : i64, tpu.core_type = #tpu.core_type<sc_vector_subcore>, window_params = [{transform_indices = #map}, {transform_indices = #map}, {transform_indices = #map}, {transform_indices = #map}, {transform_indices = #map}]} {
    %mul3A = arith.constant 2 : i32
    %mul3A_0 = arith.muli %arg1, %mul3A : i32
    %add3A = arith.addi %mul3A_0, %arg0 : i32
    %mul3A_1 = arith.constant 512 : i32
    %mul3A_2 = arith.muli %add3A, %mul3A_1 : i32
    "tpu.region"() ({
      %run_scoped3A = tpu.sem_alloc : memref<!tpu.dma_semaphore, #tpu.memory_space<semaphore_mem>>
      %dma_start3A_105 = tpu.memref_slice %arg2[%mul3A_2] : memref<16384xi32, #tpu.memory_space<hbm>> -> memref<512xi32, #tpu.memory_space<hbm>>
      %dma_start3A_106 = tpu.memref_slice %arg2[%mul3A_2] : memref<16384xi32, #tpu.memory_space<hbm>> -> memref<512xi32, #tpu.memory_space<hbm>>
      tpu.enqueue_dma source(%dma_start3A_106 : memref<512xi32, #tpu.memory_space<hbm>>) target(%arg7 : memref<512xi32, #tpu.memory_space<vmem>>) target_semaphore(%run_scoped3A : memref<!tpu.dma_semaphore, #tpu.memory_space<semaphore_mem>>)
      %dma_wait3A_107 = tpu.memref_slice %arg2[%mul3A_2] : memref<16384xi32, #tpu.memory_space<hbm>> -> memref<512xi32, #tpu.memory_space<hbm>>
      %dma_wait3A_108 = tpu.memref_slice %arg2[%mul3A_2] : memref<16384xi32, #tpu.memory_space<hbm>> -> memref<512xi32, #tpu.memory_space<hbm>>
      tpu.wait_dma2 semaphore(%run_scoped3A : memref<!tpu.dma_semaphore, #tpu.memory_space<semaphore_mem>>) src(%dma_wait3A_108 : memref<512xi32, #tpu.memory_space<hbm>>) dst(%arg7 : memref<512xi32, #tpu.memory_space<vmem>>)
      tpu.yield
    }) : () -> ()
    %mul3A_3 = arith.constant 16 : i32
    %mul3A_4 = arith.muli %mul3A_2, %mul3A_3 : i32
    %dma_start3A = tpu.memref_slice %arg4[%mul3A_4] : memref<262144xf32, #tpu.memory_space<hbm>> -> memref<8192xf32, #tpu.memory_space<hbm>>
    %dma_start3A_5 = tpu.memref_slice %arg4[%mul3A_4] : memref<262144xf32, #tpu.memory_space<hbm>> -> memref<8192xf32, #tpu.memory_space<hbm>>
    tpu.enqueue_dma source(%dma_start3A_5 : memref<8192xf32, #tpu.memory_space<hbm>>) target(%arg9 : memref<8192xf32, #tpu.memory_space<vmem>>) target_semaphore(%arg17 : memref<!tpu.dma_semaphore, #tpu.memory_space<semaphore_mem>>)
    %scan3A = arith.constant 0 : i32
    %scan3A_6 = arith.constant 0 : i32
    %scan3A_7 = arith.constant 8 : i32
    %scan3A_8 = arith.addi %scan3A_6, %scan3A_7 : i32
    %scan3A_9 = arith.constant 1 : i32
    scf.for %scan3A_105 = %scan3A_6 to %scan3A_8 step %scan3A_9  : i32 {
      %mul3A_106 = arith.constant 16 : i32
      %mul3A_107 = arith.muli %scan3A_105, %mul3A_106 : i32
      %add3A_108 = arith.constant 0 : i32
      %add3A_109 = arith.addi %add3A_108, %mul3A_107 : i32
      %get3A_110 = arith.index_cast %add3A_109 : i32 to index
      %get3A_111 = tpu.vector_load %arg7[%get3A_110] {strides = array<i32>} : memref<512xi32, #tpu.memory_space<vmem>>, vector<16xi32>,
      %mul3A_112 = arith.constant 16 : i32
      %mul3A_113 = arith.muli %scan3A_105, %mul3A_112 : i32
      %add3A_114 = arith.constant 0 : i32
      %add3A_115 = arith.addi %add3A_114, %mul3A_113 : i32
      %add3A_116 = arith.constant 0 : i32
      %add3A_117 = vector.broadcast %add3A_116 : i32 to vector<16xi32>
      %add3A_118 = arith.addi %get3A_111, %add3A_117 : vector<16xi32>
      %swap3A = arith.index_cast %add3A_115 : i32 to index
      %swap3A_119 = tpu.vector_load %arg8[%swap3A] {strides = array<i32>} : memref<8192xi32, #tpu.memory_space<vmem>>, vector<16xi32>,
      tpu.vector_store %arg8[%swap3A], %add3A_118 {strides = array<i32>} : memref<8192xi32, #tpu.memory_space<vmem>>, vector<16xi32>,
      %mul3A_120 = arith.constant 16 : i32
      %mul3A_121 = arith.muli %scan3A_105, %mul3A_120 : i32
      %add3A_122 = arith.constant 128 : i32
      %add3A_123 = arith.addi %add3A_122, %mul3A_121 : i32
      %add3A_124 = arith.constant 100000 : i32
      %add3A_125 = vector.broadcast %add3A_124 : i32 to vector<16xi32>
      %add3A_126 = arith.addi %get3A_111, %add3A_125 : vector<16xi32>
      %swap3A_127 = arith.index_cast %add3A_123 : i32 to index
      %swap3A_128 = tpu.vector_load %arg8[%swap3A_127] {strides = array<i32>} : memref<8192xi32, #tpu.memory_space<vmem>>, vector<16xi32>,
      tpu.vector_store %arg8[%swap3A_127], %add3A_126 {strides = array<i32>} : memref<8192xi32, #tpu.memory_space<vmem>>, vector<16xi32>,
      %mul3A_129 = arith.constant 16 : i32
      %mul3A_130 = arith.muli %scan3A_105, %mul3A_129 : i32
      %add3A_131 = arith.constant 256 : i32
      %add3A_132 = arith.addi %add3A_131, %mul3A_130 : i32
      %add3A_133 = arith.constant 200000 : i32
      %add3A_134 = vector.broadcast %add3A_133 : i32 to vector<16xi32>
      %add3A_135 = arith.addi %get3A_111, %add3A_134 : vector<16xi32>
      %swap3A_136 = arith.index_cast %add3A_132 : i32 to index
      %swap3A_137 = tpu.vector_load %arg8[%swap3A_136] {strides = array<i32>} : memref<8192xi32, #tpu.memory_space<vmem>>, vector<16xi32>,
      tpu.vector_store %arg8[%swap3A_136], %add3A_135 {strides = array<i32>} : memref<8192xi32, #tpu.memory_space<vmem>>, vector<16xi32>,
      %mul3A_138 = arith.constant 16 : i32
      %mul3A_139 = arith.muli %scan3A_105, %mul3A_138 : i32
      %add3A_140 = arith.constant 384 : i32
      %add3A_141 = arith.addi %add3A_140, %mul3A_139 : i32
      %add3A_142 = arith.constant 300000 : i32
      %add3A_143 = vector.broadcast %add3A_142 : i32 to vector<16xi32>
      %add3A_144 = arith.addi %get3A_111, %add3A_143 : vector<16xi32>
      %swap3A_145 = arith.index_cast %add3A_141 : i32 to index
      %swap3A_146 = tpu.vector_load %arg8[%swap3A_145] {strides = array<i32>} : memref<8192xi32, #tpu.memory_space<vmem>>, vector<16xi32>,
      tpu.vector_store %arg8[%swap3A_145], %add3A_144 {strides = array<i32>} : memref<8192xi32, #tpu.memory_space<vmem>>, vector<16xi32>,
      %mul3A_147 = arith.constant 16 : i32
      %mul3A_148 = arith.muli %scan3A_105, %mul3A_147 : i32
      %add3A_149 = arith.constant 512 : i32
      %add3A_150 = arith.addi %add3A_149, %mul3A_148 : i32
      %add3A_151 = arith.constant 400000 : i32
      %add3A_152 = vector.broadcast %add3A_151 : i32 to vector<16xi32>
      %add3A_153 = arith.addi %get3A_111, %add3A_152 : vector<16xi32>
      %swap3A_154 = arith.index_cast %add3A_150 : i32 to index
      %swap3A_155 = tpu.vector_load %arg8[%swap3A_154] {strides = array<i32>} : memref<8192xi32, #tpu.memory_space<vmem>>, vector<16xi32>,
      tpu.vector_store %arg8[%swap3A_154], %add3A_153 {strides = array<i32>} : memref<8192xi32, #tpu.memory_space<vmem>>, vector<16xi32>,
      %mul3A_156 = arith.constant 16 : i32
      %mul3A_157 = arith.muli %scan3A_105, %mul3A_156 : i32
      %add3A_158 = arith.constant 640 : i32
      %add3A_159 = arith.addi %add3A_158, %mul3A_157 : i32
      %add3A_160 = arith.constant 500000 : i32
      %add3A_161 = vector.broadcast %add3A_160 : i32 to vector<16xi32>
      %add3A_162 = arith.addi %get3A_111, %add3A_161 : vector<16xi32>
      %swap3A_163 = arith.index_cast %add3A_159 : i32 to index
      %swap3A_164 = tpu.vector_load %arg8[%swap3A_163] {strides = array<i32>} : memref<8192xi32, #tpu.memory_space<vmem>>, vector<16xi32>,
      tpu.vector_store %arg8[%swap3A_163], %add3A_162 {strides = array<i32>} : memref<8192xi32, #tpu.memory_space<vmem>>, vector<16xi32>,
      %mul3A_165 = arith.constant 16 : i32
      %mul3A_166 = arith.muli %scan3A_105, %mul3A_165 : i32
      %add3A_167 = arith.constant 768 : i32
      %add3A_168 = arith.addi %add3A_167, %mul3A_166 : i32
      %add3A_169 = arith.constant 600000 : i32
      %add3A_170 = vector.broadcast %add3A_169 : i32 to vector<16xi32>
      %add3A_171 = arith.addi %get3A_111, %add3A_170 : vector<16xi32>
      %swap3A_172 = arith.index_cast %add3A_168 : i32 to index
      %swap3A_173 = tpu.vector_load %arg8[%swap3A_172] {strides = array<i32>} : memref<8192xi32, #tpu.memory_space<vmem>>, vector<16xi32>,
      tpu.vector_store %arg8[%swap3A_172], %add3A_171 {strides = array<i32>} : memref<8192xi32, #tpu.memory_space<vmem>>, vector<16xi32>,
      %mul3A_174 = arith.constant 16 : i32
      %mul3A_175 = arith.muli %scan3A_105, %mul3A_174 : i32
      %add3A_176 = arith.constant 896 : i32
      %add3A_177 = arith.addi %add3A_176, %mul3A_175 : i32
      %add3A_178 = arith.constant 700000 : i32
      %add3A_179 = vector.broadcast %add3A_178 : i32 to vector<16xi32>
      %add3A_180 = arith.addi %get3A_111, %add3A_179 : vector<16xi32>
      %swap3A_181 = arith.index_cast %add3A_177 : i32 to index
      %swap3A_182 = tpu.vector_load %arg8[%swap3A_181] {strides = array<i32>} : memref<8192xi32, #tpu.memory_space<vmem>>, vector<16xi32>,
      tpu.vector_store %arg8[%swap3A_181], %add3A_180 {strides = array<i32>} : memref<8192xi32, #tpu.memory_space<vmem>>, vector<16xi32>,
      %mul3A_183 = arith.constant 16 : i32
      %mul3A_184 = arith.muli %scan3A_105, %mul3A_183 : i32
      %add3A_185 = arith.constant 1024 : i32
      %add3A_186 = arith.addi %add3A_185, %mul3A_184 : i32
      %add3A_187 = arith.constant 800000 : i32
      %add3A_188 = vector.broadcast %add3A_187 : i32 to vector<16xi32>
      %add3A_189 = arith.addi %get3A_111, %add3A_188 : vector<16xi32>
      %swap3A_190 = arith.index_cast %add3A_186 : i32 to index
      %swap3A_191 = tpu.vector_load %arg8[%swap3A_190] {strides = array<i32>} : memref<8192xi32, #tpu.memory_space<vmem>>, vector<16xi32>,
      tpu.vector_store %arg8[%swap3A_190], %add3A_189 {strides = array<i32>} : memref<8192xi32, #tpu.memory_space<vmem>>, vector<16xi32>,
      %mul3A_192 = arith.constant 16 : i32
      %mul3A_193 = arith.muli %scan3A_105, %mul3A_192 : i32
      %add3A_194 = arith.constant 1152 : i32
      %add3A_195 = arith.addi %add3A_194, %mul3A_193 : i32
      %add3A_196 = arith.constant 900000 : i32
      %add3A_197 = vector.broadcast %add3A_196 : i32 to vector<16xi32>
      %add3A_198 = arith.addi %get3A_111, %add3A_197 : vector<16xi32>
      %swap3A_199 = arith.index_cast %add3A_195 : i32 to index
      %swap3A_200 = tpu.vector_load %arg8[%swap3A_199] {strides = array<i32>} : memref<8192xi32, #tpu.memory_space<vmem>>, vector<16xi32>,
      tpu.vector_store %arg8[%swap3A_199], %add3A_198 {strides = array<i32>} : memref<8192xi32, #tpu.memory_space<vmem>>, vector<16xi32>,
      %mul3A_201 = arith.constant 16 : i32
      %mul3A_202 = arith.muli %scan3A_105, %mul3A_201 : i32
      %add3A_203 = arith.constant 1280 : i32
      %add3A_204 = arith.addi %add3A_203, %mul3A_202 : i32
      %add3A_205 = arith.constant 1000000 : i32
      %add3A_206 = vector.broadcast %add3A_205 : i32 to vector<16xi32>
      %add3A_207 = arith.addi %get3A_111, %add3A_206 : vector<16xi32>
      %swap3A_208 = arith.index_cast %add3A_204 : i32 to index
      %swap3A_209 = tpu.vector_load %arg8[%swap3A_208] {strides = array<i32>} : memref<8192xi32, #tpu.memory_space<vmem>>, vector<16xi32>,
      tpu.vector_store %arg8[%swap3A_208], %add3A_207 {strides = array<i32>} : memref<8192xi32, #tpu.memory_space<vmem>>, vector<16xi32>,
      %mul3A_210 = arith.constant 16 : i32
      %mul3A_211 = arith.muli %scan3A_105, %mul3A_210 : i32
      %add3A_212 = arith.constant 1408 : i32
      %add3A_213 = arith.addi %add3A_212, %mul3A_211 : i32
      %add3A_214 = arith.constant 1100000 : i32
      %add3A_215 = vector.broadcast %add3A_214 : i32 to vector<16xi32>
      %add3A_216 = arith.addi %get3A_111, %add3A_215 : vector<16xi32>
      %swap3A_217 = arith.index_cast %add3A_213 : i32 to index
      %swap3A_218 = tpu.vector_load %arg8[%swap3A_217] {strides = array<i32>} : memref<8192xi32, #tpu.memory_space<vmem>>, vector<16xi32>,
      tpu.vector_store %arg8[%swap3A_217], %add3A_216 {strides = array<i32>} : memref<8192xi32, #tpu.memory_space<vmem>>, vector<16xi32>,
      %mul3A_219 = arith.constant 16 : i32
      %mul3A_220 = arith.muli %scan3A_105, %mul3A_219 : i32
      %add3A_221 = arith.constant 1536 : i32
      %add3A_222 = arith.addi %add3A_221, %mul3A_220 : i32
      %add3A_223 = arith.constant 1200000 : i32
      %add3A_224 = vector.broadcast %add3A_223 : i32 to vector<16xi32>
      %add3A_225 = arith.addi %get3A_111, %add3A_224 : vector<16xi32>
      %swap3A_226 = arith.index_cast %add3A_222 : i32 to index
      %swap3A_227 = tpu.vector_load %arg8[%swap3A_226] {strides = array<i32>} : memref<8192xi32, #tpu.memory_space<vmem>>, vector<16xi32>,
      tpu.vector_store %arg8[%swap3A_226], %add3A_225 {strides = array<i32>} : memref<8192xi32, #tpu.memory_space<vmem>>, vector<16xi32>,
      %mul3A_228 = arith.constant 16 : i32
      %mul3A_229 = arith.muli %scan3A_105, %mul3A_228 : i32
      %add3A_230 = arith.constant 1664 : i32
      %add3A_231 = arith.addi %add3A_230, %mul3A_229 : i32
      %add3A_232 = arith.constant 1300000 : i32
      %add3A_233 = vector.broadcast %add3A_232 : i32 to vector<16xi32>
      %add3A_234 = arith.addi %get3A_111, %add3A_233 : vector<16xi32>
      %swap3A_235 = arith.index_cast %add3A_231 : i32 to index
      %swap3A_236 = tpu.vector_load %arg8[%swap3A_235] {strides = array<i32>} : memref<8192xi32, #tpu.memory_space<vmem>>, vector<16xi32>,
      tpu.vector_store %arg8[%swap3A_235], %add3A_234 {strides = array<i32>} : memref<8192xi32, #tpu.memory_space<vmem>>, vector<16xi32>,
      %mul3A_237 = arith.constant 16 : i32
      %mul3A_238 = arith.muli %scan3A_105, %mul3A_237 : i32
      %add3A_239 = arith.constant 1792 : i32
      %add3A_240 = arith.addi %add3A_239, %mul3A_238 : i32
      %add3A_241 = arith.constant 1400000 : i32
      %add3A_242 = vector.broadcast %add3A_241 : i32 to vector<16xi32>
      %add3A_243 = arith.addi %get3A_111, %add3A_242 : vector<16xi32>
      %swap3A_244 = arith.index_cast %add3A_240 : i32 to index
      %swap3A_245 = tpu.vector_load %arg8[%swap3A_244] {strides = array<i32>} : memref<8192xi32, #tpu.memory_space<vmem>>, vector<16xi32>,
      tpu.vector_store %arg8[%swap3A_244], %add3A_243 {strides = array<i32>} : memref<8192xi32, #tpu.memory_space<vmem>>, vector<16xi32>,
      %mul3A_246 = arith.constant 16 : i32
      %mul3A_247 = arith.muli %scan3A_105, %mul3A_246 : i32
      %add3A_248 = arith.constant 1920 : i32
      %add3A_249 = arith.addi %add3A_248, %mul3A_247 : i32
      %add3A_250 = arith.constant 1500000 : i32
      %add3A_251 = vector.broadcast %add3A_250 : i32 to vector<16xi32>
      %add3A_252 = arith.addi %get3A_111, %add3A_251 : vector<16xi32>
      %swap3A_253 = arith.index_cast %add3A_249 : i32 to index
      %swap3A_254 = tpu.vector_load %arg8[%swap3A_253] {strides = array<i32>} : memref<8192xi32, #tpu.memory_space<vmem>>, vector<16xi32>,
      tpu.vector_store %arg8[%swap3A_253], %add3A_252 {strides = array<i32>} : memref<8192xi32, #tpu.memory_space<vmem>>, vector<16xi32>,
    }
    %scan3A_10 = arith.constant 8 : i32
    %dma_start3A_11 = arith.constant 0 : i32
    %dma_start3A_12 = tpu.memref_slice %arg10[%dma_start3A_11] : memref<8192xf32, #tpu.memory_space<vmem>> -> memref<2048xf32, #tpu.memory_space<vmem>>
    %dma_start3A_13 = arith.constant 0 : i32
    %dma_start3A_14 = tpu.memref_slice %arg8[%dma_start3A_13] : memref<8192xi32, #tpu.memory_space<vmem>> -> memref<2048xi32, #tpu.memory_space<vmem>>
    %dma_start3A_15 = arith.constant 0 : i32
    %dma_start3A_16 = tpu.memref_slice %arg3[%dma_start3A_15] : memref<1600000xf32, #tpu.memory_space<hbm>> -> memref<1600000xf32, #tpu.memory_space<hbm>>
    tpu.enqueue_indirect_dma source(%dma_start3A_16 : memref<1600000xf32, #tpu.memory_space<hbm>>) target(%dma_start3A_12 : memref<2048xf32, #tpu.memory_space<vmem>>) offsets(%dma_start3A_14 : memref<2048xi32, #tpu.memory_space<vmem>>) semaphore(%arg13 : memref<!tpu.dma_semaphore, #tpu.memory_space<semaphore_mem>>)
    %scan3A_17 = arith.constant 0 : i32
    %scan3A_18 = arith.constant 0 : i32
    %scan3A_19 = arith.constant 8 : i32
    %scan3A_20 = arith.addi %scan3A_18, %scan3A_19 : i32
    %scan3A_21 = arith.constant 1 : i32
    scf.for %scan3A_105 = %scan3A_18 to %scan3A_20 step %scan3A_21  : i32 {
      %mul3A_106 = arith.constant 16 : i32
      %mul3A_107 = arith.muli %scan3A_105, %mul3A_106 : i32
      %add3A_108 = arith.constant 128 : i32
      %add3A_109 = arith.addi %add3A_108, %mul3A_107 : i32
      %get3A_110 = arith.index_cast %add3A_109 : i32 to index
      %get3A_111 = tpu.vector_load %arg7[%get3A_110] {strides = array<i32>} : memref<512xi32, #tpu.memory_space<vmem>>, vector<16xi32>,
      %mul3A_112 = arith.constant 16 : i32
      %mul3A_113 = arith.muli %scan3A_105, %mul3A_112 : i32
      %add3A_114 = arith.constant 2048 : i32
      %add3A_115 = arith.addi %add3A_114, %mul3A_113 : i32
      %add3A_116 = arith.constant 0 : i32
      %add3A_117 = vector.broadcast %add3A_116 : i32 to vector<16xi32>
      %add3A_118 = arith.addi %get3A_111, %add3A_117 : vector<16xi32>
      %swap3A = arith.index_cast %add3A_115 : i32 to index
      %swap3A_119 = tpu.vector_load %arg8[%swap3A] {strides = array<i32>} : memref<8192xi32, #tpu.memory_space<vmem>>, vector<16xi32>,
      tpu.vector_store %arg8[%swap3A], %add3A_118 {strides = array<i32>} : memref<8192xi32, #tpu.memory_space<vmem>>, vector<16xi32>,
      %mul3A_120 = arith.constant 16 : i32
      %mul3A_121 = arith.muli %scan3A_105, %mul3A_120 : i32
      %add3A_122 = arith.constant 2176 : i32
      %add3A_123 = arith.addi %add3A_122, %mul3A_121 : i32
      %add3A_124 = arith.constant 100000 : i32
      %add3A_125 = vector.broadcast %add3A_124 : i32 to vector<16xi32>
      %add3A_126 = arith.addi %get3A_111, %add3A_125 : vector<16xi32>
      %swap3A_127 = arith.index_cast %add3A_123 : i32 to index
      %swap3A_128 = tpu.vector_load %arg8[%swap3A_127] {strides = array<i32>} : memref<8192xi32, #tpu.memory_space<vmem>>, vector<16xi32>,
      tpu.vector_store %arg8[%swap3A_127], %add3A_126 {strides = array<i32>} : memref<8192xi32, #tpu.memory_space<vmem>>, vector<16xi32>,
      %mul3A_129 = arith.constant 16 : i32
      %mul3A_130 = arith.muli %scan3A_105, %mul3A_129 : i32
      %add3A_131 = arith.constant 2304 : i32
      %add3A_132 = arith.addi %add3A_131, %mul3A_130 : i32
      %add3A_133 = arith.constant 200000 : i32
      %add3A_134 = vector.broadcast %add3A_133 : i32 to vector<16xi32>
      %add3A_135 = arith.addi %get3A_111, %add3A_134 : vector<16xi32>
      %swap3A_136 = arith.index_cast %add3A_132 : i32 to index
      %swap3A_137 = tpu.vector_load %arg8[%swap3A_136] {strides = array<i32>} : memref<8192xi32, #tpu.memory_space<vmem>>, vector<16xi32>,
      tpu.vector_store %arg8[%swap3A_136], %add3A_135 {strides = array<i32>} : memref<8192xi32, #tpu.memory_space<vmem>>, vector<16xi32>,
      %mul3A_138 = arith.constant 16 : i32
      %mul3A_139 = arith.muli %scan3A_105, %mul3A_138 : i32
      %add3A_140 = arith.constant 2432 : i32
      %add3A_141 = arith.addi %add3A_140, %mul3A_139 : i32
      %add3A_142 = arith.constant 300000 : i32
      %add3A_143 = vector.broadcast %add3A_142 : i32 to vector<16xi32>
      %add3A_144 = arith.addi %get3A_111, %add3A_143 : vector<16xi32>
      %swap3A_145 = arith.index_cast %add3A_141 : i32 to index
      %swap3A_146 = tpu.vector_load %arg8[%swap3A_145] {strides = array<i32>} : memref<8192xi32, #tpu.memory_space<vmem>>, vector<16xi32>,
      tpu.vector_store %arg8[%swap3A_145], %add3A_144 {strides = array<i32>} : memref<8192xi32, #tpu.memory_space<vmem>>, vector<16xi32>,
      %mul3A_147 = arith.constant 16 : i32
      %mul3A_148 = arith.muli %scan3A_105, %mul3A_147 : i32
      %add3A_149 = arith.constant 2560 : i32
      %add3A_150 = arith.addi %add3A_149, %mul3A_148 : i32
      %add3A_151 = arith.constant 400000 : i32
      %add3A_152 = vector.broadcast %add3A_151 : i32 to vector<16xi32>
      %add3A_153 = arith.addi %get3A_111, %add3A_152 : vector<16xi32>
      %swap3A_154 = arith.index_cast %add3A_150 : i32 to index
      %swap3A_155 = tpu.vector_load %arg8[%swap3A_154] {strides = array<i32>} : memref<8192xi32, #tpu.memory_space<vmem>>, vector<16xi32>,
      tpu.vector_store %arg8[%swap3A_154], %add3A_153 {strides = array<i32>} : memref<8192xi32, #tpu.memory_space<vmem>>, vector<16xi32>,
      %mul3A_156 = arith.constant 16 : i32
      %mul3A_157 = arith.muli %scan3A_105, %mul3A_156 : i32
      %add3A_158 = arith.constant 2688 : i32
      %add3A_159 = arith.addi %add3A_158, %mul3A_157 : i32
      %add3A_160 = arith.constant 500000 : i32
      %add3A_161 = vector.broadcast %add3A_160 : i32 to vector<16xi32>
      %add3A_162 = arith.addi %get3A_111, %add3A_161 : vector<16xi32>
      %swap3A_163 = arith.index_cast %add3A_159 : i32 to index
      %swap3A_164 = tpu.vector_load %arg8[%swap3A_163] {strides = array<i32>} : memref<8192xi32, #tpu.memory_space<vmem>>, vector<16xi32>,
      tpu.vector_store %arg8[%swap3A_163], %add3A_162 {strides = array<i32>} : memref<8192xi32, #tpu.memory_space<vmem>>, vector<16xi32>,
      %mul3A_165 = arith.constant 16 : i32
      %mul3A_166 = arith.muli %scan3A_105, %mul3A_165 : i32
      %add3A_167 = arith.constant 2816 : i32
      %add3A_168 = arith.addi %add3A_167, %mul3A_166 : i32
      %add3A_169 = arith.constant 600000 : i32
      %add3A_170 = vector.broadcast %add3A_169 : i32 to vector<16xi32>
      %add3A_171 = arith.addi %get3A_111, %add3A_170 : vector<16xi32>
      %swap3A_172 = arith.index_cast %add3A_168 : i32 to index
      %swap3A_173 = tpu.vector_load %arg8[%swap3A_172] {strides = array<i32>} : memref<8192xi32, #tpu.memory_space<vmem>>, vector<16xi32>,
      tpu.vector_store %arg8[%swap3A_172], %add3A_171 {strides = array<i32>} : memref<8192xi32, #tpu.memory_space<vmem>>, vector<16xi32>,
      %mul3A_174 = arith.constant 16 : i32
      %mul3A_175 = arith.muli %scan3A_105, %mul3A_174 : i32
      %add3A_176 = arith.constant 2944 : i32
      %add3A_177 = arith.addi %add3A_176, %mul3A_175 : i32
      %add3A_178 = arith.constant 700000 : i32
      %add3A_179 = vector.broadcast %add3A_178 : i32 to vector<16xi32>
      %add3A_180 = arith.addi %get3A_111, %add3A_179 : vector<16xi32>
      %swap3A_181 = arith.index_cast %add3A_177 : i32 to index
      %swap3A_182 = tpu.vector_load %arg8[%swap3A_181] {strides = array<i32>} : memref<8192xi32, #tpu.memory_space<vmem>>, vector<16xi32>,
      tpu.vector_store %arg8[%swap3A_181], %add3A_180 {strides = array<i32>} : memref<8192xi32, #tpu.memory_space<vmem>>, vector<16xi32>,
      %mul3A_183 = arith.constant 16 : i32
      %mul3A_184 = arith.muli %scan3A_105, %mul3A_183 : i32
      %add3A_185 = arith.constant 3072 : i32
      %add3A_186 = arith.addi %add3A_185, %mul3A_184 : i32
      %add3A_187 = arith.constant 800000 : i32
      %add3A_188 = vector.broadcast %add3A_187 : i32 to vector<16xi32>
      %add3A_189 = arith.addi %get3A_111, %add3A_188 : vector<16xi32>
      %swap3A_190 = arith.index_cast %add3A_186 : i32 to index
      %swap3A_191 = tpu.vector_load %arg8[%swap3A_190] {strides = array<i32>} : memref<8192xi32, #tpu.memory_space<vmem>>, vector<16xi32>,
      tpu.vector_store %arg8[%swap3A_190], %add3A_189 {strides = array<i32>} : memref<8192xi32, #tpu.memory_space<vmem>>, vector<16xi32>,
      %mul3A_192 = arith.constant 16 : i32
      %mul3A_193 = arith.muli %scan3A_105, %mul3A_192 : i32
      %add3A_194 = arith.constant 3200 : i32
      %add3A_195 = arith.addi %add3A_194, %mul3A_193 : i32
      %add3A_196 = arith.constant 900000 : i32
      %add3A_197 = vector.broadcast %add3A_196 : i32 to vector<16xi32>
      %add3A_198 = arith.addi %get3A_111, %add3A_197 : vector<16xi32>
      %swap3A_199 = arith.index_cast %add3A_195 : i32 to index
      %swap3A_200 = tpu.vector_load %arg8[%swap3A_199] {strides = array<i32>} : memref<8192xi32, #tpu.memory_space<vmem>>, vector<16xi32>,
      tpu.vector_store %arg8[%swap3A_199], %add3A_198 {strides = array<i32>} : memref<8192xi32, #tpu.memory_space<vmem>>, vector<16xi32>,
      %mul3A_201 = arith.constant 16 : i32
      %mul3A_202 = arith.muli %scan3A_105, %mul3A_201 : i32
      %add3A_203 = arith.constant 3328 : i32
      %add3A_204 = arith.addi %add3A_203, %mul3A_202 : i32
      %add3A_205 = arith.constant 1000000 : i32
      %add3A_206 = vector.broadcast %add3A_205 : i32 to vector<16xi32>
      %add3A_207 = arith.addi %get3A_111, %add3A_206 : vector<16xi32>
      %swap3A_208 = arith.index_cast %add3A_204 : i32 to index
      %swap3A_209 = tpu.vector_load %arg8[%swap3A_208] {strides = array<i32>} : memref<8192xi32, #tpu.memory_space<vmem>>, vector<16xi32>,
      tpu.vector_store %arg8[%swap3A_208], %add3A_207 {strides = array<i32>} : memref<8192xi32, #tpu.memory_space<vmem>>, vector<16xi32>,
      %mul3A_210 = arith.constant 16 : i32
      %mul3A_211 = arith.muli %scan3A_105, %mul3A_210 : i32
      %add3A_212 = arith.constant 3456 : i32
      %add3A_213 = arith.addi %add3A_212, %mul3A_211 : i32
      %add3A_214 = arith.constant 1100000 : i32
      %add3A_215 = vector.broadcast %add3A_214 : i32 to vector<16xi32>
      %add3A_216 = arith.addi %get3A_111, %add3A_215 : vector<16xi32>
      %swap3A_217 = arith.index_cast %add3A_213 : i32 to index
      %swap3A_218 = tpu.vector_load %arg8[%swap3A_217] {strides = array<i32>} : memref<8192xi32, #tpu.memory_space<vmem>>, vector<16xi32>,
      tpu.vector_store %arg8[%swap3A_217], %add3A_216 {strides = array<i32>} : memref<8192xi32, #tpu.memory_space<vmem>>, vector<16xi32>,
      %mul3A_219 = arith.constant 16 : i32
      %mul3A_220 = arith.muli %scan3A_105, %mul3A_219 : i32
      %add3A_221 = arith.constant 3584 : i32
      %add3A_222 = arith.addi %add3A_221, %mul3A_220 : i32
      %add3A_223 = arith.constant 1200000 : i32
      %add3A_224 = vector.broadcast %add3A_223 : i32 to vector<16xi32>
      %add3A_225 = arith.addi %get3A_111, %add3A_224 : vector<16xi32>
      %swap3A_226 = arith.index_cast %add3A_222 : i32 to index
      %swap3A_227 = tpu.vector_load %arg8[%swap3A_226] {strides = array<i32>} : memref<8192xi32, #tpu.memory_space<vmem>>, vector<16xi32>,
      tpu.vector_store %arg8[%swap3A_226], %add3A_225 {strides = array<i32>} : memref<8192xi32, #tpu.memory_space<vmem>>, vector<16xi32>,
      %mul3A_228 = arith.constant 16 : i32
      %mul3A_229 = arith.muli %scan3A_105, %mul3A_228 : i32
      %add3A_230 = arith.constant 3712 : i32
      %add3A_231 = arith.addi %add3A_230, %mul3A_229 : i32
      %add3A_232 = arith.constant 1300000 : i32
      %add3A_233 = vector.broadcast %add3A_232 : i32 to vector<16xi32>
      %add3A_234 = arith.addi %get3A_111, %add3A_233 : vector<16xi32>
      %swap3A_235 = arith.index_cast %add3A_231 : i32 to index
      %swap3A_236 = tpu.vector_load %arg8[%swap3A_235] {strides = array<i32>} : memref<8192xi32, #tpu.memory_space<vmem>>, vector<16xi32>,
      tpu.vector_store %arg8[%swap3A_235], %add3A_234 {strides = array<i32>} : memref<8192xi32, #tpu.memory_space<vmem>>, vector<16xi32>,
      %mul3A_237 = arith.constant 16 : i32
      %mul3A_238 = arith.muli %scan3A_105, %mul3A_237 : i32
      %add3A_239 = arith.constant 3840 : i32
      %add3A_240 = arith.addi %add3A_239, %mul3A_238 : i32
      %add3A_241 = arith.constant 1400000 : i32
      %add3A_242 = vector.broadcast %add3A_241 : i32 to vector<16xi32>
      %add3A_243 = arith.addi %get3A_111, %add3A_242 : vector<16xi32>
      %swap3A_244 = arith.index_cast %add3A_240 : i32 to index
      %swap3A_245 = tpu.vector_load %arg8[%swap3A_244] {strides = array<i32>} : memref<8192xi32, #tpu.memory_space<vmem>>, vector<16xi32>,
      tpu.vector_store %arg8[%swap3A_244], %add3A_243 {strides = array<i32>} : memref<8192xi32, #tpu.memory_space<vmem>>, vector<16xi32>,
      %mul3A_246 = arith.constant 16 : i32
      %mul3A_247 = arith.muli %scan3A_105, %mul3A_246 : i32
      %add3A_248 = arith.constant 3968 : i32
      %add3A_249 = arith.addi %add3A_248, %mul3A_247 : i32
      %add3A_250 = arith.constant 1500000 : i32
      %add3A_251 = vector.broadcast %add3A_250 : i32 to vector<16xi32>
      %add3A_252 = arith.addi %get3A_111, %add3A_251 : vector<16xi32>
      %swap3A_253 = arith.index_cast %add3A_249 : i32 to index
      %swap3A_254 = tpu.vector_load %arg8[%swap3A_253] {strides = array<i32>} : memref<8192xi32, #tpu.memory_space<vmem>>, vector<16xi32>,
      tpu.vector_store %arg8[%swap3A_253], %add3A_252 {strides = array<i32>} : memref<8192xi32, #tpu.memory_space<vmem>>, vector<16xi32>,
    }
    %scan3A_22 = arith.constant 8 : i32
    %dma_start3A_23 = arith.constant 2048 : i32
    %dma_start3A_24 = tpu.memref_slice %arg10[%dma_start3A_23] : memref<8192xf32, #tpu.memory_space<vmem>> -> memref<2048xf32, #tpu.memory_space<vmem>>
    %dma_start3A_25 = arith.constant 2048 : i32
    %dma_start3A_26 = tpu.memref_slice %arg8[%dma_start3A_25] : memref<8192xi32, #tpu.memory_space<vmem>> -> memref<2048xi32, #tpu.memory_space<vmem>>
    %dma_start3A_27 = arith.constant 0 : i32
    %dma_start3A_28 = tpu.memref_slice %arg3[%dma_start3A_27] : memref<1600000xf32, #tpu.memory_space<hbm>> -> memref<1600000xf32, #tpu.memory_space<hbm>>
    tpu.enqueue_indirect_dma source(%dma_start3A_28 : memref<1600000xf32, #tpu.memory_space<hbm>>) target(%dma_start3A_24 : memref<2048xf32, #tpu.memory_space<vmem>>) offsets(%dma_start3A_26 : memref<2048xi32, #tpu.memory_space<vmem>>) semaphore(%arg14 : memref<!tpu.dma_semaphore, #tpu.memory_space<semaphore_mem>>)
    %scan3A_29 = arith.constant 0 : i32
    %scan3A_30 = arith.constant 0 : i32
    %scan3A_31 = arith.constant 8 : i32
    %scan3A_32 = arith.addi %scan3A_30, %scan3A_31 : i32
    %scan3A_33 = arith.constant 1 : i32
    scf.for %scan3A_105 = %scan3A_30 to %scan3A_32 step %scan3A_33  : i32 {
      %mul3A_106 = arith.constant 16 : i32
      %mul3A_107 = arith.muli %scan3A_105, %mul3A_106 : i32
      %add3A_108 = arith.constant 256 : i32
      %add3A_109 = arith.addi %add3A_108, %mul3A_107 : i32
      %get3A_110 = arith.index_cast %add3A_109 : i32 to index
      %get3A_111 = tpu.vector_load %arg7[%get3A_110] {strides = array<i32>} : memref<512xi32, #tpu.memory_space<vmem>>, vector<16xi32>,
      %mul3A_112 = arith.constant 16 : i32
      %mul3A_113 = arith.muli %scan3A_105, %mul3A_112 : i32
      %add3A_114 = arith.constant 4096 : i32
      %add3A_115 = arith.addi %add3A_114, %mul3A_113 : i32
      %add3A_116 = arith.constant 0 : i32
      %add3A_117 = vector.broadcast %add3A_116 : i32 to vector<16xi32>
      %add3A_118 = arith.addi %get3A_111, %add3A_117 : vector<16xi32>
      %swap3A = arith.index_cast %add3A_115 : i32 to index
      %swap3A_119 = tpu.vector_load %arg8[%swap3A] {strides = array<i32>} : memref<8192xi32, #tpu.memory_space<vmem>>, vector<16xi32>,
      tpu.vector_store %arg8[%swap3A], %add3A_118 {strides = array<i32>} : memref<8192xi32, #tpu.memory_space<vmem>>, vector<16xi32>,
      %mul3A_120 = arith.constant 16 : i32
      %mul3A_121 = arith.muli %scan3A_105, %mul3A_120 : i32
      %add3A_122 = arith.constant 4224 : i32
      %add3A_123 = arith.addi %add3A_122, %mul3A_121 : i32
      %add3A_124 = arith.constant 100000 : i32
      %add3A_125 = vector.broadcast %add3A_124 : i32 to vector<16xi32>
      %add3A_126 = arith.addi %get3A_111, %add3A_125 : vector<16xi32>
      %swap3A_127 = arith.index_cast %add3A_123 : i32 to index
      %swap3A_128 = tpu.vector_load %arg8[%swap3A_127] {strides = array<i32>} : memref<8192xi32, #tpu.memory_space<vmem>>, vector<16xi32>,
      tpu.vector_store %arg8[%swap3A_127], %add3A_126 {strides = array<i32>} : memref<8192xi32, #tpu.memory_space<vmem>>, vector<16xi32>,
      %mul3A_129 = arith.constant 16 : i32
      %mul3A_130 = arith.muli %scan3A_105, %mul3A_129 : i32
      %add3A_131 = arith.constant 4352 : i32
      %add3A_132 = arith.addi %add3A_131, %mul3A_130 : i32
      %add3A_133 = arith.constant 200000 : i32
      %add3A_134 = vector.broadcast %add3A_133 : i32 to vector<16xi32>
      %add3A_135 = arith.addi %get3A_111, %add3A_134 : vector<16xi32>
      %swap3A_136 = arith.index_cast %add3A_132 : i32 to index
      %swap3A_137 = tpu.vector_load %arg8[%swap3A_136] {strides = array<i32>} : memref<8192xi32, #tpu.memory_space<vmem>>, vector<16xi32>,
      tpu.vector_store %arg8[%swap3A_136], %add3A_135 {strides = array<i32>} : memref<8192xi32, #tpu.memory_space<vmem>>, vector<16xi32>,
      %mul3A_138 = arith.constant 16 : i32
      %mul3A_139 = arith.muli %scan3A_105, %mul3A_138 : i32
      %add3A_140 = arith.constant 4480 : i32
      %add3A_141 = arith.addi %add3A_140, %mul3A_139 : i32
      %add3A_142 = arith.constant 300000 : i32
      %add3A_143 = vector.broadcast %add3A_142 : i32 to vector<16xi32>
      %add3A_144 = arith.addi %get3A_111, %add3A_143 : vector<16xi32>
      %swap3A_145 = arith.index_cast %add3A_141 : i32 to index
      %swap3A_146 = tpu.vector_load %arg8[%swap3A_145] {strides = array<i32>} : memref<8192xi32, #tpu.memory_space<vmem>>, vector<16xi32>,
      tpu.vector_store %arg8[%swap3A_145], %add3A_144 {strides = array<i32>} : memref<8192xi32, #tpu.memory_space<vmem>>, vector<16xi32>,
      %mul3A_147 = arith.constant 16 : i32
      %mul3A_148 = arith.muli %scan3A_105, %mul3A_147 : i32
      %add3A_149 = arith.constant 4608 : i32
      %add3A_150 = arith.addi %add3A_149, %mul3A_148 : i32
      %add3A_151 = arith.constant 400000 : i32
      %add3A_152 = vector.broadcast %add3A_151 : i32 to vector<16xi32>
      %add3A_153 = arith.addi %get3A_111, %add3A_152 : vector<16xi32>
      %swap3A_154 = arith.index_cast %add3A_150 : i32 to index
      %swap3A_155 = tpu.vector_load %arg8[%swap3A_154] {strides = array<i32>} : memref<8192xi32, #tpu.memory_space<vmem>>, vector<16xi32>,
      tpu.vector_store %arg8[%swap3A_154], %add3A_153 {strides = array<i32>} : memref<8192xi32, #tpu.memory_space<vmem>>, vector<16xi32>,
      %mul3A_156 = arith.constant 16 : i32
      %mul3A_157 = arith.muli %scan3A_105, %mul3A_156 : i32
      %add3A_158 = arith.constant 4736 : i32
      %add3A_159 = arith.addi %add3A_158, %mul3A_157 : i32
      %add3A_160 = arith.constant 500000 : i32
      %add3A_161 = vector.broadcast %add3A_160 : i32 to vector<16xi32>
      %add3A_162 = arith.addi %get3A_111, %add3A_161 : vector<16xi32>
      %swap3A_163 = arith.index_cast %add3A_159 : i32 to index
      %swap3A_164 = tpu.vector_load %arg8[%swap3A_163] {strides = array<i32>} : memref<8192xi32, #tpu.memory_space<vmem>>, vector<16xi32>,
      tpu.vector_store %arg8[%swap3A_163], %add3A_162 {strides = array<i32>} : memref<8192xi32, #tpu.memory_space<vmem>>, vector<16xi32>,
      %mul3A_165 = arith.constant 16 : i32
      %mul3A_166 = arith.muli %scan3A_105, %mul3A_165 : i32
      %add3A_167 = arith.constant 4864 : i32
      %add3A_168 = arith.addi %add3A_167, %mul3A_166 : i32
      %add3A_169 = arith.constant 600000 : i32
      %add3A_170 = vector.broadcast %add3A_169 : i32 to vector<16xi32>
      %add3A_171 = arith.addi %get3A_111, %add3A_170 : vector<16xi32>
      %swap3A_172 = arith.index_cast %add3A_168 : i32 to index
      %swap3A_173 = tpu.vector_load %arg8[%swap3A_172] {strides = array<i32>} : memref<8192xi32, #tpu.memory_space<vmem>>, vector<16xi32>,
      tpu.vector_store %arg8[%swap3A_172], %add3A_171 {strides = array<i32>} : memref<8192xi32, #tpu.memory_space<vmem>>, vector<16xi32>,
      %mul3A_174 = arith.constant 16 : i32
      %mul3A_175 = arith.muli %scan3A_105, %mul3A_174 : i32
      %add3A_176 = arith.constant 4992 : i32
      %add3A_177 = arith.addi %add3A_176, %mul3A_175 : i32
      %add3A_178 = arith.constant 700000 : i32
      %add3A_179 = vector.broadcast %add3A_178 : i32 to vector<16xi32>
      %add3A_180 = arith.addi %get3A_111, %add3A_179 : vector<16xi32>
      %swap3A_181 = arith.index_cast %add3A_177 : i32 to index
      %swap3A_182 = tpu.vector_load %arg8[%swap3A_181] {strides = array<i32>} : memref<8192xi32, #tpu.memory_space<vmem>>, vector<16xi32>,
      tpu.vector_store %arg8[%swap3A_181], %add3A_180 {strides = array<i32>} : memref<8192xi32, #tpu.memory_space<vmem>>, vector<16xi32>,
      %mul3A_183 = arith.constant 16 : i32
      %mul3A_184 = arith.muli %scan3A_105, %mul3A_183 : i32
      %add3A_185 = arith.constant 5120 : i32
      %add3A_186 = arith.addi %add3A_185, %mul3A_184 : i32
      %add3A_187 = arith.constant 800000 : i32
      %add3A_188 = vector.broadcast %add3A_187 : i32 to vector<16xi32>
      %add3A_189 = arith.addi %get3A_111, %add3A_188 : vector<16xi32>
      %swap3A_190 = arith.index_cast %add3A_186 : i32 to index
      %swap3A_191 = tpu.vector_load %arg8[%swap3A_190] {strides = array<i32>} : memref<8192xi32, #tpu.memory_space<vmem>>, vector<16xi32>,
      tpu.vector_store %arg8[%swap3A_190], %add3A_189 {strides = array<i32>} : memref<8192xi32, #tpu.memory_space<vmem>>, vector<16xi32>,
      %mul3A_192 = arith.constant 16 : i32
      %mul3A_193 = arith.muli %scan3A_105, %mul3A_192 : i32
      %add3A_194 = arith.constant 5248 : i32
      %add3A_195 = arith.addi %add3A_194, %mul3A_193 : i32
      %add3A_196 = arith.constant 900000 : i32
      %add3A_197 = vector.broadcast %add3A_196 : i32 to vector<16xi32>
      %add3A_198 = arith.addi %get3A_111, %add3A_197 : vector<16xi32>
      %swap3A_199 = arith.index_cast %add3A_195 : i32 to index
      %swap3A_200 = tpu.vector_load %arg8[%swap3A_199] {strides = array<i32>} : memref<8192xi32, #tpu.memory_space<vmem>>, vector<16xi32>,
      tpu.vector_store %arg8[%swap3A_199], %add3A_198 {strides = array<i32>} : memref<8192xi32, #tpu.memory_space<vmem>>, vector<16xi32>,
      %mul3A_201 = arith.constant 16 : i32
      %mul3A_202 = arith.muli %scan3A_105, %mul3A_201 : i32
      %add3A_203 = arith.constant 5376 : i32
      %add3A_204 = arith.addi %add3A_203, %mul3A_202 : i32
      %add3A_205 = arith.constant 1000000 : i32
      %add3A_206 = vector.broadcast %add3A_205 : i32 to vector<16xi32>
      %add3A_207 = arith.addi %get3A_111, %add3A_206 : vector<16xi32>
      %swap3A_208 = arith.index_cast %add3A_204 : i32 to index
      %swap3A_209 = tpu.vector_load %arg8[%swap3A_208] {strides = array<i32>} : memref<8192xi32, #tpu.memory_space<vmem>>, vector<16xi32>,
      tpu.vector_store %arg8[%swap3A_208], %add3A_207 {strides = array<i32>} : memref<8192xi32, #tpu.memory_space<vmem>>, vector<16xi32>,
      %mul3A_210 = arith.constant 16 : i32
      %mul3A_211 = arith.muli %scan3A_105, %mul3A_210 : i32
      %add3A_212 = arith.constant 5504 : i32
      %add3A_213 = arith.addi %add3A_212, %mul3A_211 : i32
      %add3A_214 = arith.constant 1100000 : i32
      %add3A_215 = vector.broadcast %add3A_214 : i32 to vector<16xi32>
      %add3A_216 = arith.addi %get3A_111, %add3A_215 : vector<16xi32>
      %swap3A_217 = arith.index_cast %add3A_213 : i32 to index
      %swap3A_218 = tpu.vector_load %arg8[%swap3A_217] {strides = array<i32>} : memref<8192xi32, #tpu.memory_space<vmem>>, vector<16xi32>,
      tpu.vector_store %arg8[%swap3A_217], %add3A_216 {strides = array<i32>} : memref<8192xi32, #tpu.memory_space<vmem>>, vector<16xi32>,
      %mul3A_219 = arith.constant 16 : i32
      %mul3A_220 = arith.muli %scan3A_105, %mul3A_219 : i32
      %add3A_221 = arith.constant 5632 : i32
      %add3A_222 = arith.addi %add3A_221, %mul3A_220 : i32
      %add3A_223 = arith.constant 1200000 : i32
      %add3A_224 = vector.broadcast %add3A_223 : i32 to vector<16xi32>
      %add3A_225 = arith.addi %get3A_111, %add3A_224 : vector<16xi32>
      %swap3A_226 = arith.index_cast %add3A_222 : i32 to index
      %swap3A_227 = tpu.vector_load %arg8[%swap3A_226] {strides = array<i32>} : memref<8192xi32, #tpu.memory_space<vmem>>, vector<16xi32>,
      tpu.vector_store %arg8[%swap3A_226], %add3A_225 {strides = array<i32>} : memref<8192xi32, #tpu.memory_space<vmem>>, vector<16xi32>,
      %mul3A_228 = arith.constant 16 : i32
      %mul3A_229 = arith.muli %scan3A_105, %mul3A_228 : i32
      %add3A_230 = arith.constant 5760 : i32
      %add3A_231 = arith.addi %add3A_230, %mul3A_229 : i32
      %add3A_232 = arith.constant 1300000 : i32
      %add3A_233 = vector.broadcast %add3A_232 : i32 to vector<16xi32>
      %add3A_234 = arith.addi %get3A_111, %add3A_233 : vector<16xi32>
      %swap3A_235 = arith.index_cast %add3A_231 : i32 to index
      %swap3A_236 = tpu.vector_load %arg8[%swap3A_235] {strides = array<i32>} : memref<8192xi32, #tpu.memory_space<vmem>>, vector<16xi32>,
      tpu.vector_store %arg8[%swap3A_235], %add3A_234 {strides = array<i32>} : memref<8192xi32, #tpu.memory_space<vmem>>, vector<16xi32>,
      %mul3A_237 = arith.constant 16 : i32
      %mul3A_238 = arith.muli %scan3A_105, %mul3A_237 : i32
      %add3A_239 = arith.constant 5888 : i32
      %add3A_240 = arith.addi %add3A_239, %mul3A_238 : i32
      %add3A_241 = arith.constant 1400000 : i32
      %add3A_242 = vector.broadcast %add3A_241 : i32 to vector<16xi32>
      %add3A_243 = arith.addi %get3A_111, %add3A_242 : vector<16xi32>
      %swap3A_244 = arith.index_cast %add3A_240 : i32 to index
      %swap3A_245 = tpu.vector_load %arg8[%swap3A_244] {strides = array<i32>} : memref<8192xi32, #tpu.memory_space<vmem>>, vector<16xi32>,
      tpu.vector_store %arg8[%swap3A_244], %add3A_243 {strides = array<i32>} : memref<8192xi32, #tpu.memory_space<vmem>>, vector<16xi32>,
      %mul3A_246 = arith.constant 16 : i32
      %mul3A_247 = arith.muli %scan3A_105, %mul3A_246 : i32
      %add3A_248 = arith.constant 6016 : i32
      %add3A_249 = arith.addi %add3A_248, %mul3A_247 : i32
      %add3A_250 = arith.constant 1500000 : i32
      %add3A_251 = vector.broadcast %add3A_250 : i32 to vector<16xi32>
      %add3A_252 = arith.addi %get3A_111, %add3A_251 : vector<16xi32>
      %swap3A_253 = arith.index_cast %add3A_249 : i32 to index
      %swap3A_254 = tpu.vector_load %arg8[%swap3A_253] {strides = array<i32>} : memref<8192xi32, #tpu.memory_space<vmem>>, vector<16xi32>,
      tpu.vector_store %arg8[%swap3A_253], %add3A_252 {strides = array<i32>} : memref<8192xi32, #tpu.memory_space<vmem>>, vector<16xi32>,
    }
    %scan3A_34 = arith.constant 8 : i32
    %dma_start3A_35 = arith.constant 4096 : i32
    %dma_start3A_36 = tpu.memref_slice %arg10[%dma_start3A_35] : memref<8192xf32, #tpu.memory_space<vmem>> -> memref<2048xf32, #tpu.memory_space<vmem>>
    %dma_start3A_37 = arith.constant 4096 : i32
    %dma_start3A_38 = tpu.memref_slice %arg8[%dma_start3A_37] : memref<8192xi32, #tpu.memory_space<vmem>> -> memref<2048xi32, #tpu.memory_space<vmem>>
    %dma_start3A_39 = arith.constant 0 : i32
    %dma_start3A_40 = tpu.memref_slice %arg3[%dma_start3A_39] : memref<1600000xf32, #tpu.memory_space<hbm>> -> memref<1600000xf32, #tpu.memory_space<hbm>>
    tpu.enqueue_indirect_dma source(%dma_start3A_40 : memref<1600000xf32, #tpu.memory_space<hbm>>) target(%dma_start3A_36 : memref<2048xf32, #tpu.memory_space<vmem>>) offsets(%dma_start3A_38 : memref<2048xi32, #tpu.memory_space<vmem>>) semaphore(%arg15 : memref<!tpu.dma_semaphore, #tpu.memory_space<semaphore_mem>>)
    %scan3A_41 = arith.constant 0 : i32
    %scan3A_42 = arith.constant 0 : i32
    %scan3A_43 = arith.constant 8 : i32
    %scan3A_44 = arith.addi %scan3A_42, %scan3A_43 : i32
    %scan3A_45 = arith.constant 1 : i32
    scf.for %scan3A_105 = %scan3A_42 to %scan3A_44 step %scan3A_45  : i32 {
      %mul3A_106 = arith.constant 16 : i32
      %mul3A_107 = arith.muli %scan3A_105, %mul3A_106 : i32
      %add3A_108 = arith.constant 384 : i32
      %add3A_109 = arith.addi %add3A_108, %mul3A_107 : i32
      %get3A_110 = arith.index_cast %add3A_109 : i32 to index
      %get3A_111 = tpu.vector_load %arg7[%get3A_110] {strides = array<i32>} : memref<512xi32, #tpu.memory_space<vmem>>, vector<16xi32>,
      %mul3A_112 = arith.constant 16 : i32
      %mul3A_113 = arith.muli %scan3A_105, %mul3A_112 : i32
      %add3A_114 = arith.constant 6144 : i32
      %add3A_115 = arith.addi %add3A_114, %mul3A_113 : i32
      %add3A_116 = arith.constant 0 : i32
      %add3A_117 = vector.broadcast %add3A_116 : i32 to vector<16xi32>
      %add3A_118 = arith.addi %get3A_111, %add3A_117 : vector<16xi32>
      %swap3A = arith.index_cast %add3A_115 : i32 to index
      %swap3A_119 = tpu.vector_load %arg8[%swap3A] {strides = array<i32>} : memref<8192xi32, #tpu.memory_space<vmem>>, vector<16xi32>,
      tpu.vector_store %arg8[%swap3A], %add3A_118 {strides = array<i32>} : memref<8192xi32, #tpu.memory_space<vmem>>, vector<16xi32>,
      %mul3A_120 = arith.constant 16 : i32
      %mul3A_121 = arith.muli %scan3A_105, %mul3A_120 : i32
      %add3A_122 = arith.constant 6272 : i32
      %add3A_123 = arith.addi %add3A_122, %mul3A_121 : i32
      %add3A_124 = arith.constant 100000 : i32
      %add3A_125 = vector.broadcast %add3A_124 : i32 to vector<16xi32>
      %add3A_126 = arith.addi %get3A_111, %add3A_125 : vector<16xi32>
      %swap3A_127 = arith.index_cast %add3A_123 : i32 to index
      %swap3A_128 = tpu.vector_load %arg8[%swap3A_127] {strides = array<i32>} : memref<8192xi32, #tpu.memory_space<vmem>>, vector<16xi32>,
      tpu.vector_store %arg8[%swap3A_127], %add3A_126 {strides = array<i32>} : memref<8192xi32, #tpu.memory_space<vmem>>, vector<16xi32>,
      %mul3A_129 = arith.constant 16 : i32
      %mul3A_130 = arith.muli %scan3A_105, %mul3A_129 : i32
      %add3A_131 = arith.constant 6400 : i32
      %add3A_132 = arith.addi %add3A_131, %mul3A_130 : i32
      %add3A_133 = arith.constant 200000 : i32
      %add3A_134 = vector.broadcast %add3A_133 : i32 to vector<16xi32>
      %add3A_135 = arith.addi %get3A_111, %add3A_134 : vector<16xi32>
      %swap3A_136 = arith.index_cast %add3A_132 : i32 to index
      %swap3A_137 = tpu.vector_load %arg8[%swap3A_136] {strides = array<i32>} : memref<8192xi32, #tpu.memory_space<vmem>>, vector<16xi32>,
      tpu.vector_store %arg8[%swap3A_136], %add3A_135 {strides = array<i32>} : memref<8192xi32, #tpu.memory_space<vmem>>, vector<16xi32>,
      %mul3A_138 = arith.constant 16 : i32
      %mul3A_139 = arith.muli %scan3A_105, %mul3A_138 : i32
      %add3A_140 = arith.constant 6528 : i32
      %add3A_141 = arith.addi %add3A_140, %mul3A_139 : i32
      %add3A_142 = arith.constant 300000 : i32
      %add3A_143 = vector.broadcast %add3A_142 : i32 to vector<16xi32>
      %add3A_144 = arith.addi %get3A_111, %add3A_143 : vector<16xi32>
      %swap3A_145 = arith.index_cast %add3A_141 : i32 to index
      %swap3A_146 = tpu.vector_load %arg8[%swap3A_145] {strides = array<i32>} : memref<8192xi32, #tpu.memory_space<vmem>>, vector<16xi32>,
      tpu.vector_store %arg8[%swap3A_145], %add3A_144 {strides = array<i32>} : memref<8192xi32, #tpu.memory_space<vmem>>, vector<16xi32>,
      %mul3A_147 = arith.constant 16 : i32
      %mul3A_148 = arith.muli %scan3A_105, %mul3A_147 : i32
      %add3A_149 = arith.constant 6656 : i32
      %add3A_150 = arith.addi %add3A_149, %mul3A_148 : i32
      %add3A_151 = arith.constant 400000 : i32
      %add3A_152 = vector.broadcast %add3A_151 : i32 to vector<16xi32>
      %add3A_153 = arith.addi %get3A_111, %add3A_152 : vector<16xi32>
      %swap3A_154 = arith.index_cast %add3A_150 : i32 to index
      %swap3A_155 = tpu.vector_load %arg8[%swap3A_154] {strides = array<i32>} : memref<8192xi32, #tpu.memory_space<vmem>>, vector<16xi32>,
      tpu.vector_store %arg8[%swap3A_154], %add3A_153 {strides = array<i32>} : memref<8192xi32, #tpu.memory_space<vmem>>, vector<16xi32>,
      %mul3A_156 = arith.constant 16 : i32
      %mul3A_157 = arith.muli %scan3A_105, %mul3A_156 : i32
      %add3A_158 = arith.constant 6784 : i32
      %add3A_159 = arith.addi %add3A_158, %mul3A_157 : i32
      %add3A_160 = arith.constant 500000 : i32
      %add3A_161 = vector.broadcast %add3A_160 : i32 to vector<16xi32>
      %add3A_162 = arith.addi %get3A_111, %add3A_161 : vector<16xi32>
      %swap3A_163 = arith.index_cast %add3A_159 : i32 to index
      %swap3A_164 = tpu.vector_load %arg8[%swap3A_163] {strides = array<i32>} : memref<8192xi32, #tpu.memory_space<vmem>>, vector<16xi32>,
      tpu.vector_store %arg8[%swap3A_163], %add3A_162 {strides = array<i32>} : memref<8192xi32, #tpu.memory_space<vmem>>, vector<16xi32>,
      %mul3A_165 = arith.constant 16 : i32
      %mul3A_166 = arith.muli %scan3A_105, %mul3A_165 : i32
      %add3A_167 = arith.constant 6912 : i32
      %add3A_168 = arith.addi %add3A_167, %mul3A_166 : i32
      %add3A_169 = arith.constant 600000 : i32
      %add3A_170 = vector.broadcast %add3A_169 : i32 to vector<16xi32>
      %add3A_171 = arith.addi %get3A_111, %add3A_170 : vector<16xi32>
      %swap3A_172 = arith.index_cast %add3A_168 : i32 to index
      %swap3A_173 = tpu.vector_load %arg8[%swap3A_172] {strides = array<i32>} : memref<8192xi32, #tpu.memory_space<vmem>>, vector<16xi32>,
      tpu.vector_store %arg8[%swap3A_172], %add3A_171 {strides = array<i32>} : memref<8192xi32, #tpu.memory_space<vmem>>, vector<16xi32>,
      %mul3A_174 = arith.constant 16 : i32
      %mul3A_175 = arith.muli %scan3A_105, %mul3A_174 : i32
      %add3A_176 = arith.constant 7040 : i32
      %add3A_177 = arith.addi %add3A_176, %mul3A_175 : i32
      %add3A_178 = arith.constant 700000 : i32
      %add3A_179 = vector.broadcast %add3A_178 : i32 to vector<16xi32>
      %add3A_180 = arith.addi %get3A_111, %add3A_179 : vector<16xi32>
      %swap3A_181 = arith.index_cast %add3A_177 : i32 to index
      %swap3A_182 = tpu.vector_load %arg8[%swap3A_181] {strides = array<i32>} : memref<8192xi32, #tpu.memory_space<vmem>>, vector<16xi32>,
      tpu.vector_store %arg8[%swap3A_181], %add3A_180 {strides = array<i32>} : memref<8192xi32, #tpu.memory_space<vmem>>, vector<16xi32>,
      %mul3A_183 = arith.constant 16 : i32
      %mul3A_184 = arith.muli %scan3A_105, %mul3A_183 : i32
      %add3A_185 = arith.constant 7168 : i32
      %add3A_186 = arith.addi %add3A_185, %mul3A_184 : i32
      %add3A_187 = arith.constant 800000 : i32
      %add3A_188 = vector.broadcast %add3A_187 : i32 to vector<16xi32>
      %add3A_189 = arith.addi %get3A_111, %add3A_188 : vector<16xi32>
      %swap3A_190 = arith.index_cast %add3A_186 : i32 to index
      %swap3A_191 = tpu.vector_load %arg8[%swap3A_190] {strides = array<i32>} : memref<8192xi32, #tpu.memory_space<vmem>>, vector<16xi32>,
      tpu.vector_store %arg8[%swap3A_190], %add3A_189 {strides = array<i32>} : memref<8192xi32, #tpu.memory_space<vmem>>, vector<16xi32>,
      %mul3A_192 = arith.constant 16 : i32
      %mul3A_193 = arith.muli %scan3A_105, %mul3A_192 : i32
      %add3A_194 = arith.constant 7296 : i32
      %add3A_195 = arith.addi %add3A_194, %mul3A_193 : i32
      %add3A_196 = arith.constant 900000 : i32
      %add3A_197 = vector.broadcast %add3A_196 : i32 to vector<16xi32>
      %add3A_198 = arith.addi %get3A_111, %add3A_197 : vector<16xi32>
      %swap3A_199 = arith.index_cast %add3A_195 : i32 to index
      %swap3A_200 = tpu.vector_load %arg8[%swap3A_199] {strides = array<i32>} : memref<8192xi32, #tpu.memory_space<vmem>>, vector<16xi32>,
      tpu.vector_store %arg8[%swap3A_199], %add3A_198 {strides = array<i32>} : memref<8192xi32, #tpu.memory_space<vmem>>, vector<16xi32>,
      %mul3A_201 = arith.constant 16 : i32
      %mul3A_202 = arith.muli %scan3A_105, %mul3A_201 : i32
      %add3A_203 = arith.constant 7424 : i32
      %add3A_204 = arith.addi %add3A_203, %mul3A_202 : i32
      %add3A_205 = arith.constant 1000000 : i32
      %add3A_206 = vector.broadcast %add3A_205 : i32 to vector<16xi32>
      %add3A_207 = arith.addi %get3A_111, %add3A_206 : vector<16xi32>
      %swap3A_208 = arith.index_cast %add3A_204 : i32 to index
      %swap3A_209 = tpu.vector_load %arg8[%swap3A_208] {strides = array<i32>} : memref<8192xi32, #tpu.memory_space<vmem>>, vector<16xi32>,
      tpu.vector_store %arg8[%swap3A_208], %add3A_207 {strides = array<i32>} : memref<8192xi32, #tpu.memory_space<vmem>>, vector<16xi32>,
      %mul3A_210 = arith.constant 16 : i32
      %mul3A_211 = arith.muli %scan3A_105, %mul3A_210 : i32
      %add3A_212 = arith.constant 7552 : i32
      %add3A_213 = arith.addi %add3A_212, %mul3A_211 : i32
      %add3A_214 = arith.constant 1100000 : i32
      %add3A_215 = vector.broadcast %add3A_214 : i32 to vector<16xi32>
      %add3A_216 = arith.addi %get3A_111, %add3A_215 : vector<16xi32>
      %swap3A_217 = arith.index_cast %add3A_213 : i32 to index
      %swap3A_218 = tpu.vector_load %arg8[%swap3A_217] {strides = array<i32>} : memref<8192xi32, #tpu.memory_space<vmem>>, vector<16xi32>,
      tpu.vector_store %arg8[%swap3A_217], %add3A_216 {strides = array<i32>} : memref<8192xi32, #tpu.memory_space<vmem>>, vector<16xi32>,
      %mul3A_219 = arith.constant 16 : i32
      %mul3A_220 = arith.muli %scan3A_105, %mul3A_219 : i32
      %add3A_221 = arith.constant 7680 : i32
      %add3A_222 = arith.addi %add3A_221, %mul3A_220 : i32
      %add3A_223 = arith.constant 1200000 : i32
      %add3A_224 = vector.broadcast %add3A_223 : i32 to vector<16xi32>
      %add3A_225 = arith.addi %get3A_111, %add3A_224 : vector<16xi32>
      %swap3A_226 = arith.index_cast %add3A_222 : i32 to index
      %swap3A_227 = tpu.vector_load %arg8[%swap3A_226] {strides = array<i32>} : memref<8192xi32, #tpu.memory_space<vmem>>, vector<16xi32>,
      tpu.vector_store %arg8[%swap3A_226], %add3A_225 {strides = array<i32>} : memref<8192xi32, #tpu.memory_space<vmem>>, vector<16xi32>,
      %mul3A_228 = arith.constant 16 : i32
      %mul3A_229 = arith.muli %scan3A_105, %mul3A_228 : i32
      %add3A_230 = arith.constant 7808 : i32
      %add3A_231 = arith.addi %add3A_230, %mul3A_229 : i32
      %add3A_232 = arith.constant 1300000 : i32
      %add3A_233 = vector.broadcast %add3A_232 : i32 to vector<16xi32>
      %add3A_234 = arith.addi %get3A_111, %add3A_233 : vector<16xi32>
      %swap3A_235 = arith.index_cast %add3A_231 : i32 to index
      %swap3A_236 = tpu.vector_load %arg8[%swap3A_235] {strides = array<i32>} : memref<8192xi32, #tpu.memory_space<vmem>>, vector<16xi32>,
      tpu.vector_store %arg8[%swap3A_235], %add3A_234 {strides = array<i32>} : memref<8192xi32, #tpu.memory_space<vmem>>, vector<16xi32>,
      %mul3A_237 = arith.constant 16 : i32
      %mul3A_238 = arith.muli %scan3A_105, %mul3A_237 : i32
      %add3A_239 = arith.constant 7936 : i32
      %add3A_240 = arith.addi %add3A_239, %mul3A_238 : i32
      %add3A_241 = arith.constant 1400000 : i32
      %add3A_242 = vector.broadcast %add3A_241 : i32 to vector<16xi32>
      %add3A_243 = arith.addi %get3A_111, %add3A_242 : vector<16xi32>
      %swap3A_244 = arith.index_cast %add3A_240 : i32 to index
      %swap3A_245 = tpu.vector_load %arg8[%swap3A_244] {strides = array<i32>} : memref<8192xi32, #tpu.memory_space<vmem>>, vector<16xi32>,
      tpu.vector_store %arg8[%swap3A_244], %add3A_243 {strides = array<i32>} : memref<8192xi32, #tpu.memory_space<vmem>>, vector<16xi32>,
      %mul3A_246 = arith.constant 16 : i32
      %mul3A_247 = arith.muli %scan3A_105, %mul3A_246 : i32
      %add3A_248 = arith.constant 8064 : i32
      %add3A_249 = arith.addi %add3A_248, %mul3A_247 : i32
      %add3A_250 = arith.constant 1500000 : i32
      %add3A_251 = vector.broadcast %add3A_250 : i32 to vector<16xi32>
      %add3A_252 = arith.addi %get3A_111, %add3A_251 : vector<16xi32>
      %swap3A_253 = arith.index_cast %add3A_249 : i32 to index
      %swap3A_254 = tpu.vector_load %arg8[%swap3A_253] {strides = array<i32>} : memref<8192xi32, #tpu.memory_space<vmem>>, vector<16xi32>,
      tpu.vector_store %arg8[%swap3A_253], %add3A_252 {strides = array<i32>} : memref<8192xi32, #tpu.memory_space<vmem>>, vector<16xi32>,
    }
    %scan3A_46 = arith.constant 8 : i32
    %dma_start3A_47 = arith.constant 6144 : i32
    %dma_start3A_48 = tpu.memref_slice %arg10[%dma_start3A_47] : memref<8192xf32, #tpu.memory_space<vmem>> -> memref<2048xf32, #tpu.memory_space<vmem>>
    %dma_start3A_49 = arith.constant 6144 : i32
    %dma_start3A_50 = tpu.memref_slice %arg8[%dma_start3A_49] : memref<8192xi32, #tpu.memory_space<vmem>> -> memref<2048xi32, #tpu.memory_space<vmem>>
    %dma_start3A_51 = arith.constant 0 : i32
    %dma_start3A_52 = tpu.memref_slice %arg3[%dma_start3A_51] : memref<1600000xf32, #tpu.memory_space<hbm>> -> memref<1600000xf32, #tpu.memory_space<hbm>>
    tpu.enqueue_indirect_dma source(%dma_start3A_52 : memref<1600000xf32, #tpu.memory_space<hbm>>) target(%dma_start3A_48 : memref<2048xf32, #tpu.memory_space<vmem>>) offsets(%dma_start3A_50 : memref<2048xi32, #tpu.memory_space<vmem>>) semaphore(%arg16 : memref<!tpu.dma_semaphore, #tpu.memory_space<semaphore_mem>>)
    "tpu.region"() ({
      %run_scoped3A = tpu.sem_alloc : memref<!tpu.dma_semaphore, #tpu.memory_space<semaphore_mem>>
      tpu.enqueue_dma source(%arg5 : memref<128xf32, #tpu.memory_space<hbm>>) target(%arg12 : memref<128xf32, #tpu.memory_space<vmem>>) target_semaphore(%run_scoped3A : memref<!tpu.dma_semaphore, #tpu.memory_space<semaphore_mem>>)
      tpu.wait_dma2 semaphore(%run_scoped3A : memref<!tpu.dma_semaphore, #tpu.memory_space<semaphore_mem>>) src(%arg5 : memref<128xf32, #tpu.memory_space<hbm>>) dst(%arg12 : memref<128xf32, #tpu.memory_space<vmem>>)
      tpu.yield
    }) : () -> ()
    %get3A = arith.constant 0 : index
    %get3A_53 = tpu.vector_load %arg12[%get3A] {strides = array<i32>} : memref<128xf32, #tpu.memory_space<vmem>>, vector<16xf32>,
    %get3A_54 = arith.constant 16 : index
    %get3A_55 = tpu.vector_load %arg12[%get3A_54] {strides = array<i32>} : memref<128xf32, #tpu.memory_space<vmem>>, vector<16xf32>,
    %dma_wait3A = tpu.memref_slice %arg4[%mul3A_4] : memref<262144xf32, #tpu.memory_space<hbm>> -> memref<8192xf32, #tpu.memory_space<hbm>>
    %dma_wait3A_56 = tpu.memref_slice %arg4[%mul3A_4] : memref<262144xf32, #tpu.memory_space<hbm>> -> memref<8192xf32, #tpu.memory_space<hbm>>
    tpu.wait_dma2 semaphore(%arg17 : memref<!tpu.dma_semaphore, #tpu.memory_space<semaphore_mem>>) src(%dma_wait3A_56 : memref<8192xf32, #tpu.memory_space<hbm>>) dst(%arg9 : memref<8192xf32, #tpu.memory_space<vmem>>)
    %dma_wait3A_57 = arith.constant 0 : i32
    %dma_wait3A_58 = tpu.memref_slice %arg10[%dma_wait3A_57] : memref<8192xf32, #tpu.memory_space<vmem>> -> memref<2048xf32, #tpu.memory_space<vmem>>
    %dma_wait3A_59 = arith.constant 0 : i32
    %dma_wait3A_60 = tpu.memref_slice %arg8[%dma_wait3A_59] : memref<8192xi32, #tpu.memory_space<vmem>> -> memref<2048xi32, #tpu.memory_space<vmem>>
    %dma_wait3A_61 = arith.constant 0 : i32
    %dma_wait3A_62 = tpu.memref_slice %arg3[%dma_wait3A_61] : memref<1600000xf32, #tpu.memory_space<hbm>> -> memref<1600000xf32, #tpu.memory_space<hbm>>
    tpu.wait_indirect_dma semaphore(%arg13 : memref<!tpu.dma_semaphore, #tpu.memory_space<semaphore_mem>>) src(%dma_wait3A_62 : memref<1600000xf32, #tpu.memory_space<hbm>>) dst(%dma_wait3A_58 : memref<2048xf32, #tpu.memory_space<vmem>>)
    %scan3A_63 = arith.constant 0 : i32
    %scan3A_64 = arith.constant 0 : i32
    %scan3A_65 = arith.constant 8 : i32
    %scan3A_66 = arith.addi %scan3A_64, %scan3A_65 : i32
    %scan3A_67 = arith.constant 1 : i32
    scf.for %scan3A_105 = %scan3A_64 to %scan3A_66 step %scan3A_67  : i32 {
      %broadcast_in_dim3A = arith.constant 0.000000e+00 : f32
      %broadcast_in_dim3A_106 = vector.broadcast %broadcast_in_dim3A : f32 to vector<16xf32>
      %mul3A_107 = arith.constant 16 : i32
      %mul3A_108 = arith.muli %scan3A_105, %mul3A_107 : i32
      %add3A_109 = arith.constant 0 : i32
      %add3A_110 = arith.addi %add3A_109, %mul3A_108 : i32
      %get3A_111 = arith.index_cast %add3A_110 : i32 to index
      %get3A_112 = tpu.vector_load %arg9[%get3A_111] {strides = array<i32>} : memref<8192xf32, #tpu.memory_space<vmem>>, vector<16xf32>,
      %get3A_113 = arith.index_cast %add3A_110 : i32 to index
      %get3A_114 = tpu.vector_load %arg10[%get3A_113] {strides = array<i32>} : memref<8192xf32, #tpu.memory_space<vmem>>, vector<16xf32>,
      %mul3A_115 = arith.mulf %get3A_112, %get3A_114 : vector<16xf32>
      %add3A_116 = arith.addf %broadcast_in_dim3A_106, %mul3A_115 : vector<16xf32>
      %mul3A_117 = arith.constant 16 : i32
      %mul3A_118 = arith.muli %scan3A_105, %mul3A_117 : i32
      %add3A_119 = arith.constant 128 : i32
      %add3A_120 = arith.addi %add3A_119, %mul3A_118 : i32
      %get3A_121 = arith.index_cast %add3A_120 : i32 to index
      %get3A_122 = tpu.vector_load %arg9[%get3A_121] {strides = array<i32>} : memref<8192xf32, #tpu.memory_space<vmem>>, vector<16xf32>,
      %get3A_123 = arith.index_cast %add3A_120 : i32 to index
      %get3A_124 = tpu.vector_load %arg10[%get3A_123] {strides = array<i32>} : memref<8192xf32, #tpu.memory_space<vmem>>, vector<16xf32>,
      %mul3A_125 = arith.mulf %get3A_122, %get3A_124 : vector<16xf32>
      %add3A_126 = arith.addf %add3A_116, %mul3A_125 : vector<16xf32>
      %mul3A_127 = arith.constant 16 : i32
      %mul3A_128 = arith.muli %scan3A_105, %mul3A_127 : i32
      %add3A_129 = arith.constant 256 : i32
      %add3A_130 = arith.addi %add3A_129, %mul3A_128 : i32
      %get3A_131 = arith.index_cast %add3A_130 : i32 to index
      %get3A_132 = tpu.vector_load %arg9[%get3A_131] {strides = array<i32>} : memref<8192xf32, #tpu.memory_space<vmem>>, vector<16xf32>,
      %get3A_133 = arith.index_cast %add3A_130 : i32 to index
      %get3A_134 = tpu.vector_load %arg10[%get3A_133] {strides = array<i32>} : memref<8192xf32, #tpu.memory_space<vmem>>, vector<16xf32>,
      %mul3A_135 = arith.mulf %get3A_132, %get3A_134 : vector<16xf32>
      %add3A_136 = arith.addf %add3A_126, %mul3A_135 : vector<16xf32>
      %mul3A_137 = arith.constant 16 : i32
      %mul3A_138 = arith.muli %scan3A_105, %mul3A_137 : i32
      %add3A_139 = arith.constant 384 : i32
      %add3A_140 = arith.addi %add3A_139, %mul3A_138 : i32
      %get3A_141 = arith.index_cast %add3A_140 : i32 to index
      %get3A_142 = tpu.vector_load %arg9[%get3A_141] {strides = array<i32>} : memref<8192xf32, #tpu.memory_space<vmem>>, vector<16xf32>,
      %get3A_143 = arith.index_cast %add3A_140 : i32 to index
      %get3A_144 = tpu.vector_load %arg10[%get3A_143] {strides = array<i32>} : memref<8192xf32, #tpu.memory_space<vmem>>, vector<16xf32>,
      %mul3A_145 = arith.mulf %get3A_142, %get3A_144 : vector<16xf32>
      %add3A_146 = arith.addf %add3A_136, %mul3A_145 : vector<16xf32>
      %mul3A_147 = arith.constant 16 : i32
      %mul3A_148 = arith.muli %scan3A_105, %mul3A_147 : i32
      %add3A_149 = arith.constant 512 : i32
      %add3A_150 = arith.addi %add3A_149, %mul3A_148 : i32
      %get3A_151 = arith.index_cast %add3A_150 : i32 to index
      %get3A_152 = tpu.vector_load %arg9[%get3A_151] {strides = array<i32>} : memref<8192xf32, #tpu.memory_space<vmem>>, vector<16xf32>,
      %get3A_153 = arith.index_cast %add3A_150 : i32 to index
      %get3A_154 = tpu.vector_load %arg10[%get3A_153] {strides = array<i32>} : memref<8192xf32, #tpu.memory_space<vmem>>, vector<16xf32>,
      %mul3A_155 = arith.mulf %get3A_152, %get3A_154 : vector<16xf32>
      %add3A_156 = arith.addf %add3A_146, %mul3A_155 : vector<16xf32>
      %mul3A_157 = arith.constant 16 : i32
      %mul3A_158 = arith.muli %scan3A_105, %mul3A_157 : i32
      %add3A_159 = arith.constant 640 : i32
      %add3A_160 = arith.addi %add3A_159, %mul3A_158 : i32
      %get3A_161 = arith.index_cast %add3A_160 : i32 to index
      %get3A_162 = tpu.vector_load %arg9[%get3A_161] {strides = array<i32>} : memref<8192xf32, #tpu.memory_space<vmem>>, vector<16xf32>,
      %get3A_163 = arith.index_cast %add3A_160 : i32 to index
      %get3A_164 = tpu.vector_load %arg10[%get3A_163] {strides = array<i32>} : memref<8192xf32, #tpu.memory_space<vmem>>, vector<16xf32>,
      %mul3A_165 = arith.mulf %get3A_162, %get3A_164 : vector<16xf32>
      %add3A_166 = arith.addf %add3A_156, %mul3A_165 : vector<16xf32>
      %mul3A_167 = arith.constant 16 : i32
      %mul3A_168 = arith.muli %scan3A_105, %mul3A_167 : i32
      %add3A_169 = arith.constant 768 : i32
      %add3A_170 = arith.addi %add3A_169, %mul3A_168 : i32
      %get3A_171 = arith.index_cast %add3A_170 : i32 to index
      %get3A_172 = tpu.vector_load %arg9[%get3A_171] {strides = array<i32>} : memref<8192xf32, #tpu.memory_space<vmem>>, vector<16xf32>,
      %get3A_173 = arith.index_cast %add3A_170 : i32 to index
      %get3A_174 = tpu.vector_load %arg10[%get3A_173] {strides = array<i32>} : memref<8192xf32, #tpu.memory_space<vmem>>, vector<16xf32>,
      %mul3A_175 = arith.mulf %get3A_172, %get3A_174 : vector<16xf32>
      %add3A_176 = arith.addf %add3A_166, %mul3A_175 : vector<16xf32>
      %mul3A_177 = arith.constant 16 : i32
      %mul3A_178 = arith.muli %scan3A_105, %mul3A_177 : i32
      %add3A_179 = arith.constant 896 : i32
      %add3A_180 = arith.addi %add3A_179, %mul3A_178 : i32
      %get3A_181 = arith.index_cast %add3A_180 : i32 to index
      %get3A_182 = tpu.vector_load %arg9[%get3A_181] {strides = array<i32>} : memref<8192xf32, #tpu.memory_space<vmem>>, vector<16xf32>,
      %get3A_183 = arith.index_cast %add3A_180 : i32 to index
      %get3A_184 = tpu.vector_load %arg10[%get3A_183] {strides = array<i32>} : memref<8192xf32, #tpu.memory_space<vmem>>, vector<16xf32>,
      %mul3A_185 = arith.mulf %get3A_182, %get3A_184 : vector<16xf32>
      %add3A_186 = arith.addf %add3A_176, %mul3A_185 : vector<16xf32>
      %mul3A_187 = arith.constant 16 : i32
      %mul3A_188 = arith.muli %scan3A_105, %mul3A_187 : i32
      %add3A_189 = arith.constant 1024 : i32
      %add3A_190 = arith.addi %add3A_189, %mul3A_188 : i32
      %get3A_191 = arith.index_cast %add3A_190 : i32 to index
      %get3A_192 = tpu.vector_load %arg9[%get3A_191] {strides = array<i32>} : memref<8192xf32, #tpu.memory_space<vmem>>, vector<16xf32>,
      %get3A_193 = arith.index_cast %add3A_190 : i32 to index
      %get3A_194 = tpu.vector_load %arg10[%get3A_193] {strides = array<i32>} : memref<8192xf32, #tpu.memory_space<vmem>>, vector<16xf32>,
      %mul3A_195 = arith.mulf %get3A_192, %get3A_194 : vector<16xf32>
      %add3A_196 = arith.addf %add3A_186, %mul3A_195 : vector<16xf32>
      %mul3A_197 = arith.constant 16 : i32
      %mul3A_198 = arith.muli %scan3A_105, %mul3A_197 : i32
      %add3A_199 = arith.constant 1152 : i32
      %add3A_200 = arith.addi %add3A_199, %mul3A_198 : i32
      %get3A_201 = arith.index_cast %add3A_200 : i32 to index
      %get3A_202 = tpu.vector_load %arg9[%get3A_201] {strides = array<i32>} : memref<8192xf32, #tpu.memory_space<vmem>>, vector<16xf32>,
      %get3A_203 = arith.index_cast %add3A_200 : i32 to index
      %get3A_204 = tpu.vector_load %arg10[%get3A_203] {strides = array<i32>} : memref<8192xf32, #tpu.memory_space<vmem>>, vector<16xf32>,
      %mul3A_205 = arith.mulf %get3A_202, %get3A_204 : vector<16xf32>
      %add3A_206 = arith.addf %add3A_196, %mul3A_205 : vector<16xf32>
      %mul3A_207 = arith.constant 16 : i32
      %mul3A_208 = arith.muli %scan3A_105, %mul3A_207 : i32
      %add3A_209 = arith.constant 1280 : i32
      %add3A_210 = arith.addi %add3A_209, %mul3A_208 : i32
      %get3A_211 = arith.index_cast %add3A_210 : i32 to index
      %get3A_212 = tpu.vector_load %arg9[%get3A_211] {strides = array<i32>} : memref<8192xf32, #tpu.memory_space<vmem>>, vector<16xf32>,
      %get3A_213 = arith.index_cast %add3A_210 : i32 to index
      %get3A_214 = tpu.vector_load %arg10[%get3A_213] {strides = array<i32>} : memref<8192xf32, #tpu.memory_space<vmem>>, vector<16xf32>,
      %mul3A_215 = arith.mulf %get3A_212, %get3A_214 : vector<16xf32>
      %add3A_216 = arith.addf %add3A_206, %mul3A_215 : vector<16xf32>
      %mul3A_217 = arith.constant 16 : i32
      %mul3A_218 = arith.muli %scan3A_105, %mul3A_217 : i32
      %add3A_219 = arith.constant 1408 : i32
      %add3A_220 = arith.addi %add3A_219, %mul3A_218 : i32
      %get3A_221 = arith.index_cast %add3A_220 : i32 to index
      %get3A_222 = tpu.vector_load %arg9[%get3A_221] {strides = array<i32>} : memref<8192xf32, #tpu.memory_space<vmem>>, vector<16xf32>,
      %get3A_223 = arith.index_cast %add3A_220 : i32 to index
      %get3A_224 = tpu.vector_load %arg10[%get3A_223] {strides = array<i32>} : memref<8192xf32, #tpu.memory_space<vmem>>, vector<16xf32>,
      %mul3A_225 = arith.mulf %get3A_222, %get3A_224 : vector<16xf32>
      %add3A_226 = arith.addf %add3A_216, %mul3A_225 : vector<16xf32>
      %mul3A_227 = arith.constant 16 : i32
      %mul3A_228 = arith.muli %scan3A_105, %mul3A_227 : i32
      %add3A_229 = arith.constant 1536 : i32
      %add3A_230 = arith.addi %add3A_229, %mul3A_228 : i32
      %get3A_231 = arith.index_cast %add3A_230 : i32 to index
      %get3A_232 = tpu.vector_load %arg9[%get3A_231] {strides = array<i32>} : memref<8192xf32, #tpu.memory_space<vmem>>, vector<16xf32>,
      %get3A_233 = arith.index_cast %add3A_230 : i32 to index
      %get3A_234 = tpu.vector_load %arg10[%get3A_233] {strides = array<i32>} : memref<8192xf32, #tpu.memory_space<vmem>>, vector<16xf32>,
      %mul3A_235 = arith.mulf %get3A_232, %get3A_234 : vector<16xf32>
      %add3A_236 = arith.addf %add3A_226, %mul3A_235 : vector<16xf32>
      %mul3A_237 = arith.constant 16 : i32
      %mul3A_238 = arith.muli %scan3A_105, %mul3A_237 : i32
      %add3A_239 = arith.constant 1664 : i32
      %add3A_240 = arith.addi %add3A_239, %mul3A_238 : i32
      %get3A_241 = arith.index_cast %add3A_240 : i32 to index
      %get3A_242 = tpu.vector_load %arg9[%get3A_241] {strides = array<i32>} : memref<8192xf32, #tpu.memory_space<vmem>>, vector<16xf32>,
      %get3A_243 = arith.index_cast %add3A_240 : i32 to index
      %get3A_244 = tpu.vector_load %arg10[%get3A_243] {strides = array<i32>} : memref<8192xf32, #tpu.memory_space<vmem>>, vector<16xf32>,
      %mul3A_245 = arith.mulf %get3A_242, %get3A_244 : vector<16xf32>
      %add3A_246 = arith.addf %add3A_236, %mul3A_245 : vector<16xf32>
      %mul3A_247 = arith.constant 16 : i32
      %mul3A_248 = arith.muli %scan3A_105, %mul3A_247 : i32
      %add3A_249 = arith.constant 1792 : i32
      %add3A_250 = arith.addi %add3A_249, %mul3A_248 : i32
      %get3A_251 = arith.index_cast %add3A_250 : i32 to index
      %get3A_252 = tpu.vector_load %arg9[%get3A_251] {strides = array<i32>} : memref<8192xf32, #tpu.memory_space<vmem>>, vector<16xf32>,
      %get3A_253 = arith.index_cast %add3A_250 : i32 to index
      %get3A_254 = tpu.vector_load %arg10[%get3A_253] {strides = array<i32>} : memref<8192xf32, #tpu.memory_space<vmem>>, vector<16xf32>,
      %mul3A_255 = arith.mulf %get3A_252, %get3A_254 : vector<16xf32>
      %add3A_256 = arith.addf %add3A_246, %mul3A_255 : vector<16xf32>
      %mul3A_257 = arith.constant 16 : i32
      %mul3A_258 = arith.muli %scan3A_105, %mul3A_257 : i32
      %add3A_259 = arith.constant 1920 : i32
      %add3A_260 = arith.addi %add3A_259, %mul3A_258 : i32
      %get3A_261 = arith.index_cast %add3A_260 : i32 to index
      %get3A_262 = tpu.vector_load %arg9[%get3A_261] {strides = array<i32>} : memref<8192xf32, #tpu.memory_space<vmem>>, vector<16xf32>,
      %get3A_263 = arith.index_cast %add3A_260 : i32 to index
      %get3A_264 = tpu.vector_load %arg10[%get3A_263] {strides = array<i32>} : memref<8192xf32, #tpu.memory_space<vmem>>, vector<16xf32>,
      %mul3A_265 = arith.mulf %get3A_262, %get3A_264 : vector<16xf32>
      %add3A_266 = arith.addf %add3A_256, %mul3A_265 : vector<16xf32>
      %mul3A_267 = arith.mulf %add3A_266, %get3A_53 : vector<16xf32>
      %add3A_268 = arith.addf %mul3A_267, %get3A_55 : vector<16xf32>
      %neg3A = arith.constant 0.000000e+00 : f32
      %neg3A_269 = vector.broadcast %neg3A : f32 to vector<16xf32>
      %neg3A_270 = arith.subf %neg3A_269, %add3A_268 : vector<16xf32>
      %exp3A = math.exp %neg3A_270 : vector<16xf32>
      %add3A_271 = arith.constant 1.000000e+00 : f32
      %add3A_272 = vector.broadcast %add3A_271 : f32 to vector<16xf32>
      %add3A_273 = arith.addf %add3A_272, %exp3A : vector<16xf32>
      %div3A = arith.constant 1.000000e+00 : f32
      %div3A_274 = vector.broadcast %div3A : f32 to vector<16xf32>
      %div3A_275 = arith.divf %div3A_274, %add3A_273 : vector<16xf32>
      %mul3A_276 = arith.constant 16 : i32
      %mul3A_277 = arith.muli %scan3A_105, %mul3A_276 : i32
      %add3A_278 = arith.constant 0 : i32
      %add3A_279 = arith.addi %add3A_278, %mul3A_277 : i32
      %swap3A = arith.index_cast %add3A_279 : i32 to index
      %swap3A_280 = tpu.vector_load %arg11[%swap3A] {strides = array<i32>} : memref<512xf32, #tpu.memory_space<vmem>>, vector<16xf32>,
      tpu.vector_store %arg11[%swap3A], %div3A_275 {strides = array<i32>} : memref<512xf32, #tpu.memory_space<vmem>>, vector<16xf32>,
    }
    %scan3A_68 = arith.constant 8 : i32
    %dma_wait3A_69 = arith.constant 2048 : i32
    %dma_wait3A_70 = tpu.memref_slice %arg10[%dma_wait3A_69] : memref<8192xf32, #tpu.memory_space<vmem>> -> memref<2048xf32, #tpu.memory_space<vmem>>
    %dma_wait3A_71 = arith.constant 2048 : i32
    %dma_wait3A_72 = tpu.memref_slice %arg8[%dma_wait3A_71] : memref<8192xi32, #tpu.memory_space<vmem>> -> memref<2048xi32, #tpu.memory_space<vmem>>
    %dma_wait3A_73 = arith.constant 0 : i32
    %dma_wait3A_74 = tpu.memref_slice %arg3[%dma_wait3A_73] : memref<1600000xf32, #tpu.memory_space<hbm>> -> memref<1600000xf32, #tpu.memory_space<hbm>>
    tpu.wait_indirect_dma semaphore(%arg14 : memref<!tpu.dma_semaphore, #tpu.memory_space<semaphore_mem>>) src(%dma_wait3A_74 : memref<1600000xf32, #tpu.memory_space<hbm>>) dst(%dma_wait3A_70 : memref<2048xf32, #tpu.memory_space<vmem>>)
    %scan3A_75 = arith.constant 0 : i32
    %scan3A_76 = arith.constant 0 : i32
    %scan3A_77 = arith.constant 8 : i32
    %scan3A_78 = arith.addi %scan3A_76, %scan3A_77 : i32
    %scan3A_79 = arith.constant 1 : i32
    scf.for %scan3A_105 = %scan3A_76 to %scan3A_78 step %scan3A_79  : i32 {
      %broadcast_in_dim3A = arith.constant 0.000000e+00 : f32
      %broadcast_in_dim3A_106 = vector.broadcast %broadcast_in_dim3A : f32 to vector<16xf32>
      %mul3A_107 = arith.constant 16 : i32
      %mul3A_108 = arith.muli %scan3A_105, %mul3A_107 : i32
      %add3A_109 = arith.constant 2048 : i32
      %add3A_110 = arith.addi %add3A_109, %mul3A_108 : i32
      %get3A_111 = arith.index_cast %add3A_110 : i32 to index
      %get3A_112 = tpu.vector_load %arg9[%get3A_111] {strides = array<i32>} : memref<8192xf32, #tpu.memory_space<vmem>>, vector<16xf32>,
      %get3A_113 = arith.index_cast %add3A_110 : i32 to index
      %get3A_114 = tpu.vector_load %arg10[%get3A_113] {strides = array<i32>} : memref<8192xf32, #tpu.memory_space<vmem>>, vector<16xf32>,
      %mul3A_115 = arith.mulf %get3A_112, %get3A_114 : vector<16xf32>
      %add3A_116 = arith.addf %broadcast_in_dim3A_106, %mul3A_115 : vector<16xf32>
      %mul3A_117 = arith.constant 16 : i32
      %mul3A_118 = arith.muli %scan3A_105, %mul3A_117 : i32
      %add3A_119 = arith.constant 2176 : i32
      %add3A_120 = arith.addi %add3A_119, %mul3A_118 : i32
      %get3A_121 = arith.index_cast %add3A_120 : i32 to index
      %get3A_122 = tpu.vector_load %arg9[%get3A_121] {strides = array<i32>} : memref<8192xf32, #tpu.memory_space<vmem>>, vector<16xf32>,
      %get3A_123 = arith.index_cast %add3A_120 : i32 to index
      %get3A_124 = tpu.vector_load %arg10[%get3A_123] {strides = array<i32>} : memref<8192xf32, #tpu.memory_space<vmem>>, vector<16xf32>,
      %mul3A_125 = arith.mulf %get3A_122, %get3A_124 : vector<16xf32>
      %add3A_126 = arith.addf %add3A_116, %mul3A_125 : vector<16xf32>
      %mul3A_127 = arith.constant 16 : i32
      %mul3A_128 = arith.muli %scan3A_105, %mul3A_127 : i32
      %add3A_129 = arith.constant 2304 : i32
      %add3A_130 = arith.addi %add3A_129, %mul3A_128 : i32
      %get3A_131 = arith.index_cast %add3A_130 : i32 to index
      %get3A_132 = tpu.vector_load %arg9[%get3A_131] {strides = array<i32>} : memref<8192xf32, #tpu.memory_space<vmem>>, vector<16xf32>,
      %get3A_133 = arith.index_cast %add3A_130 : i32 to index
      %get3A_134 = tpu.vector_load %arg10[%get3A_133] {strides = array<i32>} : memref<8192xf32, #tpu.memory_space<vmem>>, vector<16xf32>,
      %mul3A_135 = arith.mulf %get3A_132, %get3A_134 : vector<16xf32>
      %add3A_136 = arith.addf %add3A_126, %mul3A_135 : vector<16xf32>
      %mul3A_137 = arith.constant 16 : i32
      %mul3A_138 = arith.muli %scan3A_105, %mul3A_137 : i32
      %add3A_139 = arith.constant 2432 : i32
      %add3A_140 = arith.addi %add3A_139, %mul3A_138 : i32
      %get3A_141 = arith.index_cast %add3A_140 : i32 to index
      %get3A_142 = tpu.vector_load %arg9[%get3A_141] {strides = array<i32>} : memref<8192xf32, #tpu.memory_space<vmem>>, vector<16xf32>,
      %get3A_143 = arith.index_cast %add3A_140 : i32 to index
      %get3A_144 = tpu.vector_load %arg10[%get3A_143] {strides = array<i32>} : memref<8192xf32, #tpu.memory_space<vmem>>, vector<16xf32>,
      %mul3A_145 = arith.mulf %get3A_142, %get3A_144 : vector<16xf32>
      %add3A_146 = arith.addf %add3A_136, %mul3A_145 : vector<16xf32>
      %mul3A_147 = arith.constant 16 : i32
      %mul3A_148 = arith.muli %scan3A_105, %mul3A_147 : i32
      %add3A_149 = arith.constant 2560 : i32
      %add3A_150 = arith.addi %add3A_149, %mul3A_148 : i32
      %get3A_151 = arith.index_cast %add3A_150 : i32 to index
      %get3A_152 = tpu.vector_load %arg9[%get3A_151] {strides = array<i32>} : memref<8192xf32, #tpu.memory_space<vmem>>, vector<16xf32>,
      %get3A_153 = arith.index_cast %add3A_150 : i32 to index
      %get3A_154 = tpu.vector_load %arg10[%get3A_153] {strides = array<i32>} : memref<8192xf32, #tpu.memory_space<vmem>>, vector<16xf32>,
      %mul3A_155 = arith.mulf %get3A_152, %get3A_154 : vector<16xf32>
      %add3A_156 = arith.addf %add3A_146, %mul3A_155 : vector<16xf32>
      %mul3A_157 = arith.constant 16 : i32
      %mul3A_158 = arith.muli %scan3A_105, %mul3A_157 : i32
      %add3A_159 = arith.constant 2688 : i32
      %add3A_160 = arith.addi %add3A_159, %mul3A_158 : i32
      %get3A_161 = arith.index_cast %add3A_160 : i32 to index
      %get3A_162 = tpu.vector_load %arg9[%get3A_161] {strides = array<i32>} : memref<8192xf32, #tpu.memory_space<vmem>>, vector<16xf32>,
      %get3A_163 = arith.index_cast %add3A_160 : i32 to index
      %get3A_164 = tpu.vector_load %arg10[%get3A_163] {strides = array<i32>} : memref<8192xf32, #tpu.memory_space<vmem>>, vector<16xf32>,
      %mul3A_165 = arith.mulf %get3A_162, %get3A_164 : vector<16xf32>
      %add3A_166 = arith.addf %add3A_156, %mul3A_165 : vector<16xf32>
      %mul3A_167 = arith.constant 16 : i32
      %mul3A_168 = arith.muli %scan3A_105, %mul3A_167 : i32
      %add3A_169 = arith.constant 2816 : i32
      %add3A_170 = arith.addi %add3A_169, %mul3A_168 : i32
      %get3A_171 = arith.index_cast %add3A_170 : i32 to index
      %get3A_172 = tpu.vector_load %arg9[%get3A_171] {strides = array<i32>} : memref<8192xf32, #tpu.memory_space<vmem>>, vector<16xf32>,
      %get3A_173 = arith.index_cast %add3A_170 : i32 to index
      %get3A_174 = tpu.vector_load %arg10[%get3A_173] {strides = array<i32>} : memref<8192xf32, #tpu.memory_space<vmem>>, vector<16xf32>,
      %mul3A_175 = arith.mulf %get3A_172, %get3A_174 : vector<16xf32>
      %add3A_176 = arith.addf %add3A_166, %mul3A_175 : vector<16xf32>
      %mul3A_177 = arith.constant 16 : i32
      %mul3A_178 = arith.muli %scan3A_105, %mul3A_177 : i32
      %add3A_179 = arith.constant 2944 : i32
      %add3A_180 = arith.addi %add3A_179, %mul3A_178 : i32
      %get3A_181 = arith.index_cast %add3A_180 : i32 to index
      %get3A_182 = tpu.vector_load %arg9[%get3A_181] {strides = array<i32>} : memref<8192xf32, #tpu.memory_space<vmem>>, vector<16xf32>,
      %get3A_183 = arith.index_cast %add3A_180 : i32 to index
      %get3A_184 = tpu.vector_load %arg10[%get3A_183] {strides = array<i32>} : memref<8192xf32, #tpu.memory_space<vmem>>, vector<16xf32>,
      %mul3A_185 = arith.mulf %get3A_182, %get3A_184 : vector<16xf32>
      %add3A_186 = arith.addf %add3A_176, %mul3A_185 : vector<16xf32>
      %mul3A_187 = arith.constant 16 : i32
      %mul3A_188 = arith.muli %scan3A_105, %mul3A_187 : i32
      %add3A_189 = arith.constant 3072 : i32
      %add3A_190 = arith.addi %add3A_189, %mul3A_188 : i32
      %get3A_191 = arith.index_cast %add3A_190 : i32 to index
      %get3A_192 = tpu.vector_load %arg9[%get3A_191] {strides = array<i32>} : memref<8192xf32, #tpu.memory_space<vmem>>, vector<16xf32>,
      %get3A_193 = arith.index_cast %add3A_190 : i32 to index
      %get3A_194 = tpu.vector_load %arg10[%get3A_193] {strides = array<i32>} : memref<8192xf32, #tpu.memory_space<vmem>>, vector<16xf32>,
      %mul3A_195 = arith.mulf %get3A_192, %get3A_194 : vector<16xf32>
      %add3A_196 = arith.addf %add3A_186, %mul3A_195 : vector<16xf32>
      %mul3A_197 = arith.constant 16 : i32
      %mul3A_198 = arith.muli %scan3A_105, %mul3A_197 : i32
      %add3A_199 = arith.constant 3200 : i32
      %add3A_200 = arith.addi %add3A_199, %mul3A_198 : i32
      %get3A_201 = arith.index_cast %add3A_200 : i32 to index
      %get3A_202 = tpu.vector_load %arg9[%get3A_201] {strides = array<i32>} : memref<8192xf32, #tpu.memory_space<vmem>>, vector<16xf32>,
      %get3A_203 = arith.index_cast %add3A_200 : i32 to index
      %get3A_204 = tpu.vector_load %arg10[%get3A_203] {strides = array<i32>} : memref<8192xf32, #tpu.memory_space<vmem>>, vector<16xf32>,
      %mul3A_205 = arith.mulf %get3A_202, %get3A_204 : vector<16xf32>
      %add3A_206 = arith.addf %add3A_196, %mul3A_205 : vector<16xf32>
      %mul3A_207 = arith.constant 16 : i32
      %mul3A_208 = arith.muli %scan3A_105, %mul3A_207 : i32
      %add3A_209 = arith.constant 3328 : i32
      %add3A_210 = arith.addi %add3A_209, %mul3A_208 : i32
      %get3A_211 = arith.index_cast %add3A_210 : i32 to index
      %get3A_212 = tpu.vector_load %arg9[%get3A_211] {strides = array<i32>} : memref<8192xf32, #tpu.memory_space<vmem>>, vector<16xf32>,
      %get3A_213 = arith.index_cast %add3A_210 : i32 to index
      %get3A_214 = tpu.vector_load %arg10[%get3A_213] {strides = array<i32>} : memref<8192xf32, #tpu.memory_space<vmem>>, vector<16xf32>,
      %mul3A_215 = arith.mulf %get3A_212, %get3A_214 : vector<16xf32>
      %add3A_216 = arith.addf %add3A_206, %mul3A_215 : vector<16xf32>
      %mul3A_217 = arith.constant 16 : i32
      %mul3A_218 = arith.muli %scan3A_105, %mul3A_217 : i32
      %add3A_219 = arith.constant 3456 : i32
      %add3A_220 = arith.addi %add3A_219, %mul3A_218 : i32
      %get3A_221 = arith.index_cast %add3A_220 : i32 to index
      %get3A_222 = tpu.vector_load %arg9[%get3A_221] {strides = array<i32>} : memref<8192xf32, #tpu.memory_space<vmem>>, vector<16xf32>,
      %get3A_223 = arith.index_cast %add3A_220 : i32 to index
      %get3A_224 = tpu.vector_load %arg10[%get3A_223] {strides = array<i32>} : memref<8192xf32, #tpu.memory_space<vmem>>, vector<16xf32>,
      %mul3A_225 = arith.mulf %get3A_222, %get3A_224 : vector<16xf32>
      %add3A_226 = arith.addf %add3A_216, %mul3A_225 : vector<16xf32>
      %mul3A_227 = arith.constant 16 : i32
      %mul3A_228 = arith.muli %scan3A_105, %mul3A_227 : i32
      %add3A_229 = arith.constant 3584 : i32
      %add3A_230 = arith.addi %add3A_229, %mul3A_228 : i32
      %get3A_231 = arith.index_cast %add3A_230 : i32 to index
      %get3A_232 = tpu.vector_load %arg9[%get3A_231] {strides = array<i32>} : memref<8192xf32, #tpu.memory_space<vmem>>, vector<16xf32>,
      %get3A_233 = arith.index_cast %add3A_230 : i32 to index
      %get3A_234 = tpu.vector_load %arg10[%get3A_233] {strides = array<i32>} : memref<8192xf32, #tpu.memory_space<vmem>>, vector<16xf32>,
      %mul3A_235 = arith.mulf %get3A_232, %get3A_234 : vector<16xf32>
      %add3A_236 = arith.addf %add3A_226, %mul3A_235 : vector<16xf32>
      %mul3A_237 = arith.constant 16 : i32
      %mul3A_238 = arith.muli %scan3A_105, %mul3A_237 : i32
      %add3A_239 = arith.constant 3712 : i32
      %add3A_240 = arith.addi %add3A_239, %mul3A_238 : i32
      %get3A_241 = arith.index_cast %add3A_240 : i32 to index
      %get3A_242 = tpu.vector_load %arg9[%get3A_241] {strides = array<i32>} : memref<8192xf32, #tpu.memory_space<vmem>>, vector<16xf32>,
      %get3A_243 = arith.index_cast %add3A_240 : i32 to index
      %get3A_244 = tpu.vector_load %arg10[%get3A_243] {strides = array<i32>} : memref<8192xf32, #tpu.memory_space<vmem>>, vector<16xf32>,
      %mul3A_245 = arith.mulf %get3A_242, %get3A_244 : vector<16xf32>
      %add3A_246 = arith.addf %add3A_236, %mul3A_245 : vector<16xf32>
      %mul3A_247 = arith.constant 16 : i32
      %mul3A_248 = arith.muli %scan3A_105, %mul3A_247 : i32
      %add3A_249 = arith.constant 3840 : i32
      %add3A_250 = arith.addi %add3A_249, %mul3A_248 : i32
      %get3A_251 = arith.index_cast %add3A_250 : i32 to index
      %get3A_252 = tpu.vector_load %arg9[%get3A_251] {strides = array<i32>} : memref<8192xf32, #tpu.memory_space<vmem>>, vector<16xf32>,
      %get3A_253 = arith.index_cast %add3A_250 : i32 to index
      %get3A_254 = tpu.vector_load %arg10[%get3A_253] {strides = array<i32>} : memref<8192xf32, #tpu.memory_space<vmem>>, vector<16xf32>,
      %mul3A_255 = arith.mulf %get3A_252, %get3A_254 : vector<16xf32>
      %add3A_256 = arith.addf %add3A_246, %mul3A_255 : vector<16xf32>
      %mul3A_257 = arith.constant 16 : i32
      %mul3A_258 = arith.muli %scan3A_105, %mul3A_257 : i32
      %add3A_259 = arith.constant 3968 : i32
      %add3A_260 = arith.addi %add3A_259, %mul3A_258 : i32
      %get3A_261 = arith.index_cast %add3A_260 : i32 to index
      %get3A_262 = tpu.vector_load %arg9[%get3A_261] {strides = array<i32>} : memref<8192xf32, #tpu.memory_space<vmem>>, vector<16xf32>,
      %get3A_263 = arith.index_cast %add3A_260 : i32 to index
      %get3A_264 = tpu.vector_load %arg10[%get3A_263] {strides = array<i32>} : memref<8192xf32, #tpu.memory_space<vmem>>, vector<16xf32>,
      %mul3A_265 = arith.mulf %get3A_262, %get3A_264 : vector<16xf32>
      %add3A_266 = arith.addf %add3A_256, %mul3A_265 : vector<16xf32>
      %mul3A_267 = arith.mulf %add3A_266, %get3A_53 : vector<16xf32>
      %add3A_268 = arith.addf %mul3A_267, %get3A_55 : vector<16xf32>
      %neg3A = arith.constant 0.000000e+00 : f32
      %neg3A_269 = vector.broadcast %neg3A : f32 to vector<16xf32>
      %neg3A_270 = arith.subf %neg3A_269, %add3A_268 : vector<16xf32>
      %exp3A = math.exp %neg3A_270 : vector<16xf32>
      %add3A_271 = arith.constant 1.000000e+00 : f32
      %add3A_272 = vector.broadcast %add3A_271 : f32 to vector<16xf32>
      %add3A_273 = arith.addf %add3A_272, %exp3A : vector<16xf32>
      %div3A = arith.constant 1.000000e+00 : f32
      %div3A_274 = vector.broadcast %div3A : f32 to vector<16xf32>
      %div3A_275 = arith.divf %div3A_274, %add3A_273 : vector<16xf32>
      %mul3A_276 = arith.constant 16 : i32
      %mul3A_277 = arith.muli %scan3A_105, %mul3A_276 : i32
      %add3A_278 = arith.constant 128 : i32
      %add3A_279 = arith.addi %add3A_278, %mul3A_277 : i32
      %swap3A = arith.index_cast %add3A_279 : i32 to index
      %swap3A_280 = tpu.vector_load %arg11[%swap3A] {strides = array<i32>} : memref<512xf32, #tpu.memory_space<vmem>>, vector<16xf32>,
      tpu.vector_store %arg11[%swap3A], %div3A_275 {strides = array<i32>} : memref<512xf32, #tpu.memory_space<vmem>>, vector<16xf32>,
    }
    %scan3A_80 = arith.constant 8 : i32
    %dma_wait3A_81 = arith.constant 4096 : i32
    %dma_wait3A_82 = tpu.memref_slice %arg10[%dma_wait3A_81] : memref<8192xf32, #tpu.memory_space<vmem>> -> memref<2048xf32, #tpu.memory_space<vmem>>
    %dma_wait3A_83 = arith.constant 4096 : i32
    %dma_wait3A_84 = tpu.memref_slice %arg8[%dma_wait3A_83] : memref<8192xi32, #tpu.memory_space<vmem>> -> memref<2048xi32, #tpu.memory_space<vmem>>
    %dma_wait3A_85 = arith.constant 0 : i32
    %dma_wait3A_86 = tpu.memref_slice %arg3[%dma_wait3A_85] : memref<1600000xf32, #tpu.memory_space<hbm>> -> memref<1600000xf32, #tpu.memory_space<hbm>>
    tpu.wait_indirect_dma semaphore(%arg15 : memref<!tpu.dma_semaphore, #tpu.memory_space<semaphore_mem>>) src(%dma_wait3A_86 : memref<1600000xf32, #tpu.memory_space<hbm>>) dst(%dma_wait3A_82 : memref<2048xf32, #tpu.memory_space<vmem>>)
    %scan3A_87 = arith.constant 0 : i32
    %scan3A_88 = arith.constant 0 : i32
    %scan3A_89 = arith.constant 8 : i32
    %scan3A_90 = arith.addi %scan3A_88, %scan3A_89 : i32
    %scan3A_91 = arith.constant 1 : i32
    scf.for %scan3A_105 = %scan3A_88 to %scan3A_90 step %scan3A_91  : i32 {
      %broadcast_in_dim3A = arith.constant 0.000000e+00 : f32
      %broadcast_in_dim3A_106 = vector.broadcast %broadcast_in_dim3A : f32 to vector<16xf32>
      %mul3A_107 = arith.constant 16 : i32
      %mul3A_108 = arith.muli %scan3A_105, %mul3A_107 : i32
      %add3A_109 = arith.constant 4096 : i32
      %add3A_110 = arith.addi %add3A_109, %mul3A_108 : i32
      %get3A_111 = arith.index_cast %add3A_110 : i32 to index
      %get3A_112 = tpu.vector_load %arg9[%get3A_111] {strides = array<i32>} : memref<8192xf32, #tpu.memory_space<vmem>>, vector<16xf32>,
      %get3A_113 = arith.index_cast %add3A_110 : i32 to index
      %get3A_114 = tpu.vector_load %arg10[%get3A_113] {strides = array<i32>} : memref<8192xf32, #tpu.memory_space<vmem>>, vector<16xf32>,
      %mul3A_115 = arith.mulf %get3A_112, %get3A_114 : vector<16xf32>
      %add3A_116 = arith.addf %broadcast_in_dim3A_106, %mul3A_115 : vector<16xf32>
      %mul3A_117 = arith.constant 16 : i32
      %mul3A_118 = arith.muli %scan3A_105, %mul3A_117 : i32
      %add3A_119 = arith.constant 4224 : i32
      %add3A_120 = arith.addi %add3A_119, %mul3A_118 : i32
      %get3A_121 = arith.index_cast %add3A_120 : i32 to index
      %get3A_122 = tpu.vector_load %arg9[%get3A_121] {strides = array<i32>} : memref<8192xf32, #tpu.memory_space<vmem>>, vector<16xf32>,
      %get3A_123 = arith.index_cast %add3A_120 : i32 to index
      %get3A_124 = tpu.vector_load %arg10[%get3A_123] {strides = array<i32>} : memref<8192xf32, #tpu.memory_space<vmem>>, vector<16xf32>,
      %mul3A_125 = arith.mulf %get3A_122, %get3A_124 : vector<16xf32>
      %add3A_126 = arith.addf %add3A_116, %mul3A_125 : vector<16xf32>
      %mul3A_127 = arith.constant 16 : i32
      %mul3A_128 = arith.muli %scan3A_105, %mul3A_127 : i32
      %add3A_129 = arith.constant 4352 : i32
      %add3A_130 = arith.addi %add3A_129, %mul3A_128 : i32
      %get3A_131 = arith.index_cast %add3A_130 : i32 to index
      %get3A_132 = tpu.vector_load %arg9[%get3A_131] {strides = array<i32>} : memref<8192xf32, #tpu.memory_space<vmem>>, vector<16xf32>,
      %get3A_133 = arith.index_cast %add3A_130 : i32 to index
      %get3A_134 = tpu.vector_load %arg10[%get3A_133] {strides = array<i32>} : memref<8192xf32, #tpu.memory_space<vmem>>, vector<16xf32>,
      %mul3A_135 = arith.mulf %get3A_132, %get3A_134 : vector<16xf32>
      %add3A_136 = arith.addf %add3A_126, %mul3A_135 : vector<16xf32>
      %mul3A_137 = arith.constant 16 : i32
      %mul3A_138 = arith.muli %scan3A_105, %mul3A_137 : i32
      %add3A_139 = arith.constant 4480 : i32
      %add3A_140 = arith.addi %add3A_139, %mul3A_138 : i32
      %get3A_141 = arith.index_cast %add3A_140 : i32 to index
      %get3A_142 = tpu.vector_load %arg9[%get3A_141] {strides = array<i32>} : memref<8192xf32, #tpu.memory_space<vmem>>, vector<16xf32>,
      %get3A_143 = arith.index_cast %add3A_140 : i32 to index
      %get3A_144 = tpu.vector_load %arg10[%get3A_143] {strides = array<i32>} : memref<8192xf32, #tpu.memory_space<vmem>>, vector<16xf32>,
      %mul3A_145 = arith.mulf %get3A_142, %get3A_144 : vector<16xf32>
      %add3A_146 = arith.addf %add3A_136, %mul3A_145 : vector<16xf32>
      %mul3A_147 = arith.constant 16 : i32
      %mul3A_148 = arith.muli %scan3A_105, %mul3A_147 : i32
      %add3A_149 = arith.constant 4608 : i32
      %add3A_150 = arith.addi %add3A_149, %mul3A_148 : i32
      %get3A_151 = arith.index_cast %add3A_150 : i32 to index
      %get3A_152 = tpu.vector_load %arg9[%get3A_151] {strides = array<i32>} : memref<8192xf32, #tpu.memory_space<vmem>>, vector<16xf32>,
      %get3A_153 = arith.index_cast %add3A_150 : i32 to index
      %get3A_154 = tpu.vector_load %arg10[%get3A_153] {strides = array<i32>} : memref<8192xf32, #tpu.memory_space<vmem>>, vector<16xf32>,
      %mul3A_155 = arith.mulf %get3A_152, %get3A_154 : vector<16xf32>
      %add3A_156 = arith.addf %add3A_146, %mul3A_155 : vector<16xf32>
      %mul3A_157 = arith.constant 16 : i32
      %mul3A_158 = arith.muli %scan3A_105, %mul3A_157 : i32
      %add3A_159 = arith.constant 4736 : i32
      %add3A_160 = arith.addi %add3A_159, %mul3A_158 : i32
      %get3A_161 = arith.index_cast %add3A_160 : i32 to index
      %get3A_162 = tpu.vector_load %arg9[%get3A_161] {strides = array<i32>} : memref<8192xf32, #tpu.memory_space<vmem>>, vector<16xf32>,
      %get3A_163 = arith.index_cast %add3A_160 : i32 to index
      %get3A_164 = tpu.vector_load %arg10[%get3A_163] {strides = array<i32>} : memref<8192xf32, #tpu.memory_space<vmem>>, vector<16xf32>,
      %mul3A_165 = arith.mulf %get3A_162, %get3A_164 : vector<16xf32>
      %add3A_166 = arith.addf %add3A_156, %mul3A_165 : vector<16xf32>
      %mul3A_167 = arith.constant 16 : i32
      %mul3A_168 = arith.muli %scan3A_105, %mul3A_167 : i32
      %add3A_169 = arith.constant 4864 : i32
      %add3A_170 = arith.addi %add3A_169, %mul3A_168 : i32
      %get3A_171 = arith.index_cast %add3A_170 : i32 to index
      %get3A_172 = tpu.vector_load %arg9[%get3A_171] {strides = array<i32>} : memref<8192xf32, #tpu.memory_space<vmem>>, vector<16xf32>,
      %get3A_173 = arith.index_cast %add3A_170 : i32 to index
      %get3A_174 = tpu.vector_load %arg10[%get3A_173] {strides = array<i32>} : memref<8192xf32, #tpu.memory_space<vmem>>, vector<16xf32>,
      %mul3A_175 = arith.mulf %get3A_172, %get3A_174 : vector<16xf32>
      %add3A_176 = arith.addf %add3A_166, %mul3A_175 : vector<16xf32>
      %mul3A_177 = arith.constant 16 : i32
      %mul3A_178 = arith.muli %scan3A_105, %mul3A_177 : i32
      %add3A_179 = arith.constant 4992 : i32
      %add3A_180 = arith.addi %add3A_179, %mul3A_178 : i32
      %get3A_181 = arith.index_cast %add3A_180 : i32 to index
      %get3A_182 = tpu.vector_load %arg9[%get3A_181] {strides = array<i32>} : memref<8192xf32, #tpu.memory_space<vmem>>, vector<16xf32>,
      %get3A_183 = arith.index_cast %add3A_180 : i32 to index
      %get3A_184 = tpu.vector_load %arg10[%get3A_183] {strides = array<i32>} : memref<8192xf32, #tpu.memory_space<vmem>>, vector<16xf32>,
      %mul3A_185 = arith.mulf %get3A_182, %get3A_184 : vector<16xf32>
      %add3A_186 = arith.addf %add3A_176, %mul3A_185 : vector<16xf32>
      %mul3A_187 = arith.constant 16 : i32
      %mul3A_188 = arith.muli %scan3A_105, %mul3A_187 : i32
      %add3A_189 = arith.constant 5120 : i32
      %add3A_190 = arith.addi %add3A_189, %mul3A_188 : i32
      %get3A_191 = arith.index_cast %add3A_190 : i32 to index
      %get3A_192 = tpu.vector_load %arg9[%get3A_191] {strides = array<i32>} : memref<8192xf32, #tpu.memory_space<vmem>>, vector<16xf32>,
      %get3A_193 = arith.index_cast %add3A_190 : i32 to index
      %get3A_194 = tpu.vector_load %arg10[%get3A_193] {strides = array<i32>} : memref<8192xf32, #tpu.memory_space<vmem>>, vector<16xf32>,
      %mul3A_195 = arith.mulf %get3A_192, %get3A_194 : vector<16xf32>
      %add3A_196 = arith.addf %add3A_186, %mul3A_195 : vector<16xf32>
      %mul3A_197 = arith.constant 16 : i32
      %mul3A_198 = arith.muli %scan3A_105, %mul3A_197 : i32
      %add3A_199 = arith.constant 5248 : i32
      %add3A_200 = arith.addi %add3A_199, %mul3A_198 : i32
      %get3A_201 = arith.index_cast %add3A_200 : i32 to index
      %get3A_202 = tpu.vector_load %arg9[%get3A_201] {strides = array<i32>} : memref<8192xf32, #tpu.memory_space<vmem>>, vector<16xf32>,
      %get3A_203 = arith.index_cast %add3A_200 : i32 to index
      %get3A_204 = tpu.vector_load %arg10[%get3A_203] {strides = array<i32>} : memref<8192xf32, #tpu.memory_space<vmem>>, vector<16xf32>,
      %mul3A_205 = arith.mulf %get3A_202, %get3A_204 : vector<16xf32>
      %add3A_206 = arith.addf %add3A_196, %mul3A_205 : vector<16xf32>
      %mul3A_207 = arith.constant 16 : i32
      %mul3A_208 = arith.muli %scan3A_105, %mul3A_207 : i32
      %add3A_209 = arith.constant 5376 : i32
      %add3A_210 = arith.addi %add3A_209, %mul3A_208 : i32
      %get3A_211 = arith.index_cast %add3A_210 : i32 to index
      %get3A_212 = tpu.vector_load %arg9[%get3A_211] {strides = array<i32>} : memref<8192xf32, #tpu.memory_space<vmem>>, vector<16xf32>,
      %get3A_213 = arith.index_cast %add3A_210 : i32 to index
      %get3A_214 = tpu.vector_load %arg10[%get3A_213] {strides = array<i32>} : memref<8192xf32, #tpu.memory_space<vmem>>, vector<16xf32>,
      %mul3A_215 = arith.mulf %get3A_212, %get3A_214 : vector<16xf32>
      %add3A_216 = arith.addf %add3A_206, %mul3A_215 : vector<16xf32>
      %mul3A_217 = arith.constant 16 : i32
      %mul3A_218 = arith.muli %scan3A_105, %mul3A_217 : i32
      %add3A_219 = arith.constant 5504 : i32
      %add3A_220 = arith.addi %add3A_219, %mul3A_218 : i32
      %get3A_221 = arith.index_cast %add3A_220 : i32 to index
      %get3A_222 = tpu.vector_load %arg9[%get3A_221] {strides = array<i32>} : memref<8192xf32, #tpu.memory_space<vmem>>, vector<16xf32>,
      %get3A_223 = arith.index_cast %add3A_220 : i32 to index
      %get3A_224 = tpu.vector_load %arg10[%get3A_223] {strides = array<i32>} : memref<8192xf32, #tpu.memory_space<vmem>>, vector<16xf32>,
      %mul3A_225 = arith.mulf %get3A_222, %get3A_224 : vector<16xf32>
      %add3A_226 = arith.addf %add3A_216, %mul3A_225 : vector<16xf32>
      %mul3A_227 = arith.constant 16 : i32
      %mul3A_228 = arith.muli %scan3A_105, %mul3A_227 : i32
      %add3A_229 = arith.constant 5632 : i32
      %add3A_230 = arith.addi %add3A_229, %mul3A_228 : i32
      %get3A_231 = arith.index_cast %add3A_230 : i32 to index
      %get3A_232 = tpu.vector_load %arg9[%get3A_231] {strides = array<i32>} : memref<8192xf32, #tpu.memory_space<vmem>>, vector<16xf32>,
      %get3A_233 = arith.index_cast %add3A_230 : i32 to index
      %get3A_234 = tpu.vector_load %arg10[%get3A_233] {strides = array<i32>} : memref<8192xf32, #tpu.memory_space<vmem>>, vector<16xf32>,
      %mul3A_235 = arith.mulf %get3A_232, %get3A_234 : vector<16xf32>
      %add3A_236 = arith.addf %add3A_226, %mul3A_235 : vector<16xf32>
      %mul3A_237 = arith.constant 16 : i32
      %mul3A_238 = arith.muli %scan3A_105, %mul3A_237 : i32
      %add3A_239 = arith.constant 5760 : i32
      %add3A_240 = arith.addi %add3A_239, %mul3A_238 : i32
      %get3A_241 = arith.index_cast %add3A_240 : i32 to index
      %get3A_242 = tpu.vector_load %arg9[%get3A_241] {strides = array<i32>} : memref<8192xf32, #tpu.memory_space<vmem>>, vector<16xf32>,
      %get3A_243 = arith.index_cast %add3A_240 : i32 to index
      %get3A_244 = tpu.vector_load %arg10[%get3A_243] {strides = array<i32>} : memref<8192xf32, #tpu.memory_space<vmem>>, vector<16xf32>,
      %mul3A_245 = arith.mulf %get3A_242, %get3A_244 : vector<16xf32>
      %add3A_246 = arith.addf %add3A_236, %mul3A_245 : vector<16xf32>
      %mul3A_247 = arith.constant 16 : i32
      %mul3A_248 = arith.muli %scan3A_105, %mul3A_247 : i32
      %add3A_249 = arith.constant 5888 : i32
      %add3A_250 = arith.addi %add3A_249, %mul3A_248 : i32
      %get3A_251 = arith.index_cast %add3A_250 : i32 to index
      %get3A_252 = tpu.vector_load %arg9[%get3A_251] {strides = array<i32>} : memref<8192xf32, #tpu.memory_space<vmem>>, vector<16xf32>,
      %get3A_253 = arith.index_cast %add3A_250 : i32 to index
      %get3A_254 = tpu.vector_load %arg10[%get3A_253] {strides = array<i32>} : memref<8192xf32, #tpu.memory_space<vmem>>, vector<16xf32>,
      %mul3A_255 = arith.mulf %get3A_252, %get3A_254 : vector<16xf32>
      %add3A_256 = arith.addf %add3A_246, %mul3A_255 : vector<16xf32>
      %mul3A_257 = arith.constant 16 : i32
      %mul3A_258 = arith.muli %scan3A_105, %mul3A_257 : i32
      %add3A_259 = arith.constant 6016 : i32
      %add3A_260 = arith.addi %add3A_259, %mul3A_258 : i32
      %get3A_261 = arith.index_cast %add3A_260 : i32 to index
      %get3A_262 = tpu.vector_load %arg9[%get3A_261] {strides = array<i32>} : memref<8192xf32, #tpu.memory_space<vmem>>, vector<16xf32>,
      %get3A_263 = arith.index_cast %add3A_260 : i32 to index
      %get3A_264 = tpu.vector_load %arg10[%get3A_263] {strides = array<i32>} : memref<8192xf32, #tpu.memory_space<vmem>>, vector<16xf32>,
      %mul3A_265 = arith.mulf %get3A_262, %get3A_264 : vector<16xf32>
      %add3A_266 = arith.addf %add3A_256, %mul3A_265 : vector<16xf32>
      %mul3A_267 = arith.mulf %add3A_266, %get3A_53 : vector<16xf32>
      %add3A_268 = arith.addf %mul3A_267, %get3A_55 : vector<16xf32>
      %neg3A = arith.constant 0.000000e+00 : f32
      %neg3A_269 = vector.broadcast %neg3A : f32 to vector<16xf32>
      %neg3A_270 = arith.subf %neg3A_269, %add3A_268 : vector<16xf32>
      %exp3A = math.exp %neg3A_270 : vector<16xf32>
      %add3A_271 = arith.constant 1.000000e+00 : f32
      %add3A_272 = vector.broadcast %add3A_271 : f32 to vector<16xf32>
      %add3A_273 = arith.addf %add3A_272, %exp3A : vector<16xf32>
      %div3A = arith.constant 1.000000e+00 : f32
      %div3A_274 = vector.broadcast %div3A : f32 to vector<16xf32>
      %div3A_275 = arith.divf %div3A_274, %add3A_273 : vector<16xf32>
      %mul3A_276 = arith.constant 16 : i32
      %mul3A_277 = arith.muli %scan3A_105, %mul3A_276 : i32
      %add3A_278 = arith.constant 256 : i32
      %add3A_279 = arith.addi %add3A_278, %mul3A_277 : i32
      %swap3A = arith.index_cast %add3A_279 : i32 to index
      %swap3A_280 = tpu.vector_load %arg11[%swap3A] {strides = array<i32>} : memref<512xf32, #tpu.memory_space<vmem>>, vector<16xf32>,
      tpu.vector_store %arg11[%swap3A], %div3A_275 {strides = array<i32>} : memref<512xf32, #tpu.memory_space<vmem>>, vector<16xf32>,
    }
    %scan3A_92 = arith.constant 8 : i32
    %dma_wait3A_93 = arith.constant 6144 : i32
    %dma_wait3A_94 = tpu.memref_slice %arg10[%dma_wait3A_93] : memref<8192xf32, #tpu.memory_space<vmem>> -> memref<2048xf32, #tpu.memory_space<vmem>>
    %dma_wait3A_95 = arith.constant 6144 : i32
    %dma_wait3A_96 = tpu.memref_slice %arg8[%dma_wait3A_95] : memref<8192xi32, #tpu.memory_space<vmem>> -> memref<2048xi32, #tpu.memory_space<vmem>>
    %dma_wait3A_97 = arith.constant 0 : i32
    %dma_wait3A_98 = tpu.memref_slice %arg3[%dma_wait3A_97] : memref<1600000xf32, #tpu.memory_space<hbm>> -> memref<1600000xf32, #tpu.memory_space<hbm>>
    tpu.wait_indirect_dma semaphore(%arg16 : memref<!tpu.dma_semaphore, #tpu.memory_space<semaphore_mem>>) src(%dma_wait3A_98 : memref<1600000xf32, #tpu.memory_space<hbm>>) dst(%dma_wait3A_94 : memref<2048xf32, #tpu.memory_space<vmem>>)
    %scan3A_99 = arith.constant 0 : i32
    %scan3A_100 = arith.constant 0 : i32
    %scan3A_101 = arith.constant 8 : i32
    %scan3A_102 = arith.addi %scan3A_100, %scan3A_101 : i32
    %scan3A_103 = arith.constant 1 : i32
    scf.for %scan3A_105 = %scan3A_100 to %scan3A_102 step %scan3A_103  : i32 {
      %broadcast_in_dim3A = arith.constant 0.000000e+00 : f32
      %broadcast_in_dim3A_106 = vector.broadcast %broadcast_in_dim3A : f32 to vector<16xf32>
      %mul3A_107 = arith.constant 16 : i32
      %mul3A_108 = arith.muli %scan3A_105, %mul3A_107 : i32
      %add3A_109 = arith.constant 6144 : i32
      %add3A_110 = arith.addi %add3A_109, %mul3A_108 : i32
      %get3A_111 = arith.index_cast %add3A_110 : i32 to index
      %get3A_112 = tpu.vector_load %arg9[%get3A_111] {strides = array<i32>} : memref<8192xf32, #tpu.memory_space<vmem>>, vector<16xf32>,
      %get3A_113 = arith.index_cast %add3A_110 : i32 to index
      %get3A_114 = tpu.vector_load %arg10[%get3A_113] {strides = array<i32>} : memref<8192xf32, #tpu.memory_space<vmem>>, vector<16xf32>,
      %mul3A_115 = arith.mulf %get3A_112, %get3A_114 : vector<16xf32>
      %add3A_116 = arith.addf %broadcast_in_dim3A_106, %mul3A_115 : vector<16xf32>
      %mul3A_117 = arith.constant 16 : i32
      %mul3A_118 = arith.muli %scan3A_105, %mul3A_117 : i32
      %add3A_119 = arith.constant 6272 : i32
      %add3A_120 = arith.addi %add3A_119, %mul3A_118 : i32
      %get3A_121 = arith.index_cast %add3A_120 : i32 to index
      %get3A_122 = tpu.vector_load %arg9[%get3A_121] {strides = array<i32>} : memref<8192xf32, #tpu.memory_space<vmem>>, vector<16xf32>,
      %get3A_123 = arith.index_cast %add3A_120 : i32 to index
      %get3A_124 = tpu.vector_load %arg10[%get3A_123] {strides = array<i32>} : memref<8192xf32, #tpu.memory_space<vmem>>, vector<16xf32>,
      %mul3A_125 = arith.mulf %get3A_122, %get3A_124 : vector<16xf32>
      %add3A_126 = arith.addf %add3A_116, %mul3A_125 : vector<16xf32>
      %mul3A_127 = arith.constant 16 : i32
      %mul3A_128 = arith.muli %scan3A_105, %mul3A_127 : i32
      %add3A_129 = arith.constant 6400 : i32
      %add3A_130 = arith.addi %add3A_129, %mul3A_128 : i32
      %get3A_131 = arith.index_cast %add3A_130 : i32 to index
      %get3A_132 = tpu.vector_load %arg9[%get3A_131] {strides = array<i32>} : memref<8192xf32, #tpu.memory_space<vmem>>, vector<16xf32>,
      %get3A_133 = arith.index_cast %add3A_130 : i32 to index
      %get3A_134 = tpu.vector_load %arg10[%get3A_133] {strides = array<i32>} : memref<8192xf32, #tpu.memory_space<vmem>>, vector<16xf32>,
      %mul3A_135 = arith.mulf %get3A_132, %get3A_134 : vector<16xf32>
      %add3A_136 = arith.addf %add3A_126, %mul3A_135 : vector<16xf32>
      %mul3A_137 = arith.constant 16 : i32
      %mul3A_138 = arith.muli %scan3A_105, %mul3A_137 : i32
      %add3A_139 = arith.constant 6528 : i32
      %add3A_140 = arith.addi %add3A_139, %mul3A_138 : i32
      %get3A_141 = arith.index_cast %add3A_140 : i32 to index
      %get3A_142 = tpu.vector_load %arg9[%get3A_141] {strides = array<i32>} : memref<8192xf32, #tpu.memory_space<vmem>>, vector<16xf32>,
      %get3A_143 = arith.index_cast %add3A_140 : i32 to index
      %get3A_144 = tpu.vector_load %arg10[%get3A_143] {strides = array<i32>} : memref<8192xf32, #tpu.memory_space<vmem>>, vector<16xf32>,
      %mul3A_145 = arith.mulf %get3A_142, %get3A_144 : vector<16xf32>
      %add3A_146 = arith.addf %add3A_136, %mul3A_145 : vector<16xf32>
      %mul3A_147 = arith.constant 16 : i32
      %mul3A_148 = arith.muli %scan3A_105, %mul3A_147 : i32
      %add3A_149 = arith.constant 6656 : i32
      %add3A_150 = arith.addi %add3A_149, %mul3A_148 : i32
      %get3A_151 = arith.index_cast %add3A_150 : i32 to index
      %get3A_152 = tpu.vector_load %arg9[%get3A_151] {strides = array<i32>} : memref<8192xf32, #tpu.memory_space<vmem>>, vector<16xf32>,
      %get3A_153 = arith.index_cast %add3A_150 : i32 to index
      %get3A_154 = tpu.vector_load %arg10[%get3A_153] {strides = array<i32>} : memref<8192xf32, #tpu.memory_space<vmem>>, vector<16xf32>,
      %mul3A_155 = arith.mulf %get3A_152, %get3A_154 : vector<16xf32>
      %add3A_156 = arith.addf %add3A_146, %mul3A_155 : vector<16xf32>
      %mul3A_157 = arith.constant 16 : i32
      %mul3A_158 = arith.muli %scan3A_105, %mul3A_157 : i32
      %add3A_159 = arith.constant 6784 : i32
      %add3A_160 = arith.addi %add3A_159, %mul3A_158 : i32
      %get3A_161 = arith.index_cast %add3A_160 : i32 to index
      %get3A_162 = tpu.vector_load %arg9[%get3A_161] {strides = array<i32>} : memref<8192xf32, #tpu.memory_space<vmem>>, vector<16xf32>,
      %get3A_163 = arith.index_cast %add3A_160 : i32 to index
      %get3A_164 = tpu.vector_load %arg10[%get3A_163] {strides = array<i32>} : memref<8192xf32, #tpu.memory_space<vmem>>, vector<16xf32>,
      %mul3A_165 = arith.mulf %get3A_162, %get3A_164 : vector<16xf32>
      %add3A_166 = arith.addf %add3A_156, %mul3A_165 : vector<16xf32>
      %mul3A_167 = arith.constant 16 : i32
      %mul3A_168 = arith.muli %scan3A_105, %mul3A_167 : i32
      %add3A_169 = arith.constant 6912 : i32
      %add3A_170 = arith.addi %add3A_169, %mul3A_168 : i32
      %get3A_171 = arith.index_cast %add3A_170 : i32 to index
      %get3A_172 = tpu.vector_load %arg9[%get3A_171] {strides = array<i32>} : memref<8192xf32, #tpu.memory_space<vmem>>, vector<16xf32>,
      %get3A_173 = arith.index_cast %add3A_170 : i32 to index
      %get3A_174 = tpu.vector_load %arg10[%get3A_173] {strides = array<i32>} : memref<8192xf32, #tpu.memory_space<vmem>>, vector<16xf32>,
      %mul3A_175 = arith.mulf %get3A_172, %get3A_174 : vector<16xf32>
      %add3A_176 = arith.addf %add3A_166, %mul3A_175 : vector<16xf32>
      %mul3A_177 = arith.constant 16 : i32
      %mul3A_178 = arith.muli %scan3A_105, %mul3A_177 : i32
      %add3A_179 = arith.constant 7040 : i32
      %add3A_180 = arith.addi %add3A_179, %mul3A_178 : i32
      %get3A_181 = arith.index_cast %add3A_180 : i32 to index
      %get3A_182 = tpu.vector_load %arg9[%get3A_181] {strides = array<i32>} : memref<8192xf32, #tpu.memory_space<vmem>>, vector<16xf32>,
      %get3A_183 = arith.index_cast %add3A_180 : i32 to index
      %get3A_184 = tpu.vector_load %arg10[%get3A_183] {strides = array<i32>} : memref<8192xf32, #tpu.memory_space<vmem>>, vector<16xf32>,
      %mul3A_185 = arith.mulf %get3A_182, %get3A_184 : vector<16xf32>
      %add3A_186 = arith.addf %add3A_176, %mul3A_185 : vector<16xf32>
      %mul3A_187 = arith.constant 16 : i32
      %mul3A_188 = arith.muli %scan3A_105, %mul3A_187 : i32
      %add3A_189 = arith.constant 7168 : i32
      %add3A_190 = arith.addi %add3A_189, %mul3A_188 : i32
      %get3A_191 = arith.index_cast %add3A_190 : i32 to index
      %get3A_192 = tpu.vector_load %arg9[%get3A_191] {strides = array<i32>} : memref<8192xf32, #tpu.memory_space<vmem>>, vector<16xf32>,
      %get3A_193 = arith.index_cast %add3A_190 : i32 to index
      %get3A_194 = tpu.vector_load %arg10[%get3A_193] {strides = array<i32>} : memref<8192xf32, #tpu.memory_space<vmem>>, vector<16xf32>,
      %mul3A_195 = arith.mulf %get3A_192, %get3A_194 : vector<16xf32>
      %add3A_196 = arith.addf %add3A_186, %mul3A_195 : vector<16xf32>
      %mul3A_197 = arith.constant 16 : i32
      %mul3A_198 = arith.muli %scan3A_105, %mul3A_197 : i32
      %add3A_199 = arith.constant 7296 : i32
      %add3A_200 = arith.addi %add3A_199, %mul3A_198 : i32
      %get3A_201 = arith.index_cast %add3A_200 : i32 to index
      %get3A_202 = tpu.vector_load %arg9[%get3A_201] {strides = array<i32>} : memref<8192xf32, #tpu.memory_space<vmem>>, vector<16xf32>,
      %get3A_203 = arith.index_cast %add3A_200 : i32 to index
      %get3A_204 = tpu.vector_load %arg10[%get3A_203] {strides = array<i32>} : memref<8192xf32, #tpu.memory_space<vmem>>, vector<16xf32>,
      %mul3A_205 = arith.mulf %get3A_202, %get3A_204 : vector<16xf32>
      %add3A_206 = arith.addf %add3A_196, %mul3A_205 : vector<16xf32>
      %mul3A_207 = arith.constant 16 : i32
      %mul3A_208 = arith.muli %scan3A_105, %mul3A_207 : i32
      %add3A_209 = arith.constant 7424 : i32
      %add3A_210 = arith.addi %add3A_209, %mul3A_208 : i32
      %get3A_211 = arith.index_cast %add3A_210 : i32 to index
      %get3A_212 = tpu.vector_load %arg9[%get3A_211] {strides = array<i32>} : memref<8192xf32, #tpu.memory_space<vmem>>, vector<16xf32>,
      %get3A_213 = arith.index_cast %add3A_210 : i32 to index
      %get3A_214 = tpu.vector_load %arg10[%get3A_213] {strides = array<i32>} : memref<8192xf32, #tpu.memory_space<vmem>>, vector<16xf32>,
      %mul3A_215 = arith.mulf %get3A_212, %get3A_214 : vector<16xf32>
      %add3A_216 = arith.addf %add3A_206, %mul3A_215 : vector<16xf32>
      %mul3A_217 = arith.constant 16 : i32
      %mul3A_218 = arith.muli %scan3A_105, %mul3A_217 : i32
      %add3A_219 = arith.constant 7552 : i32
      %add3A_220 = arith.addi %add3A_219, %mul3A_218 : i32
      %get3A_221 = arith.index_cast %add3A_220 : i32 to index
      %get3A_222 = tpu.vector_load %arg9[%get3A_221] {strides = array<i32>} : memref<8192xf32, #tpu.memory_space<vmem>>, vector<16xf32>,
      %get3A_223 = arith.index_cast %add3A_220 : i32 to index
      %get3A_224 = tpu.vector_load %arg10[%get3A_223] {strides = array<i32>} : memref<8192xf32, #tpu.memory_space<vmem>>, vector<16xf32>,
      %mul3A_225 = arith.mulf %get3A_222, %get3A_224 : vector<16xf32>
      %add3A_226 = arith.addf %add3A_216, %mul3A_225 : vector<16xf32>
      %mul3A_227 = arith.constant 16 : i32
      %mul3A_228 = arith.muli %scan3A_105, %mul3A_227 : i32
      %add3A_229 = arith.constant 7680 : i32
      %add3A_230 = arith.addi %add3A_229, %mul3A_228 : i32
      %get3A_231 = arith.index_cast %add3A_230 : i32 to index
      %get3A_232 = tpu.vector_load %arg9[%get3A_231] {strides = array<i32>} : memref<8192xf32, #tpu.memory_space<vmem>>, vector<16xf32>,
      %get3A_233 = arith.index_cast %add3A_230 : i32 to index
      %get3A_234 = tpu.vector_load %arg10[%get3A_233] {strides = array<i32>} : memref<8192xf32, #tpu.memory_space<vmem>>, vector<16xf32>,
      %mul3A_235 = arith.mulf %get3A_232, %get3A_234 : vector<16xf32>
      %add3A_236 = arith.addf %add3A_226, %mul3A_235 : vector<16xf32>
      %mul3A_237 = arith.constant 16 : i32
      %mul3A_238 = arith.muli %scan3A_105, %mul3A_237 : i32
      %add3A_239 = arith.constant 7808 : i32
      %add3A_240 = arith.addi %add3A_239, %mul3A_238 : i32
      %get3A_241 = arith.index_cast %add3A_240 : i32 to index
      %get3A_242 = tpu.vector_load %arg9[%get3A_241] {strides = array<i32>} : memref<8192xf32, #tpu.memory_space<vmem>>, vector<16xf32>,
      %get3A_243 = arith.index_cast %add3A_240 : i32 to index
      %get3A_244 = tpu.vector_load %arg10[%get3A_243] {strides = array<i32>} : memref<8192xf32, #tpu.memory_space<vmem>>, vector<16xf32>,
      %mul3A_245 = arith.mulf %get3A_242, %get3A_244 : vector<16xf32>
      %add3A_246 = arith.addf %add3A_236, %mul3A_245 : vector<16xf32>
      %mul3A_247 = arith.constant 16 : i32
      %mul3A_248 = arith.muli %scan3A_105, %mul3A_247 : i32
      %add3A_249 = arith.constant 7936 : i32
      %add3A_250 = arith.addi %add3A_249, %mul3A_248 : i32
      %get3A_251 = arith.index_cast %add3A_250 : i32 to index
      %get3A_252 = tpu.vector_load %arg9[%get3A_251] {strides = array<i32>} : memref<8192xf32, #tpu.memory_space<vmem>>, vector<16xf32>,
      %get3A_253 = arith.index_cast %add3A_250 : i32 to index
      %get3A_254 = tpu.vector_load %arg10[%get3A_253] {strides = array<i32>} : memref<8192xf32, #tpu.memory_space<vmem>>, vector<16xf32>,
      %mul3A_255 = arith.mulf %get3A_252, %get3A_254 : vector<16xf32>
      %add3A_256 = arith.addf %add3A_246, %mul3A_255 : vector<16xf32>
      %mul3A_257 = arith.constant 16 : i32
      %mul3A_258 = arith.muli %scan3A_105, %mul3A_257 : i32
      %add3A_259 = arith.constant 8064 : i32
      %add3A_260 = arith.addi %add3A_259, %mul3A_258 : i32
      %get3A_261 = arith.index_cast %add3A_260 : i32 to index
      %get3A_262 = tpu.vector_load %arg9[%get3A_261] {strides = array<i32>} : memref<8192xf32, #tpu.memory_space<vmem>>, vector<16xf32>,
      %get3A_263 = arith.index_cast %add3A_260 : i32 to index
      %get3A_264 = tpu.vector_load %arg10[%get3A_263] {strides = array<i32>} : memref<8192xf32, #tpu.memory_space<vmem>>, vector<16xf32>,
      %mul3A_265 = arith.mulf %get3A_262, %get3A_264 : vector<16xf32>
      %add3A_266 = arith.addf %add3A_256, %mul3A_265 : vector<16xf32>
      %mul3A_267 = arith.mulf %add3A_266, %get3A_53 : vector<16xf32>
      %add3A_268 = arith.addf %mul3A_267, %get3A_55 : vector<16xf32>
      %neg3A = arith.constant 0.000000e+00 : f32
      %neg3A_269 = vector.broadcast %neg3A : f32 to vector<16xf32>
      %neg3A_270 = arith.subf %neg3A_269, %add3A_268 : vector<16xf32>
      %exp3A = math.exp %neg3A_270 : vector<16xf32>
      %add3A_271 = arith.constant 1.000000e+00 : f32
      %add3A_272 = vector.broadcast %add3A_271 : f32 to vector<16xf32>
      %add3A_273 = arith.addf %add3A_272, %exp3A : vector<16xf32>
      %div3A = arith.constant 1.000000e+00 : f32
      %div3A_274 = vector.broadcast %div3A : f32 to vector<16xf32>
      %div3A_275 = arith.divf %div3A_274, %add3A_273 : vector<16xf32>
      %mul3A_276 = arith.constant 16 : i32
      %mul3A_277 = arith.muli %scan3A_105, %mul3A_276 : i32
      %add3A_278 = arith.constant 384 : i32
      %add3A_279 = arith.addi %add3A_278, %mul3A_277 : i32
      %swap3A = arith.index_cast %add3A_279 : i32 to index
      %swap3A_280 = tpu.vector_load %arg11[%swap3A] {strides = array<i32>} : memref<512xf32, #tpu.memory_space<vmem>>, vector<16xf32>,
      tpu.vector_store %arg11[%swap3A], %div3A_275 {strides = array<i32>} : memref<512xf32, #tpu.memory_space<vmem>>, vector<16xf32>,
    }
    %scan3A_104 = arith.constant 8 : i32
    "tpu.region"() ({
      %run_scoped3A = tpu.sem_alloc : memref<!tpu.dma_semaphore, #tpu.memory_space<semaphore_mem>>
      %dma_start3A_105 = tpu.memref_slice %arg6[%mul3A_2] : memref<16384xf32, #tpu.memory_space<hbm>> -> memref<512xf32, #tpu.memory_space<hbm>>
      %dma_start3A_106 = tpu.memref_slice %arg6[%mul3A_2] : memref<16384xf32, #tpu.memory_space<hbm>> -> memref<512xf32, #tpu.memory_space<hbm>>
      tpu.enqueue_dma source(%arg11 : memref<512xf32, #tpu.memory_space<vmem>>) target(%dma_start3A_106 : memref<512xf32, #tpu.memory_space<hbm>>) target_semaphore(%run_scoped3A : memref<!tpu.dma_semaphore, #tpu.memory_space<semaphore_mem>>)
      %dma_wait3A_107 = tpu.memref_slice %arg6[%mul3A_2] : memref<16384xf32, #tpu.memory_space<hbm>> -> memref<512xf32, #tpu.memory_space<hbm>>
      %dma_wait3A_108 = tpu.memref_slice %arg6[%mul3A_2] : memref<16384xf32, #tpu.memory_space<hbm>> -> memref<512xf32, #tpu.memory_space<hbm>>
      tpu.wait_dma2 semaphore(%run_scoped3A : memref<!tpu.dma_semaphore, #tpu.memory_space<semaphore_mem>>) src(%arg11 : memref<512xf32, #tpu.memory_space<vmem>>) dst(%dma_wait3A_108 : memref<512xf32, #tpu.memory_space<hbm>>)
      tpu.yield
    }) : () -> ()
    return
  }
}

</mosaic_0001>

<sc_bundles>
// kernel: _fm_sc.4.cloned.1.call-start
scs
__scs_entry_jumppad:
0x0: {  	(pc) =	sbr.rel $0x88, $3  }
0x1: {  	(tag) =	ssettag $0x0;
	lr =	simm.s32 $0x1  }
0x2: {  	[smem:$0x3F9C] =	sst lr;
	_ =	strace $0xD0000000  }
0x3: {  	_ = 	snop  }
0x4: {  	_ = 	snop  }
0x5: {  	_ = 	snop  }
0x6: {  	_ = 	snop  }
0x7: {  	_ = 	snop  }
__scs_overlays_trampoline_lowered:
0x8: {  	[smem:$0x3FAB] =	sst s0  }
0x9: {  	[smem:$0x3FAC] =	sst s1  }
0xa: {  	[smem:$0x3FAD] =	sst s2  }
0xb: {  	[smem:$0x3FAE] =	sst s3  }
0xc: {  	[smem:$0x3FAF] =	sst s4  }
0xd: {  	[smem:$0x3FB0] =	sst s5  }
0xe: {  	[smem:$0x3FB1] =	sst s6  }
0xf: {  	[smem:$0x3FB2] =	sst s7  }
0x10: {  	[smem:$0x3FB3] =	sst s8  }
0x11: {  	[smem:$0x3FB4] =	sst s9;
	s0 =	simm.s32 @!p0 $0x0  }
0x12: {  	s1 =	sld [smem:$0x3F9A];
	s0 =	simm.s32 @p0 $0x1  }
0x13: {  	[smem:$0x3FB5] =	sst s0;
	s0 =	simm.s32 @!p1 $0x0  }
0x14: {  	s2 =	sld [smem:$0x3F99];
	s0 =	simm.s32 @p1 $0x1  }
0x15: {  	[smem:$0x3FB6] =	sst s0;
	s0 =	simm.s32 @!p2 $0x0  }
0x16: {  	s3 =	sld [smem:$0x3FDB];
	s0 =	simm.s32 @p2 $0x1  }
0x17: {  	s4 =	simm.s32 $0x1BF5;
	[smem:$0x3FB8] =	sst s0  }
0x18: {  	s0 =	sld [smem:$0x3F9B];
	_ =	swait.ge [sflag:s4], $0x0  }
0x19: {  	s7 =	sld [smem:$0x3F9C]  }
0x1a: {  	s8 =	sadd.s32 $0xFFFFE003, lr  }
0x1b: {  	s9 =	sadd.s32 $0xFFFFFEF7, lr;
	s5 =	simm.s32 $0xFFFFFFFF;
	p2 =	slt.u32 s8, $0xFFFFF086  }
0x1c: {  	p1 =	slt.u32 s9, $0xF7A;
	s5 =	simm.s32 @!p2 $0x0  }
0x1d: {  	s5 =	simm.s32 @p1 $0x1;
	p0 =	seq.s32 s7, s2  }
0x1e: {  	s7 =	smul.u32 @!p0 $0xF7A, s2;
	p2 =	seq.s32 @!p0 s5, $0x0  }
0x1f: {  	s9 =	smul.u32 $0xF7A, s1;
	s8 =	simm.s32 @!p0 $0x1BF5;
	p2 =	por !p2, p0  }
0x20: {  	[sflag:s8] =	ssyncset.s32 @!p0 $0xFFFFF086;
	s6 =	sadd.s32 @!p0 s3, s7;
	s7 =	simm.s32 @!p0 $0x108  }
0x21: {  	s3 =	sadd.s32 s3, s9;
	s6 =	sadd.s32 @!p0 $0x88, s6;
	s7 =	simm.s32 @p2 $0x1082  }
0x22: {  	[simem:s7], [sflag:s8] =	dma.local @!p0 [hbm:s6], $0xF7A  }
0x23: {  	s9 =	sor.u32 $0xD0000000, s2;
	s6 =	simm.s32 $0x108;
	_ =	swait.ge @!p0 [sflag:s8], $0x0  }
0x24: {  	s3 =	sadd.s32 $0x88, s3;
	s6 =	simm.s32 @!p1 $0x1082;
	[sflag:s4] =	ssyncset.s32 $0xFFFFF086  }
0x25: {  	[simem:s6], [sflag:s4] =	dma.local [hbm:s3], $0xF7A  }
0x26: {  	[smem:$0x3F9C] =	sst s1;
	(tag) =	ssettag s2;
	_ =	strace s9  }
0x27: {  	s1 =	sld [smem:$0x3FAC]  }
0x28: {  	s2 =	sld [smem:$0x3FAD]  }
0x29: {  	s4 =	sld [smem:$0x3FAF]  }
0x2a: {  	p0 =	seq.s32 s5, $0x0;
	s5 =	sld [smem:$0x3FB0]  }
0x2b: {  	s6 =	sld [smem:$0x3FB1]  }
0x2c: {  	s7 =	sld [smem:$0x3FB2]  }
0x2d: {  	s3 =	simm.s32 $0x108;
	s8 =	sld [smem:$0x3FB3]  }
0x2e: {  	s3 =	simm.s32 @!p0 $0x1082;
	s9 =	sld [smem:$0x3FB4]  }
0x2f: {  	lr =	sadd.s32 s0, s3;
	s0 =	sld [smem:$0x3FAB]  }
0x30: {  	s3 =	sld [smem:$0x3FAE]  }
0x31: {  	[smem:$0x3FB7] =	sst s10  }
0x32: {  	s10 =	sld [smem:$0x3FB5];
	_ =	sdelay $0x3  }
0x33: {  	p0 =	seq.s32 s10, $0x1;
	s10 =	sld [smem:$0x3FB7];
	_ =	sdelay $0x3  }
0x34: {  	[smem:$0x3FB7] =	sst s10  }
0x35: {  	s10 =	sld [smem:$0x3FB6];
	_ =	sdelay $0x3  }
0x36: {  	p1 =	seq.s32 s10, $0x1;
	s10 =	sld [smem:$0x3FB7];
	_ =	sdelay $0x3  }
0x37: {  	[smem:$0x3FB7] =	sst s10  }
0x38: {  	s10 =	sld [smem:$0x3FB8]  }
0x39: {  	_ = 	snop;
	(pc) =	sbr.ind lr, $3  }
0x3a: {  	_ = 	snop  }
0x3b: {  	_ = 	snop  }
0x3c: {  	p2 =	seq.s32 s10, $0x1;
	s10 =	sld [smem:$0x3FB7]  }
0x3d: {  	_ =	shalt  }
0x3e: {  	_ =	shalt  }
0x3f: {  	_ =	shalt  }
0x40: {  	_ =	shalt  }
0x41: {  	_ =	shalt  }
0x42: {  	_ =	shalt  }
0x43: {  	_ =	shalt  }
0x44: {  	_ =	shalt  }
0x45: {  	_ =	shalt  }
0x46: {  	_ =	shalt  }
0x47: {  	_ =	shalt  }
0x48: {  	_ =	shalt  }
0x49: {  	_ =	shalt  }
0x4a: {  	_ =	shalt  }
0x4b: {  	_ =	shalt  }
0x4c: {  	_ =	shalt  }
0x4d: {  	_ =	shalt  }
0x4e: {  	_ =	shalt  }
0x4f: {  	_ =	shalt  }
0x50: {  	_ =	shalt  }
0x51: {  	_ =	shalt  }
0x52: {  	_ =	shalt  }
0x53: {  	_ =	shalt  }
0x54: {  	_ =	shalt  }
0x55: {  	_ =	shalt  }
0x56: {  	_ =	shalt  }
0x57: {  	_ =	shalt  }
0x58: {  	_ =	shalt  }
0x59: {  	_ =	shalt  }
0x5a: {  	_ =	shalt  }
0x5b: {  	_ =	shalt  }
0x5c: {  	_ =	shalt  }
0x5d: {  	_ =	shalt  }
0x5e: {  	_ =	shalt  }
0x5f: {  	_ =	shalt  }
0x60: {  	_ =	shalt  }
0x61: {  	_ =	shalt  }
0x62: {  	_ =	shalt  }
0x63: {  	_ =	shalt  }
0x64: {  	_ =	shalt  }
0x65: {  	_ =	shalt  }
0x66: {  	_ =	shalt  }
0x67: {  	_ =	shalt  }
0x68: {  	_ =	shalt  }
0x69: {  	_ =	shalt  }
0x6a: {  	_ =	shalt  }
0x6b: {  	_ =	shalt  }
0x6c: {  	_ =	shalt  }
0x6d: {  	_ =	shalt  }
0x6e: {  	_ =	shalt  }
0x6f: {  	_ =	shalt  }
0x70: {  	_ =	shalt  }
0x71: {  	_ =	shalt  }
0x72: {  	_ =	shalt  }
0x73: {  	_ =	shalt  }
0x74: {  	_ =	shalt  }
0x75: {  	_ =	shalt  }
0x76: {  	_ =	shalt  }
0x77: {  	_ =	shalt  }
0x78: {  	_ =	shalt  }
0x79: {  	_ =	shalt  }
0x7a: {  	_ =	shalt  }
0x7b: {  	_ =	shalt  }
0x7c: {  	_ =	shalt  }
0x7d: {  	_ =	shalt  }
0x7e: {  	_ =	shalt  }
0x7f: {  	_ =	shalt  }
0x80: {  	_ =	shalt  }
0x81: {  	_ =	shalt  }
0x82: {  	_ =	shalt  }
0x83: {  	_ =	shalt  }
0x84: {  	_ =	shalt  }
0x85: {  	_ =	shalt  }
0x86: {  	_ =	shalt  }
0x87: {  	_ =	shalt  }
.Lfunc_end0:
.L_simem_size_0:
called_computation_lowered:
.L_overlay_start_0:
0x88: {  	s2 =	sld [smem:$0x3FD9]  }
0x89: {  	s3 =	sld [smem:$0x3FFE];
	_ =	sdelay $0x1  }
0x8a: {  	s1 =	srdreg.scid  }
0x8b: {  	s0 =	sand.u32 $0x1, s1  }
0x8c: {  	s17 =	sshll.u32 s0, $0xA;
	s2 =	sadd.s32 s3, s2  }
0x8d: {  	s2 =	sadd.s32 s2, s17  }
0x8e: {  	[smem:$0x3FC3] =	sst s2  }
0x8f: {  	_ = 	snop  }
0x90: {  	s2 =	sld [smem:$0x3FC9]  }
0x91: {  	s18 =	sld [smem:$0x3FC7];
	(tm) =	ssettm $0x1  }
0x92: {  	s4 =	sld [smem:$0x3FFB];
	_ =	sdelay $0x3  }
0x93: {  	_ =	strace s4  }
0x94: {  	s4 =	sld [smem:$0x3FFC];
	_ =	sdelay $0x3  }
0x95: {  	_ =	strace s4  }
0x96: {  	s4 =	sld [smem:$0x3FFD];
	_ =	sdelay $0x3  }
0x97: {  	_ =	strace s4  }
0x98: {  	_ =	strace $0x8FFFFFFF  }
0x99: {  	s19 =	sld [smem:$0x3FDB];
	_ =	sdelay $0x1  }
0x9a: {  	s5 =	simm.s32 $_scs_section_size  }
0x9b: {  	s6 =	simm.s32 $_size__tile_overlayer_lowered;
	s7 =	simm.s32 $_tile_overlayer_lowered  }
0x9c: {  	s22 =	simm.s32 $0x1BFF;
	s21 =	sshll.u32 s7, $0x1;
	s4 =	sadd.s32 s5, s19  }
0x9d: {  	s8 =	simm.s32 $0x0;
	s20 =	sshll.u32 s6, $0x1;
	s6 =	sadd.s32 s21, s4  }
0x9e: {  	[timem:s8], [sflag:s22] =	dma.local [hbm:s6], s20  }
0x9f: {  	_ =	swait.ge [sflag:s22], s20  }
0xa0: {  	s5 =	ssub.s32 $0x0, s20;
	[sflag:s22] =	ssyncset.done $0x0  }
0xa1: {  	[sflag:s22] =	ssyncadd.s32 s5;
	_ =	sdelay $0x1  }
0xa2: {  	s23 =	simm.s32 $0x1B8B  }
0xa3: {  	_ =	swait.ge [sflag:s23], $0x1  }
0xa4: {  	[sflag:s23] =	ssyncset.done $0x0  }
0xa5: {  	s25 =	simm.s32 $0x1B8E;
	s24 =	sld [smem:$0x3FFE];
	[sflag:s23] =	ssyncadd.s32 $0xFFFFFFFF  }
0xa6: {  	s26 =	simm.s32 $execute0_lowered;
	[smem:$0x3FD2] =	sst s25  }
0xa7: {  	s6 =	sshll.u32 s26, $0x1;
	_ =	strace $0x80000046;
	[dreg:$0x1] =	wrdreg $0xFFFFFFFF  }
0xa8: {  	s28 =	simm.s32 $_size_execute0_lowered;
	s4 =	sadd.s32 s4, s6;
	[dreg:$0x0] =	wrdreg $0x0  }
0xa9: {  	s6 =	sshll.u32 s28, $0x1;
	[dreg:$0x2] =	wrdreg s4  }
0xaa: {  	[dreg:$0x3] =	wrdreg s6  }
0xab: {  	[dreg:$0x4] =	wrdreg $0xC0  }
0xac: {  	_ =	task [dreg:s8], $0x5FFFF  }
0xad: {  	[dreg:$0x1] =	wrdreg $0xFFFFFFFF  }
0xae: {  	[dreg:$0x0] =	wrdreg $0x60  }
0xaf: {  	[dreg:$0x2] =	wrdreg s2  }
0xb0: {  	[dreg:$0x3] =	wrdreg s18  }
0xb1: {  	[dreg:$0x4] =	wrdreg s24  }
0xb2: {  	[dreg:$0x5] =	wrdreg $0x9  }
0xb3: {  	_ =	task.clear_ibuf [dreg:s8], $0x6FFFF;
	_ =	strace $0x90000046  }
0xb4: {  	s29 =	simm.s32 $0x9;
	_ =	strace $0x80000048  }
0xb5: {  	_ =	swait.ge [sflag:s29], $0x1  }
0xb6: {  	[sflag:s29] =	ssyncadd.s32 $0xFFFFFFFF  }
0xb7: {  	_ =	strace $0x90000048  }
0xb8: {  	_ =	sfence  }
0xb9: {  	s30 =	sld [smem:$0x0];
	_ =	sdelay $0x2  }
0xba: {  	s31 =	sshll.u32 s1, $0xD;
	s1 =	sshrl.u32 s1, $0x2  }
0xbb: {  	s3 =	sand.u32 $0x4000, s31;
	s1 =	sadd.s32 s1, s30  }
0xbc: {  	s0 =	sor.u32 s3, s0;
	s1 =	sshll.u32 s1, $0x11  }
0xbd: {  	s0 =	sor.u32 s1, s0  }
0xbe: {  	s0 =	sadd.s32 $0x8F2B, s0  }
0xbf: {  	[sflag:s0] =	ssyncadd.remote.s32 $0x1  }
0xc0: {  	_ =	sfence.sel $0xFFFF  }
0xc1: {  	[dreg:$0x0] =	wrdreg $0xFFFFFFFF;
	(pc) =	sbr.abs _section_cstart, $3  }
0xc2: {  	[dreg:$0x1] =	wrdreg $0xFFFFFFFF  }
0xc3: {  	_ =	task.clear_ibuf [dreg:s8], $0x2FFFF;
	_ =	strace $0x9FFFFFFF  }
0xc4: {  	(tm) =	ssettm $0x7FFFFFFF  }
0xc5: {  	_ =	shalt  }
tec
execute0_lowered:
.L_overlay_start_1:
0x0: {  	(tag) =	ssettag $0x1  }
0x1: {  	s4 =	rddreg [dreg:$0x0]  }
0x2: {  	s2 =	rddreg [dreg:$0x1]  }
0x3: {  	s5 =	rddreg [dreg:$0x2]  }
0x4: {  	s0 =	rddreg [dreg:$0x3]  }
0x5: {  	s6 =	srdreg.scid;
	s1 =	stileid.u32  }
0x6: {  	s3 =	simm.s32 $0x0;
	s10 =	simm.s32 $0x2200;
	s11 =	simm.s32 $0xA00  }
0x7: {  	s12 =	simm.s32 $0x2A00;
	s13 =	simm.s32 $0x1200;
	s14 =	simm.s32 $0x3200  }
0x8: {  	s15 =	simm.s32 $0x1A00;
	s16 =	simm.s32 $0x3A00;
	s17 =	simm.s32 $0x1  }
0x9: {  	s18 =	simm.s32 $0x2;
	s19 =	simm.s32 $0x3;
	s20 =	simm.s32 $0x4  }
0xa: {  	s21 =	simm.s32 $0x0;
	s6 =	sand.u32 $0x1, s6;
	s7 =	sshll.u32 s1, $0x1  }
0xb: {  	[smem:$0x7FF] =	sst s3;
	s7 =	sor.u32 s6, s7;
	s6 =	ssub.s32 $0x2, s6  }
0xc: {  	_ =	strace $0x80000047;
	s8 =	sshll.u32 s7, $0xA;
	s9 =	sshrl.u32 s6, $0x1  }
0xd: {  	s7 =	sshll.u32 s7, $0x6;
	s5 =	sadd.s32 s8, s5;
	s6 =	ssub.s32 s6, s9  }
0xe: {  	s4 =	sadd.s32 s4, s7;
	s7 =	simm.s32 $0x5;
	s8 =	simm.s32 $0x800  }
0xf: {  	s9 =	simm.s32 $0x200;
	s5 =	sadd.s32 $0x800, s5;
	s6 =	smax.u32 s6, $0x1  }
.LBB2_1:
0x10: {  	[tilespmem:s3], [sflag:$0x5] =	stream.linear.gather [hbm4b:s4+s3], $0x200, $0x38;
	[tilespmem:$0x4200] =	vst v63  }
0x11: {  	_ =	swait.ge [sflag:s7], $0x200  }
0x12: {  	[sflag:s7] =	ssyncset.done $0x0  }
0x13: {  	s22 =	simm.s32 $0x0;
	[sflag:s7] =	ssyncadd.s32 $0xFFFFFE00  }
0x14: {  	v5 =	vld [tilespmem:s22+$0x0];
	_ =	sdelay $0x4  }
0x15: {  	[tilespmem:s22+$0x200] =	vst v5;
	v0 =	vadd.s32 $0x16E360, v5  }
0x16: {  	v1 =	vadd.s32 $0x155CC0, v5;
	[tilespmem:s22+$0x980] =	vst v0  }
0x17: {  	v3 =	vadd.s32 $0xAAE60, v5;
	[tilespmem:s22+$0x900] =	vst v1  }
0x18: {  	v6 =	vadd.s32 $0x927C0, v5;
	[tilespmem:s22+$0x580] =	vst v3  }
0x19: {  	v0 =	vadd.s32 $0x13D620, v5;
	[tilespmem:s22+$0x500] =	vst v6  }
0x1a: {  	v1 =	vadd.s32 $0x124F80, v5;
	[tilespmem:s22+$0x880] =	vst v0  }
0x1b: {  	v0 =	vadd.s32 $0xF4240, v5;
	[tilespmem:s22+$0x800] =	vst v1  }
0x1c: {  	v2 =	vadd.s32 $0x30D40, v5;
	v1 =	vadd.s32 $0xDBBA0, v5;
	[tilespmem:s22+$0x700] =	vst v0  }
0x1d: {  	v4 =	vadd.s32 $0x61A80, v5;
	v3 =	vadd.s32 $0x493E0, v5;
	v0 =	vadd.s32 $0xC3500, v5;
	[tilespmem:s22+$0x680] =	vst v1  }
0x1e: {  	s23 =	simm.s32 $0x40;
	v1 =	vadd.s32 $0x186A0, v5;
	[tilespmem:s22+$0x600] =	vst v0;
	v0 =	vadd.s32 $0x10C8E0, v5;
	v5 =	vadd.s32 $0x7A120, v5  }
.LBB2_2:
0x1f: {  	s24 =	sshra.s32 s23, $0x2;
	p0 =	sne.s32 s23, $0x1C0;
	s23 =	sadd.s32 $0x40, s23;
	[tilespmem:s22+$0x280] =	vst v1  }
0x20: {  	v6 =	vld [tilespmem:s24+$0x0];
	[tilespmem:s22+$0x300] =	vst v2  }
0x21: {  	[tilespmem:s22+$0x380] =	vst v3  }
0x22: {  	[tilespmem:s22+$0x400] =	vst v4  }
0x23: {  	[tilespmem:s22+$0x480] =	vst v5  }
0x24: {  	[tilespmem:s22+$0x780] =	vst v0;
	s22 =	smov.u32 s24  }
0x25: {  	[tilespmem:s22+$0x200] =	vst v6;
	v1 =	vadd.s32 $0x186A0, v6;
	v0 =	vadd.s32 $0x10C8E0, v6;
	v3 =	vadd.s32 $0x16E360, v6  }
0x26: {  	v2 =	vadd.s32 $0x30D40, v6;
	v7 =	vadd.s32 $0x927C0, v6;
	v4 =	vadd.s32 $0x155CC0, v6;
	[tilespmem:s22+$0x980] =	vst v3  }
0x27: {  	v8 =	vadd.s32 $0xAAE60, v6;
	v5 =	vadd.s32 $0x13D620, v6;
	v3 =	vadd.s32 $0x493E0, v6;
	[tilespmem:s22+$0x900] =	vst v4  }
0x28: {  	v9 =	vadd.s32 $0xC3500, v6;
	v10 =	vadd.s32 $0x124F80, v6;
	v4 =	vadd.s32 $0x61A80, v6;
	[tilespmem:s22+$0x880] =	vst v5  }
0x29: {  	v11 =	vadd.s32 $0xDBBA0, v6;
	v5 =	vadd.s32 $0x7A120, v6;
	v6 =	vadd.s32 $0xF4240, v6;
	[tilespmem:s22+$0x800] =	vst v10  }
.Ltmp0:
0x2a: {  	[tilespmem:s22+$0x700] =	vst v6;
	(pc) =	sbr.rel @p0 .LBB2_2-.Ltmp0, $4  }
0x2b: {  	[tilespmem:s22+$0x680] =	vst v11  }
0x2c: {  	[tilespmem:s22+$0x600] =	vst v9  }
0x2d: {  	[tilespmem:s22+$0x580] =	vst v8  }
0x2e: {  	[tilespmem:s22+$0x500] =	vst v7  }
0x2f: {  	[tilespmem:s22+$0x280] =	vst v1  }
0x30: {  	[tilespmem:s22+$0x300] =	vst v2  }
0x31: {  	[tilespmem:s22+$0x380] =	vst v3  }
0x32: {  	[tilespmem:s22+$0x400] =	vst v4  }
0x33: {  	[tilespmem:s22+$0x480] =	vst v5  }
0x34: {  	[tilespmem:s22+$0x780] =	vst v0;
	s22 =	simm.s32 $0x0  }
0x35: {  	[tilespmem:s10], [sflag:$0x1] =	stream.indirect.gather [hbm4b:s2+s8], $0x1, s9, s8, $0xb8;
	[tilespmem:$0x4200] =	vst v63  }
0x36: {  	v5 =	vld [tilespmem:s22+$0x80];
	_ =	sdelay $0x4  }
0x37: {  	[tilespmem:s22+$0xA00] =	vst v5;
	v0 =	vadd.s32 $0x16E360, v5  }
0x38: {  	v1 =	vadd.s32 $0x155CC0, v5;
	[tilespmem:s22+$0x1180] =	vst v0  }
0x39: {  	v3 =	vadd.s32 $0xAAE60, v5;
	[tilespmem:s22+$0x1100] =	vst v1  }
0x3a: {  	v6 =	vadd.s32 $0x927C0, v5;
	[tilespmem:s22+$0xD80] =	vst v3  }
0x3b: {  	v0 =	vadd.s32 $0x13D620, v5;
	[tilespmem:s22+$0xD00] =	vst v6  }
0x3c: {  	v1 =	vadd.s32 $0x124F80, v5;
	[tilespmem:s22+$0x1080] =	vst v0  }
0x3d: {  	v0 =	vadd.s32 $0xF4240, v5;
	[tilespmem:s22+$0x1000] =	vst v1  }
0x3e: {  	v2 =	vadd.s32 $0x30D40, v5;
	v1 =	vadd.s32 $0xDBBA0, v5;
	[tilespmem:s22+$0xF00] =	vst v0  }
0x3f: {  	v4 =	vadd.s32 $0x61A80, v5;
	v3 =	vadd.s32 $0x493E0, v5;
	v0 =	vadd.s32 $0xC3500, v5;
	[tilespmem:s22+$0xE80] =	vst v1  }
0x40: {  	s23 =	simm.s32 $0x40;
	v1 =	vadd.s32 $0x186A0, v5;
	[tilespmem:s22+$0xE00] =	vst v0;
	v0 =	vadd.s32 $0x10C8E0, v5;
	v5 =	vadd.s32 $0x7A120, v5  }
.LBB2_4:
0x41: {  	s24 =	sshra.s32 s23, $0x2;
	p0 =	sne.s32 s23, $0x1C0;
	s23 =	sadd.s32 $0x40, s23;
	[tilespmem:s22+$0xA80] =	vst v1  }
0x42: {  	v6 =	vld [tilespmem:s24+$0x80];
	[tilespmem:s22+$0xB00] =	vst v2  }
0x43: {  	[tilespmem:s22+$0xB80] =	vst v3  }
0x44: {  	[tilespmem:s22+$0xC00] =	vst v4  }
0x45: {  	[tilespmem:s22+$0xC80] =	vst v5  }
0x46: {  	[tilespmem:s22+$0xF80] =	vst v0;
	s22 =	smov.u32 s24  }
0x47: {  	[tilespmem:s22+$0xA00] =	vst v6;
	v1 =	vadd.s32 $0x186A0, v6;
	v0 =	vadd.s32 $0x10C8E0, v6;
	v3 =	vadd.s32 $0x16E360, v6  }
0x48: {  	v2 =	vadd.s32 $0x30D40, v6;
	v7 =	vadd.s32 $0x927C0, v6;
	v4 =	vadd.s32 $0x155CC0, v6;
	[tilespmem:s22+$0x1180] =	vst v3  }
0x49: {  	v8 =	vadd.s32 $0xAAE60, v6;
	v5 =	vadd.s32 $0x13D620, v6;
	v3 =	vadd.s32 $0x493E0, v6;
	[tilespmem:s22+$0x1100] =	vst v4  }
0x4a: {  	v9 =	vadd.s32 $0xC3500, v6;
	v10 =	vadd.s32 $0x124F80, v6;
	v4 =	vadd.s32 $0x61A80, v6;
	[tilespmem:s22+$0x1080] =	vst v5  }
0x4b: {  	v11 =	vadd.s32 $0xDBBA0, v6;
	v5 =	vadd.s32 $0x7A120, v6;
	v6 =	vadd.s32 $0xF4240, v6;
	[tilespmem:s22+$0x1000] =	vst v10  }
.Ltmp1:
0x4c: {  	[tilespmem:s22+$0xF00] =	vst v6;
	(pc) =	sbr.rel @p0 .LBB2_4-.Ltmp1, $4  }
0x4d: {  	[tilespmem:s22+$0xE80] =	vst v11  }
0x4e: {  	[tilespmem:s22+$0xE00] =	vst v9  }
0x4f: {  	[tilespmem:s22+$0xD80] =	vst v8  }
0x50: {  	[tilespmem:s22+$0xD00] =	vst v7  }
0x51: {  	[tilespmem:s22+$0xA80] =	vst v1  }
0x52: {  	[tilespmem:s22+$0xB00] =	vst v2  }
0x53: {  	[tilespmem:s22+$0xB80] =	vst v3  }
0x54: {  	[tilespmem:s22+$0xC00] =	vst v4  }
0x55: {  	[tilespmem:s22+$0xC80] =	vst v5  }
0x56: {  	[tilespmem:s22+$0xF80] =	vst v0;
	s22 =	simm.s32 $0x0  }
0x57: {  	[tilespmem:s12], [sflag:$0x2] =	stream.indirect.gather [hbm4b:s2+s8], $0x1, s11, s8, $0xb8;
	[tilespmem:$0x4200] =	vst v63  }
0x58: {  	v5 =	vld [tilespmem:s22+$0x100];
	_ =	sdelay $0x4  }
0x59: {  	[tilespmem:s22+$0x1200] =	vst v5;
	v0 =	vadd.s32 $0x16E360, v5  }
0x5a: {  	v1 =	vadd.s32 $0x155CC0, v5;
	[tilespmem:s22+$0x1980] =	vst v0  }
0x5b: {  	v3 =	vadd.s32 $0xAAE60, v5;
	[tilespmem:s22+$0x1900] =	vst v1  }
0x5c: {  	v6 =	vadd.s32 $0x927C0, v5;
	[tilespmem:s22+$0x1580] =	vst v3  }
0x5d: {  	v0 =	vadd.s32 $0x13D620, v5;
	[tilespmem:s22+$0x1500] =	vst v6  }
0x5e: {  	v1 =	vadd.s32 $0x124F80, v5;
	[tilespmem:s22+$0x1880] =	vst v0  }
0x5f: {  	v0 =	vadd.s32 $0xF4240, v5;
	[tilespmem:s22+$0x1800] =	vst v1  }
0x60: {  	v2 =	vadd.s32 $0x30D40, v5;
	v1 =	vadd.s32 $0xDBBA0, v5;
	[tilespmem:s22+$0x1700] =	vst v0  }
0x61: {  	v4 =	vadd.s32 $0x61A80, v5;
	v3 =	vadd.s32 $0x493E0, v5;
	v0 =	vadd.s32 $0xC3500, v5;
	[tilespmem:s22+$0x1680] =	vst v1  }
0x62: {  	s23 =	simm.s32 $0x40;
	v1 =	vadd.s32 $0x186A0, v5;
	[tilespmem:s22+$0x1600] =	vst v0;
	v0 =	vadd.s32 $0x10C8E0, v5;
	v5 =	vadd.s32 $0x7A120, v5  }
.LBB2_6:
0x63: {  	s24 =	sshra.s32 s23, $0x2;
	p0 =	sne.s32 s23, $0x1C0;
	s23 =	sadd.s32 $0x40, s23;
	[tilespmem:s22+$0x1280] =	vst v1  }
0x64: {  	v6 =	vld [tilespmem:s24+$0x100];
	[tilespmem:s22+$0x1300] =	vst v2  }
0x65: {  	[tilespmem:s22+$0x1380] =	vst v3  }
0x66: {  	[tilespmem:s22+$0x1400] =	vst v4  }
0x67: {  	[tilespmem:s22+$0x1480] =	vst v5  }
0x68: {  	[tilespmem:s22+$0x1780] =	vst v0;
	s22 =	smov.u32 s24  }
0x69: {  	[tilespmem:s22+$0x1200] =	vst v6;
	v1 =	vadd.s32 $0x186A0, v6;
	v0 =	vadd.s32 $0x10C8E0, v6;
	v3 =	vadd.s32 $0x16E360, v6  }
0x6a: {  	v2 =	vadd.s32 $0x30D40, v6;
	v7 =	vadd.s32 $0x927C0, v6;
	v4 =	vadd.s32 $0x155CC0, v6;
	[tilespmem:s22+$0x1980] =	vst v3  }
0x6b: {  	v8 =	vadd.s32 $0xAAE60, v6;
	v5 =	vadd.s32 $0x13D620, v6;
	v3 =	vadd.s32 $0x493E0, v6;
	[tilespmem:s22+$0x1900] =	vst v4  }
0x6c: {  	v9 =	vadd.s32 $0xC3500, v6;
	v10 =	vadd.s32 $0x124F80, v6;
	v4 =	vadd.s32 $0x61A80, v6;
	[tilespmem:s22+$0x1880] =	vst v5  }
0x6d: {  	v11 =	vadd.s32 $0xDBBA0, v6;
	v5 =	vadd.s32 $0x7A120, v6;
	v6 =	vadd.s32 $0xF4240, v6;
	[tilespmem:s22+$0x1800] =	vst v10  }
.Ltmp2:
0x6e: {  	[tilespmem:s22+$0x1700] =	vst v6;
	(pc) =	sbr.rel @p0 .LBB2_6-.Ltmp2, $4  }
0x6f: {  	[tilespmem:s22+$0x1680] =	vst v11  }
0x70: {  	[tilespmem:s22+$0x1600] =	vst v9  }
0x71: {  	[tilespmem:s22+$0x1580] =	vst v8  }
0x72: {  	[tilespmem:s22+$0x1500] =	vst v7  }
0x73: {  	[tilespmem:s22+$0x1280] =	vst v1  }
0x74: {  	[tilespmem:s22+$0x1300] =	vst v2  }
0x75: {  	[tilespmem:s22+$0x1380] =	vst v3  }
0x76: {  	[tilespmem:s22+$0x1400] =	vst v4  }
0x77: {  	[tilespmem:s22+$0x1480] =	vst v5  }
0x78: {  	[tilespmem:s22+$0x1780] =	vst v0;
	s22 =	simm.s32 $0x0  }
0x79: {  	[tilespmem:s14], [sflag:$0x3] =	stream.indirect.gather [hbm4b:s2+s8], $0x1, s13, s8, $0xb8;
	[tilespmem:$0x4200] =	vst v63  }
0x7a: {  	v5 =	vld [tilespmem:s22+$0x180];
	_ =	sdelay $0x4  }
0x7b: {  	[tilespmem:s22+$0x1A00] =	vst v5;
	v0 =	vadd.s32 $0x16E360, v5  }
0x7c: {  	v1 =	vadd.s32 $0x155CC0, v5;
	[tilespmem:s22+$0x2180] =	vst v0  }
0x7d: {  	v3 =	vadd.s32 $0xAAE60, v5;
	[tilespmem:s22+$0x2100] =	vst v1  }
0x7e: {  	v6 =	vadd.s32 $0x927C0, v5;
	[tilespmem:s22+$0x1D80] =	vst v3  }
0x7f: {  	v0 =	vadd.s32 $0x13D620, v5;
	[tilespmem:s22+$0x1D00] =	vst v6  }
0x80: {  	v1 =	vadd.s32 $0x124F80, v5;
	[tilespmem:s22+$0x2080] =	vst v0  }
0x81: {  	v0 =	vadd.s32 $0xF4240, v5;
	[tilespmem:s22+$0x2000] =	vst v1  }
0x82: {  	v2 =	vadd.s32 $0x30D40, v5;
	v1 =	vadd.s32 $0xDBBA0, v5;
	[tilespmem:s22+$0x1F00] =	vst v0  }
0x83: {  	v4 =	vadd.s32 $0x61A80, v5;
	v3 =	vadd.s32 $0x493E0, v5;
	v0 =	vadd.s32 $0xC3500, v5;
	[tilespmem:s22+$0x1E80] =	vst v1  }
0x84: {  	s23 =	simm.s32 $0x40;
	v1 =	vadd.s32 $0x186A0, v5;
	[tilespmem:s22+$0x1E00] =	vst v0;
	v0 =	vadd.s32 $0x10C8E0, v5;
	v5 =	vadd.s32 $0x7A120, v5  }
.LBB2_8:
0x85: {  	s24 =	sshra.s32 s23, $0x2;
	p0 =	sne.s32 s23, $0x1C0;
	s23 =	sadd.s32 $0x40, s23;
	[tilespmem:s22+$0x1A80] =	vst v1  }
0x86: {  	v6 =	vld [tilespmem:s24+$0x180];
	[tilespmem:s22+$0x1B00] =	vst v2  }
0x87: {  	[tilespmem:s22+$0x1B80] =	vst v3  }
0x88: {  	[tilespmem:s22+$0x1C00] =	vst v4  }
0x89: {  	[tilespmem:s22+$0x1C80] =	vst v5  }
0x8a: {  	[tilespmem:s22+$0x1F80] =	vst v0;
	s22 =	smov.u32 s24  }
0x8b: {  	[tilespmem:s22+$0x1A00] =	vst v6;
	v1 =	vadd.s32 $0x186A0, v6;
	v0 =	vadd.s32 $0x10C8E0, v6;
	v3 =	vadd.s32 $0x16E360, v6  }
0x8c: {  	v2 =	vadd.s32 $0x30D40, v6;
	v7 =	vadd.s32 $0x927C0, v6;
	v4 =	vadd.s32 $0x155CC0, v6;
	[tilespmem:s22+$0x2180] =	vst v3  }
0x8d: {  	v8 =	vadd.s32 $0xAAE60, v6;
	v5 =	vadd.s32 $0x13D620, v6;
	v3 =	vadd.s32 $0x493E0, v6;
	[tilespmem:s22+$0x2100] =	vst v4  }
0x8e: {  	v9 =	vadd.s32 $0xC3500, v6;
	v10 =	vadd.s32 $0x124F80, v6;
	v4 =	vadd.s32 $0x61A80, v6;
	[tilespmem:s22+$0x2080] =	vst v5  }
0x8f: {  	v11 =	vadd.s32 $0xDBBA0, v6;
	v5 =	vadd.s32 $0x7A120, v6;
	v6 =	vadd.s32 $0xF4240, v6;
	[tilespmem:s22+$0x2000] =	vst v10  }
.Ltmp3:
0x90: {  	[tilespmem:s22+$0x1F00] =	vst v6;
	(pc) =	sbr.rel @p0 .LBB2_8-.Ltmp3, $4  }
0x91: {  	[tilespmem:s22+$0x1E80] =	vst v11  }
0x92: {  	[tilespmem:s22+$0x1E00] =	vst v9  }
0x93: {  	[tilespmem:s22+$0x1D80] =	vst v8  }
0x94: {  	[tilespmem:s22+$0x1D00] =	vst v7  }
0x95: {  	[tilespmem:s22+$0x1A80] =	vst v1  }
0x96: {  	[tilespmem:s22+$0x1B00] =	vst v2  }
0x97: {  	[tilespmem:s22+$0x1B80] =	vst v3  }
0x98: {  	[tilespmem:s22+$0x1C00] =	vst v4  }
0x99: {  	[tilespmem:s22+$0x1C80] =	vst v5  }
0x9a: {  	[tilespmem:s22+$0x1F80] =	vst v0  }
0x9b: {  	[tilespmem:s16], [sflag:$0x4] =	stream.indirect.gather [hbm4b:s2+s8], $0x1, s15, s8, $0xb8;
	[tilespmem:$0x4200] =	vst v63  }
0x9c: {  	_ =	swait.ge [sflag:s17], $0x800  }
0x9d: {  	[sflag:s17] =	ssyncset.done $0x0  }
0x9e: {  	[sflag:s17] =	ssyncadd.s32 $0xFFFFF800  }
0x9f: {  	_ =	swait.ge [sflag:s18], $0x800  }
0xa0: {  	[sflag:s18] =	ssyncset.done $0x0  }
0xa1: {  	[sflag:s18] =	ssyncadd.s32 $0xFFFFF800  }
0xa2: {  	_ =	swait.ge [sflag:s19], $0x800  }
0xa3: {  	[sflag:s19] =	ssyncset.done $0x0  }
0xa4: {  	[sflag:s19] =	ssyncadd.s32 $0xFFFFF800  }
0xa5: {  	s21 =	sadd.s32 $0x1, s21;
	_ =	swait.ge [sflag:s20], $0x800  }
0xa6: {  	p0 =	sne.s32 s21, s6;
	[sflag:s20] =	ssyncset.done $0x0  }
.Ltmp4:
0xa7: {  	[sflag:s20] =	ssyncadd.s32 $0xFFFFF800;
	(pc) =	sbr.rel @p0 .LBB2_1-.Ltmp4, $4  }
0xa8: {  	[hbm4b:s5+s3] =	stream.linear.scatter [tilespmem:s10], [sflag:$0x5], $0x2000, $0x38;
	[tilespmem:$0x4200] =	vst v63  }
0xa9: {  	_ =	swait.ge [sflag:s7], $0x2000  }
0xaa: {  	[sflag:s7] =	ssyncset.done $0x0  }
0xab: {  	[sflag:s7] =	ssyncadd.s32 $0xFFFFE000  }
0xac: {  	_ =	sfence.sel $0x180000  }
0xad: {  	[bflag:$0x0] =	sbarrier.arrive $0xFFFF  }
0xae: {  	p0 =	sne.s32 s1, $0x0;
	_ =	strace $0x90000047  }
0xaf: {  	s0 =	sadd.s32 @!p0 $0x100000, s0;
	[bflag:$0x2] =	sbarrier.arrive $0xFFFF  }
0xb0: {  	[sflag:s0] =	ssyncadd.tile.s32 @!p0 $0x1;
	_ =	shalt  }
.Lfunc_end2:
_tile_overlayer_lowered:
.L_overlay_start_2:
0xb1: {  	(tag) =	ssettag $0x2  }
0xb2: {  	s0 =	rddreg [dreg:$0x0];
	s2 =	stileid.u32  }
0xb3: {  	s1 =	rddreg [dreg:$0x1];
	p0 =	sne.s32 s2, $0x0  }
0xb4: {  	s3 =	rddreg [dreg:$0x2];
	[bflag:$0x3] =	sbarrier.arrive $0xFFFF;
	s2 =	simm.s32 @!p0 $0x1C05  }
0xb5: {  	[timem:s3], [sflag:s2] =	dma.local @!p0 [hbm:s0], s1  }
0xb6: {  	s0 =	simm.s32 @!p0 $0x5  }
0xb7: {  	_ =	swait.ge @!p0 [sflag:s0], s1  }
0xb8: {  	s1 =	ssub.s32 @!p0 $0x0, s1;
	[sflag:s0] =	ssyncset.done @!p0 $0x0  }
0xb9: {  	[sflag:s0] =	ssyncadd.s32 @!p0 s1  }
0xba: {  	[bflag:$0x3] =	sbarrier.arrive $0xFFFF  }
0xbb: {  	_ =	shalt  }

// kernel: _fm_sc.7.cloned.1.call-start
scs
__scs_entry_jumppad:
0x0: {  	(pc) =	sbr.rel $0x88, $3  }
0x1: {  	(tag) =	ssettag $0x0;
	lr =	simm.s32 $0x1  }
0x2: {  	[smem:$0x3F9C] =	sst lr;
	_ =	strace $0xD0000000  }
0x3: {  	_ = 	snop  }
0x4: {  	_ = 	snop  }
0x5: {  	_ = 	snop  }
0x6: {  	_ = 	snop  }
0x7: {  	_ = 	snop  }
__scs_overlays_trampoline_lowered:
0x8: {  	[smem:$0x3FAB] =	sst s0  }
0x9: {  	[smem:$0x3FAC] =	sst s1  }
0xa: {  	[smem:$0x3FAD] =	sst s2  }
0xb: {  	[smem:$0x3FAE] =	sst s3  }
0xc: {  	[smem:$0x3FAF] =	sst s4  }
0xd: {  	[smem:$0x3FB0] =	sst s5  }
0xe: {  	[smem:$0x3FB1] =	sst s6  }
0xf: {  	[smem:$0x3FB2] =	sst s7  }
0x10: {  	[smem:$0x3FB3] =	sst s8  }
0x11: {  	[smem:$0x3FB4] =	sst s9;
	s0 =	simm.s32 @!p0 $0x0  }
0x12: {  	s1 =	sld [smem:$0x3F9A];
	s0 =	simm.s32 @p0 $0x1  }
0x13: {  	[smem:$0x3FB5] =	sst s0;
	s0 =	simm.s32 @!p1 $0x0  }
0x14: {  	s2 =	sld [smem:$0x3F99];
	s0 =	simm.s32 @p1 $0x1  }
0x15: {  	[smem:$0x3FB6] =	sst s0;
	s0 =	simm.s32 @!p2 $0x0  }
0x16: {  	s3 =	sld [smem:$0x3FDB];
	s0 =	simm.s32 @p2 $0x1  }
0x17: {  	s4 =	simm.s32 $0x1BF5;
	[smem:$0x3FB8] =	sst s0  }
0x18: {  	s0 =	sld [smem:$0x3F9B];
	_ =	swait.ge [sflag:s4], $0x0  }
0x19: {  	s7 =	sld [smem:$0x3F9C]  }
0x1a: {  	s8 =	sadd.s32 $0xFFFFE003, lr  }
0x1b: {  	s9 =	sadd.s32 $0xFFFFFEF7, lr;
	s5 =	simm.s32 $0xFFFFFFFF;
	p2 =	slt.u32 s8, $0xFFFFF086  }
0x1c: {  	p1 =	slt.u32 s9, $0xF7A;
	s5 =	simm.s32 @!p2 $0x0  }
0x1d: {  	s5 =	simm.s32 @p1 $0x1;
	p0 =	seq.s32 s7, s2  }
0x1e: {  	s7 =	smul.u32 @!p0 $0xF7A, s2;
	p2 =	seq.s32 @!p0 s5, $0x0  }
0x1f: {  	s9 =	smul.u32 $0xF7A, s1;
	s8 =	simm.s32 @!p0 $0x1BF5;
	p2 =	por !p2, p0  }
0x20: {  	[sflag:s8] =	ssyncset.s32 @!p0 $0xFFFFF086;
	s6 =	sadd.s32 @!p0 s3, s7;
	s7 =	simm.s32 @!p0 $0x108  }
0x21: {  	s3 =	sadd.s32 s3, s9;
	s6 =	sadd.s32 @!p0 $0x88, s6;
	s7 =	simm.s32 @p2 $0x1082  }
0x22: {  	[simem:s7], [sflag:s8] =	dma.local @!p0 [hbm:s6], $0xF7A  }
0x23: {  	s9 =	sor.u32 $0xD0000000, s2;
	s6 =	simm.s32 $0x108;
	_ =	swait.ge @!p0 [sflag:s8], $0x0  }
0x24: {  	s3 =	sadd.s32 $0x88, s3;
	s6 =	simm.s32 @!p1 $0x1082;
	[sflag:s4] =	ssyncset.s32 $0xFFFFF086  }
0x25: {  	[simem:s6], [sflag:s4] =	dma.local [hbm:s3], $0xF7A  }
0x26: {  	[smem:$0x3F9C] =	sst s1;
	(tag) =	ssettag s2;
	_ =	strace s9  }
0x27: {  	s1 =	sld [smem:$0x3FAC]  }
0x28: {  	s2 =	sld [smem:$0x3FAD]  }
0x29: {  	s4 =	sld [smem:$0x3FAF]  }
0x2a: {  	p0 =	seq.s32 s5, $0x0;
	s5 =	sld [smem:$0x3FB0]  }
0x2b: {  	s6 =	sld [smem:$0x3FB1]  }
0x2c: {  	s7 =	sld [smem:$0x3FB2]  }
0x2d: {  	s3 =	simm.s32 $0x108;
	s8 =	sld [smem:$0x3FB3]  }
0x2e: {  	s3 =	simm.s32 @!p0 $0x1082;
	s9 =	sld [smem:$0x3FB4]  }
0x2f: {  	lr =	sadd.s32 s0, s3;
	s0 =	sld [smem:$0x3FAB]  }
0x30: {  	s3 =	sld [smem:$0x3FAE]  }
0x31: {  	[smem:$0x3FB7] =	sst s10  }
0x32: {  	s10 =	sld [smem:$0x3FB5];
	_ =	sdelay $0x3  }
0x33: {  	p0 =	seq.s32 s10, $0x1;
	s10 =	sld [smem:$0x3FB7];
	_ =	sdelay $0x3  }
0x34: {  	[smem:$0x3FB7] =	sst s10  }
0x35: {  	s10 =	sld [smem:$0x3FB6];
	_ =	sdelay $0x3  }
0x36: {  	p1 =	seq.s32 s10, $0x1;
	s10 =	sld [smem:$0x3FB7];
	_ =	sdelay $0x3  }
0x37: {  	[smem:$0x3FB7] =	sst s10  }
0x38: {  	s10 =	sld [smem:$0x3FB8]  }
0x39: {  	_ = 	snop;
	(pc) =	sbr.ind lr, $3  }
0x3a: {  	_ = 	snop  }
0x3b: {  	_ = 	snop  }
0x3c: {  	p2 =	seq.s32 s10, $0x1;
	s10 =	sld [smem:$0x3FB7]  }
0x3d: {  	_ =	shalt  }
0x3e: {  	_ =	shalt  }
0x3f: {  	_ =	shalt  }
0x40: {  	_ =	shalt  }
0x41: {  	_ =	shalt  }
0x42: {  	_ =	shalt  }
0x43: {  	_ =	shalt  }
0x44: {  	_ =	shalt  }
0x45: {  	_ =	shalt  }
0x46: {  	_ =	shalt  }
0x47: {  	_ =	shalt  }
0x48: {  	_ =	shalt  }
0x49: {  	_ =	shalt  }
0x4a: {  	_ =	shalt  }
0x4b: {  	_ =	shalt  }
0x4c: {  	_ =	shalt  }
0x4d: {  	_ =	shalt  }
0x4e: {  	_ =	shalt  }
0x4f: {  	_ =	shalt  }
0x50: {  	_ =	shalt  }
0x51: {  	_ =	shalt  }
0x52: {  	_ =	shalt  }
0x53: {  	_ =	shalt  }
0x54: {  	_ =	shalt  }
0x55: {  	_ =	shalt  }
0x56: {  	_ =	shalt  }
0x57: {  	_ =	shalt  }
0x58: {  	_ =	shalt  }
0x59: {  	_ =	shalt  }
0x5a: {  	_ =	shalt  }
0x5b: {  	_ =	shalt  }
0x5c: {  	_ =	shalt  }
0x5d: {  	_ =	shalt  }
0x5e: {  	_ =	shalt  }
0x5f: {  	_ =	shalt  }
0x60: {  	_ =	shalt  }
0x61: {  	_ =	shalt  }
0x62: {  	_ =	shalt  }
0x63: {  	_ =	shalt  }
0x64: {  	_ =	shalt  }
0x65: {  	_ =	shalt  }
0x66: {  	_ =	shalt  }
0x67: {  	_ =	shalt  }
0x68: {  	_ =	shalt  }
0x69: {  	_ =	shalt  }
0x6a: {  	_ =	shalt  }
0x6b: {  	_ =	shalt  }
0x6c: {  	_ =	shalt  }
0x6d: {  	_ =	shalt  }
0x6e: {  	_ =	shalt  }
0x6f: {  	_ =	shalt  }
0x70: {  	_ =	shalt  }
0x71: {  	_ =	shalt  }
0x72: {  	_ =	shalt  }
0x73: {  	_ =	shalt  }
0x74: {  	_ =	shalt  }
0x75: {  	_ =	shalt  }
0x76: {  	_ =	shalt  }
0x77: {  	_ =	shalt  }
0x78: {  	_ =	shalt  }
0x79: {  	_ =	shalt  }
0x7a: {  	_ =	shalt  }
0x7b: {  	_ =	shalt  }
0x7c: {  	_ =	shalt  }
0x7d: {  	_ =	shalt  }
0x7e: {  	_ =	shalt  }
0x7f: {  	_ =	shalt  }
0x80: {  	_ =	shalt  }
0x81: {  	_ =	shalt  }
0x82: {  	_ =	shalt  }
0x83: {  	_ =	shalt  }
0x84: {  	_ =	shalt  }
0x85: {  	_ =	shalt  }
0x86: {  	_ =	shalt  }
0x87: {  	_ =	shalt  }
.Lfunc_end0:
.L_simem_size_0:
called_computation.1_lowered:
.L_overlay_start_0:
0x88: {  	s2 =	sld [smem:$0x3FD9]  }
0x89: {  	s3 =	sld [smem:$0x3FFE];
	_ =	sdelay $0x1  }
0x8a: {  	s1 =	srdreg.scid  }
0x8b: {  	s0 =	sand.u32 $0x1, s1  }
0x8c: {  	s17 =	sshll.u32 s0, $0xA;
	s2 =	sadd.s32 s3, s2  }
0x8d: {  	s2 =	sadd.s32 s2, s17  }
0x8e: {  	[smem:$0x3FC3] =	sst s2  }
0x8f: {  	_ = 	snop  }
0x90: {  	s2 =	sld [smem:$0x3FC8]  }
0x91: {  	s18 =	sld [smem:$0x3FC6]  }
0x92: {  	s4 =	sld [smem:$0x3FC5]  }
0x93: {  	s5 =	sld [smem:$0x3FD0];
	(tm) =	ssettm $0x1  }
0x94: {  	s6 =	sld [smem:$0x3FFB];
	_ =	sdelay $0x3  }
0x95: {  	_ =	strace s6  }
0x96: {  	s6 =	sld [smem:$0x3FFC];
	_ =	sdelay $0x3  }
0x97: {  	_ =	strace s6  }
0x98: {  	s6 =	sld [smem:$0x3FFD];
	_ =	sdelay $0x3  }
0x99: {  	_ =	strace s6  }
0x9a: {  	_ =	strace $0x8FFFFFFF  }
0x9b: {  	s19 =	sld [smem:$0x3FDB];
	_ =	sdelay $0x1  }
0x9c: {  	s7 =	simm.s32 $_scs_section_size  }
0x9d: {  	s8 =	simm.s32 $_size__tile_overlayer_lowered;
	s9 =	simm.s32 $_tile_overlayer_lowered  }
0x9e: {  	s22 =	simm.s32 $0x1BFF;
	s21 =	sshll.u32 s9, $0x1;
	s6 =	sadd.s32 s7, s19  }
0x9f: {  	s10 =	simm.s32 $0x0;
	s20 =	sshll.u32 s8, $0x1;
	s8 =	sadd.s32 s21, s6  }
0xa0: {  	[timem:s10], [sflag:s22] =	dma.local [hbm:s8], s20  }
0xa1: {  	_ =	swait.ge [sflag:s22], s20  }
0xa2: {  	s7 =	ssub.s32 $0x0, s20;
	[sflag:s22] =	ssyncset.done $0x0  }
0xa3: {  	[sflag:s22] =	ssyncadd.s32 s7;
	_ =	sdelay $0x1  }
0xa4: {  	s23 =	simm.s32 $0x1B8B  }
0xa5: {  	_ =	swait.ge [sflag:s23], $0x1  }
0xa6: {  	[sflag:s23] =	ssyncset.done $0x0  }
0xa7: {  	s25 =	simm.s32 $0x1B8E;
	s24 =	sld [smem:$0x3FFE];
	[sflag:s23] =	ssyncadd.s32 $0xFFFFFFFF  }
0xa8: {  	s26 =	simm.s32 $execute0_lowered;
	[smem:$0x3FD2] =	sst s25  }
0xa9: {  	s8 =	sshll.u32 s26, $0x1;
	_ =	strace $0x80000049;
	[dreg:$0x1] =	wrdreg $0xFFFFFFFF  }
0xaa: {  	s28 =	simm.s32 $_size_execute0_lowered;
	s6 =	sadd.s32 s6, s8;
	[dreg:$0x0] =	wrdreg $0x0  }
0xab: {  	s8 =	sshll.u32 s28, $0x1;
	[dreg:$0x2] =	wrdreg s6  }
0xac: {  	[dreg:$0x3] =	wrdreg s8  }
0xad: {  	[dreg:$0x4] =	wrdreg $0xC0  }
0xae: {  	_ =	task [dreg:s10], $0x5FFFF  }
0xaf: {  	[dreg:$0x1] =	wrdreg $0xFFFFFFFF  }
0xb0: {  	[dreg:$0x0] =	wrdreg $0x60  }
0xb1: {  	[dreg:$0x2] =	wrdreg s2  }
0xb2: {  	[dreg:$0x3] =	wrdreg s18  }
0xb3: {  	[dreg:$0x4] =	wrdreg s24  }
0xb4: {  	[dreg:$0x5] =	wrdreg s4  }
0xb5: {  	[dreg:$0x6] =	wrdreg s5  }
0xb6: {  	[dreg:$0x7] =	wrdreg $0x9  }
0xb7: {  	_ =	task.clear_ibuf [dreg:s10], $0x8FFFF;
	_ =	strace $0x90000049  }
0xb8: {  	s29 =	simm.s32 $0x9;
	_ =	strace $0x8000004B  }
0xb9: {  	_ =	swait.ge [sflag:s29], $0x1  }
0xba: {  	[sflag:s29] =	ssyncadd.s32 $0xFFFFFFFF  }
0xbb: {  	_ =	strace $0x9000004B  }
0xbc: {  	_ =	sfence  }
0xbd: {  	s30 =	sld [smem:$0x0];
	_ =	sdelay $0x2  }
0xbe: {  	s31 =	sshll.u32 s1, $0xD;
	s1 =	sshrl.u32 s1, $0x2  }
0xbf: {  	s3 =	sand.u32 $0x4000, s31;
	s1 =	sadd.s32 s1, s30  }
0xc0: {  	s0 =	sor.u32 s3, s0;
	s1 =	sshll.u32 s1, $0x11  }
0xc1: {  	s0 =	sor.u32 s1, s0  }
0xc2: {  	s0 =	sadd.s32 $0x8F2B, s0  }
0xc3: {  	[sflag:s0] =	ssyncadd.remote.s32 $0x1  }
0xc4: {  	_ =	sfence.sel $0xFFFF  }
0xc5: {  	[dreg:$0x0] =	wrdreg $0xFFFFFFFF;
	(pc) =	sbr.abs _section_cstart, $3  }
0xc6: {  	[dreg:$0x1] =	wrdreg $0xFFFFFFFF  }
0xc7: {  	_ =	task.clear_ibuf [dreg:s10], $0x2FFFF;
	_ =	strace $0x9FFFFFFF  }
0xc8: {  	(tm) =	ssettm $0x7FFFFFFF  }
0xc9: {  	_ =	shalt  }
tec
execute0_lowered:
.L_overlay_start_1:
0x0: {  	(tag) =	ssettag $0x1  }
0x1: {  	s0 =	rddreg [dreg:$0x0]  }
0x2: {  	s1 =	rddreg [dreg:$0x1]  }
0x3: {  	s5 =	rddreg [dreg:$0x2]  }
0x4: {  	s3 =	rddreg [dreg:$0x3]  }
0x5: {  	s7 =	rddreg [dreg:$0x4];
	s6 =	srdreg.scid  }
0x6: {  	s2 =	stileid.u32;
	s4 =	simm.s32 $0x0;
	s11 =	simm.s32 $0x800  }
0x7: {  	s12 =	simm.s32 $0x200;
	s13 =	simm.s32 $0x4200;
	s14 =	simm.s32 $0xA00  }
0x8: {  	s15 =	simm.s32 $0x4A00;
	s16 =	simm.s32 $0x1200;
	s17 =	simm.s32 $0x5200  }
0x9: {  	s18 =	simm.s32 $0x1A00;
	s19 =	simm.s32 $0x5A00;
	s20 =	simm.s32 $0x6400  }
0xa: {  	s21 =	simm.s32 $0x5;
	s22 =	simm.s32 $0x1;
	s23 =	simm.s32 $0x2  }
0xb: {  	s24 =	simm.s32 $0x3;
	s25 =	simm.s32 $0x4;
	s26 =	simm.s32 $0x6200  }
0xc: {  	s28 =	simm.s32 $0x0;
	s6 =	sand.u32 $0x1, s6;
	s8 =	sshll.u32 s2, $0x1  }
0xd: {  	[smem:$0x7FF] =	sst s4;
	s8 =	sor.u32 s6, s8;
	s6 =	ssub.s32 $0x2, s6  }
0xe: {  	_ =	strace $0x8000004A;
	s9 =	sshll.u32 s8, $0xA;
	s31 =	sshrl.u32 s6, $0x1  }
0xf: {  	s8 =	sshll.u32 s8, $0x6;
	s9 =	sadd.s32 s9, s5;
	s10 =	ssub.s32 s6, s31  }
0x10: {  	s5 =	sadd.s32 s0, s8;
	s7 =	sadd.s32 s7, s8;
	s6 =	sadd.s32 $0x800, s9  }
0x11: {  	s8 =	smax.u32 s10, $0x1;
	s9 =	simm.s32 $0x6;
	s10 =	simm.s32 $0x2200  }
.LBB2_1:
0x12: {  	[tilespmem:s4], [sflag:$0x6] =	stream.linear.gather [hbm4b:s5+s4], $0x200, $0x38;
	[tilespmem:$0x6480] =	vst v63  }
0x13: {  	_ =	swait.ge [sflag:s9], $0x200  }
0x14: {  	[sflag:s9] =	ssyncset.done $0x0  }
0x15: {  	s0 =	simm.s32 $0x0;
	[sflag:s9] =	ssyncadd.s32 $0xFFFFFE00  }
0x16: {  	[tilespmem:s10], [sflag:$0x5] =	stream.linear.gather [hbm4b:s6+s4], $0x2000, $0x38;
	[tilespmem:$0x6480] =	vst v63  }
0x17: {  	v5 =	vld [tilespmem:s0+$0x0];
	_ =	sdelay $0x4  }
0x18: {  	[tilespmem:s0+$0x200] =	vst v5;
	v0 =	vadd.s32 $0x16E360, v5  }
0x19: {  	v1 =	vadd.s32 $0x155CC0, v5;
	[tilespmem:s0+$0x980] =	vst v0  }
0x1a: {  	v3 =	vadd.s32 $0xAAE60, v5;
	[tilespmem:s0+$0x900] =	vst v1  }
0x1b: {  	v6 =	vadd.s32 $0x927C0, v5;
	[tilespmem:s0+$0x580] =	vst v3  }
0x1c: {  	v0 =	vadd.s32 $0x13D620, v5;
	[tilespmem:s0+$0x500] =	vst v6  }
0x1d: {  	v1 =	vadd.s32 $0x124F80, v5;
	[tilespmem:s0+$0x880] =	vst v0  }
0x1e: {  	v0 =	vadd.s32 $0xF4240, v5;
	[tilespmem:s0+$0x800] =	vst v1  }
0x1f: {  	v2 =	vadd.s32 $0x30D40, v5;
	v1 =	vadd.s32 $0xDBBA0, v5;
	[tilespmem:s0+$0x700] =	vst v0  }
0x20: {  	v4 =	vadd.s32 $0x61A80, v5;
	v3 =	vadd.s32 $0x493E0, v5;
	v0 =	vadd.s32 $0xC3500, v5;
	[tilespmem:s0+$0x680] =	vst v1  }
0x21: {  	s29 =	simm.s32 $0x40;
	v1 =	vadd.s32 $0x186A0, v5;
	[tilespmem:s0+$0x600] =	vst v0;
	v0 =	vadd.s32 $0x10C8E0, v5;
	v5 =	vadd.s32 $0x7A120, v5  }
.LBB2_2:
0x22: {  	s30 =	sshra.s32 s29, $0x2;
	p0 =	sne.s32 s29, $0x1C0;
	s29 =	sadd.s32 $0x40, s29;
	[tilespmem:s0+$0x280] =	vst v1  }
0x23: {  	v6 =	vld [tilespmem:s30+$0x0];
	[tilespmem:s0+$0x300] =	vst v2  }
0x24: {  	[tilespmem:s0+$0x380] =	vst v3  }
0x25: {  	[tilespmem:s0+$0x400] =	vst v4  }
0x26: {  	[tilespmem:s0+$0x480] =	vst v5  }
0x27: {  	[tilespmem:s0+$0x780] =	vst v0;
	s0 =	smov.u32 s30  }
0x28: {  	[tilespmem:s0+$0x200] =	vst v6;
	v1 =	vadd.s32 $0x186A0, v6;
	v0 =	vadd.s32 $0x10C8E0, v6;
	v3 =	vadd.s32 $0x16E360, v6  }
0x29: {  	v2 =	vadd.s32 $0x30D40, v6;
	v7 =	vadd.s32 $0x927C0, v6;
	v4 =	vadd.s32 $0x155CC0, v6;
	[tilespmem:s0+$0x980] =	vst v3  }
0x2a: {  	v8 =	vadd.s32 $0xAAE60, v6;
	v5 =	vadd.s32 $0x13D620, v6;
	v3 =	vadd.s32 $0x493E0, v6;
	[tilespmem:s0+$0x900] =	vst v4  }
0x2b: {  	v9 =	vadd.s32 $0xC3500, v6;
	v10 =	vadd.s32 $0x124F80, v6;
	v4 =	vadd.s32 $0x61A80, v6;
	[tilespmem:s0+$0x880] =	vst v5  }
0x2c: {  	v11 =	vadd.s32 $0xDBBA0, v6;
	v5 =	vadd.s32 $0x7A120, v6;
	v6 =	vadd.s32 $0xF4240, v6;
	[tilespmem:s0+$0x800] =	vst v10  }
.Ltmp0:
0x2d: {  	[tilespmem:s0+$0x700] =	vst v6;
	(pc) =	sbr.rel @p0 .LBB2_2-.Ltmp0, $4  }
0x2e: {  	[tilespmem:s0+$0x680] =	vst v11  }
0x2f: {  	[tilespmem:s0+$0x600] =	vst v9  }
0x30: {  	[tilespmem:s0+$0x580] =	vst v8  }
0x31: {  	[tilespmem:s0+$0x500] =	vst v7  }
0x32: {  	[tilespmem:s0+$0x280] =	vst v1  }
0x33: {  	[tilespmem:s0+$0x300] =	vst v2  }
0x34: {  	[tilespmem:s0+$0x380] =	vst v3  }
0x35: {  	[tilespmem:s0+$0x400] =	vst v4  }
0x36: {  	[tilespmem:s0+$0x480] =	vst v5  }
0x37: {  	[tilespmem:s0+$0x780] =	vst v0;
	s0 =	simm.s32 $0x0  }
0x38: {  	[tilespmem:s13], [sflag:$0x1] =	stream.indirect.gather [hbm4b:s1+s11], $0x1, s12, s11, $0xb8;
	[tilespmem:$0x6480] =	vst v63  }
0x39: {  	v5 =	vld [tilespmem:s0+$0x80];
	_ =	sdelay $0x4  }
0x3a: {  	[tilespmem:s0+$0xA00] =	vst v5;
	v0 =	vadd.s32 $0x16E360, v5  }
0x3b: {  	v1 =	vadd.s32 $0x155CC0, v5;
	[tilespmem:s0+$0x1180] =	vst v0  }
0x3c: {  	v3 =	vadd.s32 $0xAAE60, v5;
	[tilespmem:s0+$0x1100] =	vst v1  }
0x3d: {  	v6 =	vadd.s32 $0x927C0, v5;
	[tilespmem:s0+$0xD80] =	vst v3  }
0x3e: {  	v0 =	vadd.s32 $0x13D620, v5;
	[tilespmem:s0+$0xD00] =	vst v6  }
0x3f: {  	v1 =	vadd.s32 $0x124F80, v5;
	[tilespmem:s0+$0x1080] =	vst v0  }
0x40: {  	v0 =	vadd.s32 $0xF4240, v5;
	[tilespmem:s0+$0x1000] =	vst v1  }
0x41: {  	v2 =	vadd.s32 $0x30D40, v5;
	v1 =	vadd.s32 $0xDBBA0, v5;
	[tilespmem:s0+$0xF00] =	vst v0  }
0x42: {  	v4 =	vadd.s32 $0x61A80, v5;
	v3 =	vadd.s32 $0x493E0, v5;
	v0 =	vadd.s32 $0xC3500, v5;
	[tilespmem:s0+$0xE80] =	vst v1  }
0x43: {  	s29 =	simm.s32 $0x40;
	v1 =	vadd.s32 $0x186A0, v5;
	[tilespmem:s0+$0xE00] =	vst v0;
	v0 =	vadd.s32 $0x10C8E0, v5;
	v5 =	vadd.s32 $0x7A120, v5  }
.LBB2_4:
0x44: {  	s30 =	sshra.s32 s29, $0x2;
	p0 =	sne.s32 s29, $0x1C0;
	s29 =	sadd.s32 $0x40, s29;
	[tilespmem:s0+$0xA80] =	vst v1  }
0x45: {  	v6 =	vld [tilespmem:s30+$0x80];
	[tilespmem:s0+$0xB00] =	vst v2  }
0x46: {  	[tilespmem:s0+$0xB80] =	vst v3  }
0x47: {  	[tilespmem:s0+$0xC00] =	vst v4  }
0x48: {  	[tilespmem:s0+$0xC80] =	vst v5  }
0x49: {  	[tilespmem:s0+$0xF80] =	vst v0;
	s0 =	smov.u32 s30  }
0x4a: {  	[tilespmem:s0+$0xA00] =	vst v6;
	v1 =	vadd.s32 $0x186A0, v6;
	v0 =	vadd.s32 $0x10C8E0, v6;
	v3 =	vadd.s32 $0x16E360, v6  }
0x4b: {  	v2 =	vadd.s32 $0x30D40, v6;
	v7 =	vadd.s32 $0x927C0, v6;
	v4 =	vadd.s32 $0x155CC0, v6;
	[tilespmem:s0+$0x1180] =	vst v3  }
0x4c: {  	v8 =	vadd.s32 $0xAAE60, v6;
	v5 =	vadd.s32 $0x13D620, v6;
	v3 =	vadd.s32 $0x493E0, v6;
	[tilespmem:s0+$0x1100] =	vst v4  }
0x4d: {  	v9 =	vadd.s32 $0xC3500, v6;
	v10 =	vadd.s32 $0x124F80, v6;
	v4 =	vadd.s32 $0x61A80, v6;
	[tilespmem:s0+$0x1080] =	vst v5  }
0x4e: {  	v11 =	vadd.s32 $0xDBBA0, v6;
	v5 =	vadd.s32 $0x7A120, v6;
	v6 =	vadd.s32 $0xF4240, v6;
	[tilespmem:s0+$0x1000] =	vst v10  }
.Ltmp1:
0x4f: {  	[tilespmem:s0+$0xF00] =	vst v6;
	(pc) =	sbr.rel @p0 .LBB2_4-.Ltmp1, $4  }
0x50: {  	[tilespmem:s0+$0xE80] =	vst v11  }
0x51: {  	[tilespmem:s0+$0xE00] =	vst v9  }
0x52: {  	[tilespmem:s0+$0xD80] =	vst v8  }
0x53: {  	[tilespmem:s0+$0xD00] =	vst v7  }
0x54: {  	[tilespmem:s0+$0xA80] =	vst v1  }
0x55: {  	[tilespmem:s0+$0xB00] =	vst v2  }
0x56: {  	[tilespmem:s0+$0xB80] =	vst v3  }
0x57: {  	[tilespmem:s0+$0xC00] =	vst v4  }
0x58: {  	[tilespmem:s0+$0xC80] =	vst v5  }
0x59: {  	[tilespmem:s0+$0xF80] =	vst v0;
	s0 =	simm.s32 $0x0  }
0x5a: {  	[tilespmem:s15], [sflag:$0x2] =	stream.indirect.gather [hbm4b:s1+s11], $0x1, s14, s11, $0xb8;
	[tilespmem:$0x6480] =	vst v63  }
0x5b: {  	v5 =	vld [tilespmem:s0+$0x100];
	_ =	sdelay $0x4  }
0x5c: {  	[tilespmem:s0+$0x1200] =	vst v5;
	v0 =	vadd.s32 $0x16E360, v5  }
0x5d: {  	v1 =	vadd.s32 $0x155CC0, v5;
	[tilespmem:s0+$0x1980] =	vst v0  }
0x5e: {  	v3 =	vadd.s32 $0xAAE60, v5;
	[tilespmem:s0+$0x1900] =	vst v1  }
0x5f: {  	v6 =	vadd.s32 $0x927C0, v5;
	[tilespmem:s0+$0x1580] =	vst v3  }
0x60: {  	v0 =	vadd.s32 $0x13D620, v5;
	[tilespmem:s0+$0x1500] =	vst v6  }
0x61: {  	v1 =	vadd.s32 $0x124F80, v5;
	[tilespmem:s0+$0x1880] =	vst v0  }
0x62: {  	v0 =	vadd.s32 $0xF4240, v5;
	[tilespmem:s0+$0x1800] =	vst v1  }
0x63: {  	v2 =	vadd.s32 $0x30D40, v5;
	v1 =	vadd.s32 $0xDBBA0, v5;
	[tilespmem:s0+$0x1700] =	vst v0  }
0x64: {  	v4 =	vadd.s32 $0x61A80, v5;
	v3 =	vadd.s32 $0x493E0, v5;
	v0 =	vadd.s32 $0xC3500, v5;
	[tilespmem:s0+$0x1680] =	vst v1  }
0x65: {  	s29 =	simm.s32 $0x40;
	v1 =	vadd.s32 $0x186A0, v5;
	[tilespmem:s0+$0x1600] =	vst v0;
	v0 =	vadd.s32 $0x10C8E0, v5;
	v5 =	vadd.s32 $0x7A120, v5  }
.LBB2_6:
0x66: {  	s30 =	sshra.s32 s29, $0x2;
	p0 =	sne.s32 s29, $0x1C0;
	s29 =	sadd.s32 $0x40, s29;
	[tilespmem:s0+$0x1280] =	vst v1  }
0x67: {  	v6 =	vld [tilespmem:s30+$0x100];
	[tilespmem:s0+$0x1300] =	vst v2  }
0x68: {  	[tilespmem:s0+$0x1380] =	vst v3  }
0x69: {  	[tilespmem:s0+$0x1400] =	vst v4  }
0x6a: {  	[tilespmem:s0+$0x1480] =	vst v5  }
0x6b: {  	[tilespmem:s0+$0x1780] =	vst v0;
	s0 =	smov.u32 s30  }
0x6c: {  	[tilespmem:s0+$0x1200] =	vst v6;
	v1 =	vadd.s32 $0x186A0, v6;
	v0 =	vadd.s32 $0x10C8E0, v6;
	v3 =	vadd.s32 $0x16E360, v6  }
0x6d: {  	v2 =	vadd.s32 $0x30D40, v6;
	v7 =	vadd.s32 $0x927C0, v6;
	v4 =	vadd.s32 $0x155CC0, v6;
	[tilespmem:s0+$0x1980] =	vst v3  }
0x6e: {  	v8 =	vadd.s32 $0xAAE60, v6;
	v5 =	vadd.s32 $0x13D620, v6;
	v3 =	vadd.s32 $0x493E0, v6;
	[tilespmem:s0+$0x1900] =	vst v4  }
0x6f: {  	v9 =	vadd.s32 $0xC3500, v6;
	v10 =	vadd.s32 $0x124F80, v6;
	v4 =	vadd.s32 $0x61A80, v6;
	[tilespmem:s0+$0x1880] =	vst v5  }
0x70: {  	v11 =	vadd.s32 $0xDBBA0, v6;
	v5 =	vadd.s32 $0x7A120, v6;
	v6 =	vadd.s32 $0xF4240, v6;
	[tilespmem:s0+$0x1800] =	vst v10  }
.Ltmp2:
0x71: {  	[tilespmem:s0+$0x1700] =	vst v6;
	(pc) =	sbr.rel @p0 .LBB2_6-.Ltmp2, $4  }
0x72: {  	[tilespmem:s0+$0x1680] =	vst v11  }
0x73: {  	[tilespmem:s0+$0x1600] =	vst v9  }
0x74: {  	[tilespmem:s0+$0x1580] =	vst v8  }
0x75: {  	[tilespmem:s0+$0x1500] =	vst v7  }
0x76: {  	[tilespmem:s0+$0x1280] =	vst v1  }
0x77: {  	[tilespmem:s0+$0x1300] =	vst v2  }
0x78: {  	[tilespmem:s0+$0x1380] =	vst v3  }
0x79: {  	[tilespmem:s0+$0x1400] =	vst v4  }
0x7a: {  	[tilespmem:s0+$0x1480] =	vst v5  }
0x7b: {  	[tilespmem:s0+$0x1780] =	vst v0;
	s0 =	simm.s32 $0x0  }
0x7c: {  	[tilespmem:s17], [sflag:$0x3] =	stream.indirect.gather [hbm4b:s1+s11], $0x1, s16, s11, $0xb8;
	[tilespmem:$0x6480] =	vst v63  }
0x7d: {  	v5 =	vld [tilespmem:s0+$0x180];
	_ =	sdelay $0x4  }
0x7e: {  	[tilespmem:s0+$0x1A00] =	vst v5;
	v0 =	vadd.s32 $0x16E360, v5  }
0x7f: {  	v1 =	vadd.s32 $0x155CC0, v5;
	[tilespmem:s0+$0x2180] =	vst v0  }
0x80: {  	v3 =	vadd.s32 $0xAAE60, v5;
	[tilespmem:s0+$0x2100] =	vst v1  }
0x81: {  	v6 =	vadd.s32 $0x927C0, v5;
	[tilespmem:s0+$0x1D80] =	vst v3  }
0x82: {  	v0 =	vadd.s32 $0x13D620, v5;
	[tilespmem:s0+$0x1D00] =	vst v6  }
0x83: {  	v1 =	vadd.s32 $0x124F80, v5;
	[tilespmem:s0+$0x2080] =	vst v0  }
0x84: {  	v0 =	vadd.s32 $0xF4240, v5;
	[tilespmem:s0+$0x2000] =	vst v1  }
0x85: {  	v2 =	vadd.s32 $0x30D40, v5;
	v1 =	vadd.s32 $0xDBBA0, v5;
	[tilespmem:s0+$0x1F00] =	vst v0  }
0x86: {  	v4 =	vadd.s32 $0x61A80, v5;
	v3 =	vadd.s32 $0x493E0, v5;
	v0 =	vadd.s32 $0xC3500, v5;
	[tilespmem:s0+$0x1E80] =	vst v1  }
0x87: {  	s29 =	simm.s32 $0x40;
	v1 =	vadd.s32 $0x186A0, v5;
	[tilespmem:s0+$0x1E00] =	vst v0;
	v0 =	vadd.s32 $0x10C8E0, v5;
	v5 =	vadd.s32 $0x7A120, v5  }
.LBB2_8:
0x88: {  	s30 =	sshra.s32 s29, $0x2;
	p0 =	sne.s32 s29, $0x1C0;
	s29 =	sadd.s32 $0x40, s29;
	[tilespmem:s0+$0x1A80] =	vst v1  }
0x89: {  	v6 =	vld [tilespmem:s30+$0x180];
	[tilespmem:s0+$0x1B00] =	vst v2  }
0x8a: {  	[tilespmem:s0+$0x1B80] =	vst v3  }
0x8b: {  	[tilespmem:s0+$0x1C00] =	vst v4  }
0x8c: {  	[tilespmem:s0+$0x1C80] =	vst v5  }
0x8d: {  	[tilespmem:s0+$0x1F80] =	vst v0;
	s0 =	smov.u32 s30  }
0x8e: {  	[tilespmem:s0+$0x1A00] =	vst v6;
	v1 =	vadd.s32 $0x186A0, v6;
	v0 =	vadd.s32 $0x10C8E0, v6;
	v3 =	vadd.s32 $0x16E360, v6  }
0x8f: {  	v2 =	vadd.s32 $0x30D40, v6;
	v7 =	vadd.s32 $0x927C0, v6;
	v4 =	vadd.s32 $0x155CC0, v6;
	[tilespmem:s0+$0x2180] =	vst v3  }
0x90: {  	v8 =	vadd.s32 $0xAAE60, v6;
	v5 =	vadd.s32 $0x13D620, v6;
	v3 =	vadd.s32 $0x493E0, v6;
	[tilespmem:s0+$0x2100] =	vst v4  }
0x91: {  	v9 =	vadd.s32 $0xC3500, v6;
	v10 =	vadd.s32 $0x124F80, v6;
	v4 =	vadd.s32 $0x61A80, v6;
	[tilespmem:s0+$0x2080] =	vst v5  }
0x92: {  	v11 =	vadd.s32 $0xDBBA0, v6;
	v5 =	vadd.s32 $0x7A120, v6;
	v6 =	vadd.s32 $0xF4240, v6;
	[tilespmem:s0+$0x2000] =	vst v10  }
.Ltmp3:
0x93: {  	[tilespmem:s0+$0x1F00] =	vst v6;
	(pc) =	sbr.rel @p0 .LBB2_8-.Ltmp3, $4  }
0x94: {  	[tilespmem:s0+$0x1E80] =	vst v11  }
0x95: {  	[tilespmem:s0+$0x1E00] =	vst v9  }
0x96: {  	[tilespmem:s0+$0x1D80] =	vst v8  }
0x97: {  	[tilespmem:s0+$0x1D00] =	vst v7  }
0x98: {  	[tilespmem:s0+$0x1A80] =	vst v1  }
0x99: {  	[tilespmem:s0+$0x1B00] =	vst v2  }
0x9a: {  	[tilespmem:s0+$0x1B80] =	vst v3  }
0x9b: {  	[tilespmem:s0+$0x1C00] =	vst v4  }
0x9c: {  	[tilespmem:s0+$0x1C80] =	vst v5  }
0x9d: {  	[tilespmem:s0+$0x1F80] =	vst v0  }
0x9e: {  	[tilespmem:s19], [sflag:$0x4] =	stream.indirect.gather [hbm4b:s1+s11], $0x1, s18, s11, $0xb8;
	[tilespmem:$0x6480] =	vst v63  }
0x9f: {  	s0 =	simm.s32 $0x0  }
0xa0: {  	[tilespmem:s20], [sflag:$0x6] =	stream.linear.gather [hbm4b:s3+s0], $0x80, $0x38;
	[tilespmem:$0x6480] =	vst v63  }
0xa1: {  	_ =	swait.ge [sflag:s9], $0x80  }
0xa2: {  	[sflag:s9] =	ssyncset.done $0x0  }
0xa3: {  	[sflag:s9] =	ssyncadd.s32 $0xFFFFFF80  }
0xa4: {  	v0 =	vld [tilespmem:$0x6400]  }
0xa5: {  	v1 =	vld [tilespmem:$0x6410];
	_ =	swait.ge [sflag:s21], $0x2000  }
0xa6: {  	[sflag:s21] =	ssyncset.done $0x0  }
0xa7: {  	[sflag:s21] =	ssyncadd.s32 $0xFFFFE000  }
0xa8: {  	_ =	swait.ge [sflag:s22], $0x800  }
0xa9: {  	[sflag:s22] =	ssyncset.done $0x0  }
0xaa: {  	s30 =	simm.s32 $0x0;
	[sflag:s22] =	ssyncadd.s32 $0xFFFFF800  }
0xab: {  	v2 =	vld [tilespmem:s30+$0x2200]  }
0xac: {  	v3 =	vld [tilespmem:s30+$0x4200]  }
0xad: {  	v4 =	vld [tilespmem:s30+$0x2280]  }
0xae: {  	v5 =	vld [tilespmem:s30+$0x4280]  }
0xaf: {  	v6 =	vld [tilespmem:s30+$0x2300]  }
0xb0: {  	v7 =	vld [tilespmem:s30+$0x4300]  }
0xb1: {  	v8 =	vld [tilespmem:s30+$0x2380]  }
0xb2: {  	v9 =	vld [tilespmem:s30+$0x4380]  }
0xb3: {  	v10 =	vld [tilespmem:s30+$0x2400]  }
0xb4: {  	v11 =	vld [tilespmem:s30+$0x2480];
	v2 =	vmul.f32 v3, v2  }
0xb5: {  	v12 =	vld [tilespmem:s30+$0x2500]  }
0xb6: {  	v62 =	vld [tilespmem:s30+$0x2780];
	v4 =	vmul.f32 v5, v4;
	v2 =	vadd.f32 $0.0e+00, v2  }
0xb7: {  	s29 =	simm.s32 $0x10;
	v3 =	vld [tilespmem:s30+$0x4400]  }
0xb8: {  	v63 =	vld [tilespmem:s29+$0x2200];
	v2 =	vadd.f32 v4, v2;
	v4 =	vmul.f32 v7, v6  }
0xb9: {  	v5 =	vld [tilespmem:s30+$0x4480]  }
0xba: {  	v6 =	vld [tilespmem:s30+$0x4500];
	v2 =	vadd.f32 v4, v2;
	v4 =	vmul.f32 v9, v8  }
0xbb: {  	v7 =	vld [tilespmem:s30+$0x2580]  }
0xbc: {  	v3 =	vmul.f32 v3, v10;
	v10 =	vld [tilespmem:s30+$0x2680];
	v2 =	vadd.f32 v4, v2  }
0xbd: {  	v8 =	vld [tilespmem:s30+$0x4580]  }
0xbe: {  	v9 =	vld [tilespmem:s30+$0x2600];
	v2 =	vadd.f32 v3, v2;
	v3 =	vmul.f32 v5, v11  }
0xbf: {  	v4 =	vld [tilespmem:s30+$0x4600]  }
0xc0: {  	v5 =	vld [tilespmem:s30+$0x4680];
	v2 =	vadd.f32 v3, v2;
	v3 =	vmul.f32 v6, v12  }
0xc1: {  	v11 =	vld [tilespmem:s30+$0x2700]  }
0xc2: {  	v6 =	vld [tilespmem:s30+$0x4700];
	v2 =	vadd.f32 v3, v2;
	v3 =	vmul.f32 v8, v7  }
0xc3: {  	v7 =	vld [tilespmem:s30+$0x4780]  }
0xc4: {  	v8 =	vld [tilespmem:s30+$0x2800];
	v2 =	vadd.f32 v3, v2;
	v3 =	vmul.f32 v4, v9  }
0xc5: {  	v4 =	vld [tilespmem:s30+$0x4800]  }
0xc6: {  	v9 =	vld [tilespmem:s30+$0x2880];
	v2 =	vadd.f32 v3, v2;
	v3 =	vmul.f32 v5, v10  }
0xc7: {  	v5 =	vld [tilespmem:s30+$0x4880]  }
0xc8: {  	v10 =	vld [tilespmem:s30+$0x2900];
	v2 =	vadd.f32 v3, v2;
	v3 =	vmul.f32 v6, v11  }
0xc9: {  	v6 =	vld [tilespmem:s30+$0x4900]  }
0xca: {  	v11 =	vld [tilespmem:s30+$0x2980];
	v2 =	vadd.f32 v3, v2;
	v3 =	vmul.f32 v7, v62  }
0xcb: {  	v7 =	vld [tilespmem:s30+$0x4980]  }
0xcc: {  	v2 =	vadd.f32 v3, v2;
	v3 =	vmul.f32 v4, v8;
	v4 =	vld [tilespmem:s29+$0x4200]  }
0xcd: {  	v8 =	vld [tilespmem:s29+$0x2280]  }
0xce: {  	v2 =	vadd.f32 v3, v2;
	v3 =	vmul.f32 v5, v9;
	v5 =	vld [tilespmem:s29+$0x4280]  }
0xcf: {  	v9 =	vld [tilespmem:s29+$0x2300]  }
0xd0: {  	v2 =	vadd.f32 v3, v2;
	v3 =	vmul.f32 v6, v10;
	v6 =	vld [tilespmem:s29+$0x4300]  }
0xd1: {  	v10 =	vld [tilespmem:s29+$0x2380];
	v4 =	vmul.f32 v4, v63  }
0xd2: {  	v7 =	vmul.f32 v7, v11;
	v2 =	vadd.f32 v3, v2;
	v3 =	vld [tilespmem:s29+$0x4380]  }
0xd3: {  	v11 =	vld [tilespmem:s29+$0x4400];
	v4 =	vadd.f32 $0.0e+00, v4;
	v5 =	vmul.f32 v5, v8  }
0xd4: {  	v8 =	vld [tilespmem:s29+$0x2400];
	v2 =	vadd.f32 v7, v2  }
0xd5: {  	v7 =	vld [tilespmem:s29+$0x4480];
	v4 =	vadd.f32 v5, v4;
	v5 =	vmul.f32 v6, v9  }
0xd6: {  	v6 =	vld [tilespmem:s29+$0x2480];
	v2 =	vmul.f32 v2, v0  }
0xd7: {  	v9 =	vld [tilespmem:s29+$0x4500];
	v4 =	vadd.f32 v5, v4;
	v3 =	vmul.f32 v3, v10  }
0xd8: {  	v5 =	vld [tilespmem:s29+$0x2500];
	v2 =	vadd.f32 v2, v1  }
0xd9: {  	v10 =	vld [tilespmem:s29+$0x4580];
	v3 =	vadd.f32 v3, v4;
	v4 =	vmul.f32 v11, v8  }
0xda: {  	v8 =	vld [tilespmem:s29+$0x2580];
	v2 =	vsub.f32 $0.0e+00, v2  }
0xdb: {  	v3 =	vadd.f32 v4, v3;
	v4 =	vmul.f32 v7, v6;
	v6 =	vld [tilespmem:s29+$0x2600]  }
0xdc: {  	v7 =	vld [tilespmem:s29+$0x4600];
	v2 =	vmul.f32 $1.442695020e+00, v2  }
0xdd: {  	v3 =	vadd.f32 v4, v3;
	v4 =	vmul.f32 v9, v5  }
0xde: {  	v5 =	vld [tilespmem:s29+$0x2680];
	(erf) = vpow2.f32 v2  }
0xdf: {  	v9 =	vld [tilespmem:s29+$0x4680];
	v2 =	vadd.f32 v4, v3;
	v3 =	vmul.f32 v10, v8  }
0xe0: {  	v4 =	vld [tilespmem:s29+$0x2700]  }
0xe1: {  	v2 =	vadd.f32 v3, v2;
	v3 =	vmul.f32 v7, v6;
	v6 =	vld [tilespmem:s29+$0x2780]  }
0xe2: {  	v7 =	vld [tilespmem:s29+$0x4780]  }
0xe3: {  	v8 =	vld [tilespmem:s29+$0x4700];
	_ =	sdelay $0x2  }
0xe4: {  	v2 =	vadd.f32 v3, v2;
	v3 =	vmul.f32 v9, v5;
	v5 =	vld [tilespmem:s29+$0x2800]  }
0xe5: {  	v9 =	vld [tilespmem:s29+$0x4800];
	v6 =	vmul.f32 v7, v6;
	v7 =	vpop (erf)  }
0xe6: {  	v11 =	vld [tilespmem:s29+$0x4880];
	v2 =	vadd.f32 v3, v2;
	v3 =	vmul.f32 v8, v4;
	v7 =	vadd.f32 $1.000000000e+00, v7  }
0xe7: {  	v10 =	vld [tilespmem:s29+$0x2880]  }
0xe8: {  	v4 =	vld [tilespmem:s29+$0x4900];
	v3 =	vadd.f32 v3, v2;
	(erf) = vrcp.f32 v7  }
0xe9: {  	v2 =	vld [tilespmem:s29+$0x2900]  }
0xea: {  	v9 =	vmul.f32 v9, v5;
	v5 =	vld [tilespmem:s29+$0x4980];
	v6 =	vadd.f32 v6, v3  }
0xeb: {  	s31 =	simm.s32 $0x20;
	v3 =	vld [tilespmem:s29+$0x2980]  }
0xec: {  	s0 =	simm.s32 $0xC0;
	v8 =	vld [tilespmem:s31+$0x2200];
	v7 =	vmul.f32 v11, v10;
	v6 =	vadd.f32 v9, v6  }
.LBB2_10:
0xed: {  	p0 =	sne.s32 s0, $0x1C0;
	v9 =	vld [tilespmem:s31+$0x4200]  }
0xee: {  	v10 =	vld [tilespmem:s31+$0x2280];
	v11 =	vadd.f32 v7, v6;
	v2 =	vmul.f32 v4, v2  }
0xef: {  	v4 =	vld [tilespmem:s31+$0x4280]  }
0xf0: {  	v7 =	vld [tilespmem:s31+$0x2300];
	v2 =	vadd.f32 v2, v11;
	v3 =	vmul.f32 v5, v3  }
0xf1: {  	v5 =	vld [tilespmem:s31+$0x4300];
	v6 =	vpop (erf)  }
0xf2: {  	v8 =	vmul.f32 v9, v8;
	v9 =	vld [tilespmem:s31+$0x2380];
	v2 =	vadd.f32 v3, v2;
	[tilespmem:s30+$0x6200] =	vst v6;
	s30 =	smov.u32 s29;
	s29 =	smov.u32 s31  }
0xf3: {  	v3 =	vld [tilespmem:s29+$0x4380]  }
0xf4: {  	v6 =	vadd.f32 $0.0e+00, v8;
	v4 =	vmul.f32 v4, v10;
	v8 =	vld [tilespmem:s29+$0x2400];
	v2 =	vmul.f32 v2, v0  }
0xf5: {  	v10 =	vld [tilespmem:s29+$0x4400]  }
0xf6: {  	v4 =	vadd.f32 v4, v6;
	v5 =	vmul.f32 v5, v7;
	v6 =	vld [tilespmem:s29+$0x2480];
	v2 =	vadd.f32 v2, v1  }
0xf7: {  	v7 =	vld [tilespmem:s29+$0x4480]  }
0xf8: {  	v4 =	vadd.f32 v5, v4;
	v3 =	vmul.f32 v3, v9;
	v5 =	vld [tilespmem:s29+$0x2500];
	v2 =	vsub.f32 $0.0e+00, v2  }
0xf9: {  	v9 =	vld [tilespmem:s29+$0x4500]  }
0xfa: {  	v3 =	vadd.f32 v3, v4;
	v4 =	vmul.f32 v10, v8;
	v8 =	vld [tilespmem:s29+$0x2580];
	v2 =	vmul.f32 $1.442695020e+00, v2  }
0xfb: {  	v10 =	vld [tilespmem:s29+$0x4580]  }
0xfc: {  	v3 =	vadd.f32 v4, v3;
	v4 =	vmul.f32 v7, v6;
	v6 =	vld [tilespmem:s29+$0x2600];
	(erf) = vpow2.f32 v2  }
0xfd: {  	v2 =	vld [tilespmem:s29+$0x4600]  }
0xfe: {  	v3 =	vadd.f32 v4, v3;
	v4 =	vmul.f32 v9, v5;
	v5 =	vld [tilespmem:s29+$0x2680]  }
0xff: {  	v7 =	vld [tilespmem:s29+$0x4680]  }
0x100: {  	v3 =	vadd.f32 v4, v3;
	v4 =	vmul.f32 v10, v8;
	v8 =	vld [tilespmem:s29+$0x2700]  }
0x101: {  	v9 =	vld [tilespmem:s29+$0x4700]  }
0x102: {  	v3 =	vadd.f32 v4, v3;
	v2 =	vmul.f32 v2, v6;
	v4 =	vld [tilespmem:s29+$0x2780]  }
0x103: {  	v6 =	vld [tilespmem:s29+$0x4780]  }
0x104: {  	v2 =	vadd.f32 v2, v3;
	v3 =	vmul.f32 v7, v5;
	v5 =	vld [tilespmem:s29+$0x2800]  }
0x105: {  	v7 =	vld [tilespmem:s29+$0x4800];
	v10 =	vpop (erf)  }
0x106: {  	v2 =	vadd.f32 v3, v2;
	v3 =	vmul.f32 v9, v8;
	v9 =	vld [tilespmem:s29+$0x2880];
	v8 =	vadd.f32 $1.000000000e+00, v10  }
0x107: {  	v10 =	vld [tilespmem:s29+$0x4880]  }
.Ltmp4:
0x108: {  	v3 =	vadd.f32 v3, v2;
	v6 =	vmul.f32 v6, v4;
	v2 =	vld [tilespmem:s29+$0x2900];
	(erf) = vrcp.f32 v8;
	(pc) =	sbr.rel @p0 .LBB2_10-.Ltmp4, $4  }
0x109: {  	v4 =	vld [tilespmem:s29+$0x4900]  }
0x10a: {  	v6 =	vadd.f32 v6, v3;
	v7 =	vmul.f32 v7, v5;
	v3 =	vld [tilespmem:s29+$0x2980]  }
0x10b: {  	s31 =	sshra.s32 s0, $0x2;
	v5 =	vld [tilespmem:s29+$0x4980]  }
0x10c: {  	s0 =	sadd.s32 $0x40, s0;
	v8 =	vld [tilespmem:s31+$0x2200];
	v6 =	vadd.f32 v7, v6;
	v7 =	vmul.f32 v10, v9  }
0x10d: {  	v9 =	vld [tilespmem:s31+$0x4200]  }
0x10e: {  	v10 =	vld [tilespmem:s31+$0x2280]  }
0x10f: {  	v11 =	vld [tilespmem:s31+$0x4280]  }
0x110: {  	v12 =	vld [tilespmem:s31+$0x2300]  }
0x111: {  	v13 =	vld [tilespmem:s31+$0x4300];
	v14 =	vpop (erf)  }
0x112: {  	v15 =	vld [tilespmem:s31+$0x2380];
	v8 =	vmul.f32 v9, v8;
	[tilespmem:s30+$0x6200] =	vst v14  }
0x113: {  	v9 =	vld [tilespmem:s31+$0x4380]  }
0x114: {  	v10 =	vmul.f32 v11, v10;
	v11 =	vld [tilespmem:s31+$0x2400];
	v8 =	vadd.f32 $0.0e+00, v8  }
0x115: {  	v14 =	vld [tilespmem:s31+$0x4400]  }
0x116: {  	v54 =	vld [tilespmem:s31+$0x2480];
	v8 =	vadd.f32 v10, v8;
	v10 =	vmul.f32 v13, v12  }
0x117: {  	v55 =	vld [tilespmem:s31+$0x4480]  }
0x118: {  	v56 =	vld [tilespmem:s31+$0x4500];
	v8 =	vadd.f32 v10, v8;
	v9 =	vmul.f32 v9, v15  }
0x119: {  	v10 =	vld [tilespmem:s31+$0x2500]  }
0x11a: {  	v57 =	vld [tilespmem:s31+$0x4580];
	v8 =	vadd.f32 v9, v8;
	v9 =	vmul.f32 v14, v11  }
0x11b: {  	v11 =	vld [tilespmem:s31+$0x2580]  }
0x11c: {  	v58 =	vld [tilespmem:s31+$0x2600];
	v8 =	vadd.f32 v9, v8;
	v9 =	vmul.f32 v55, v54  }
0x11d: {  	v59 =	vld [tilespmem:s31+$0x4600]  }
0x11e: {  	v60 =	vld [tilespmem:s31+$0x4680];
	v8 =	vadd.f32 v9, v8;
	v9 =	vmul.f32 v56, v10  }
0x11f: {  	v6 =	vadd.f32 v7, v6;
	v2 =	vmul.f32 v4, v2;
	v10 =	vld [tilespmem:s31+$0x2680]  }
0x120: {  	v4 =	vld [tilespmem:s31+$0x4700];
	v8 =	vadd.f32 v9, v8;
	v9 =	vmul.f32 v57, v11  }
0x121: {  	v2 =	vadd.f32 v2, v6;
	v11 =	vld [tilespmem:s31+$0x2700]  }
0x122: {  	v3 =	vmul.f32 v5, v3;
	v5 =	vld [tilespmem:s31+$0x4780];
	v7 =	vadd.f32 v9, v8;
	v8 =	vmul.f32 v59, v58  }
0x123: {  	v9 =	vld [tilespmem:s31+$0x2780]  }
0x124: {  	v2 =	vadd.f32 v3, v2;
	v3 =	vld [tilespmem:s31+$0x4800];
	v6 =	vadd.f32 v8, v7;
	v7 =	vmul.f32 v60, v10  }
0x125: {  	v8 =	vld [tilespmem:s31+$0x2800]  }
0x126: {  	v10 =	vld [tilespmem:s31+$0x4880];
	v4 =	vmul.f32 v4, v11;
	v6 =	vadd.f32 v7, v6  }
0x127: {  	v2 =	vmul.f32 v2, v0;
	v7 =	vld [tilespmem:s31+$0x2880]  }
0x128: {  	v5 =	vmul.f32 v5, v9;
	v9 =	vld [tilespmem:s31+$0x4900];
	v4 =	vadd.f32 v4, v6  }
0x129: {  	v2 =	vadd.f32 v2, v1;
	v6 =	vld [tilespmem:s31+$0x2900]  }
0x12a: {  	v3 =	vmul.f32 v3, v8;
	v8 =	vld [tilespmem:s31+$0x4980];
	v4 =	vadd.f32 v5, v4  }
0x12b: {  	v2 =	vsub.f32 $0.0e+00, v2;
	v5 =	vld [tilespmem:s31+$0x2980]  }
0x12c: {  	v3 =	vadd.f32 v3, v4;
	v4 =	vmul.f32 v10, v7  }
0x12d: {  	v2 =	vmul.f32 $1.442695020e+00, v2  }
0x12e: {  	v3 =	vadd.f32 v4, v3;
	v4 =	vmul.f32 v9, v6  }
0x12f: {  	(erf) = vpow2.f32 v2  }
0x130: {  	v2 =	vadd.f32 v4, v3;
	v3 =	vmul.f32 v8, v5;
	_ =	sdelay $0x1  }
0x131: {  	v2 =	vadd.f32 v3, v2;
	_ =	sdelay $0x1  }
0x132: {  	v2 =	vmul.f32 v2, v0;
	_ =	sdelay $0x1  }
0x133: {  	v2 =	vadd.f32 v2, v1;
	_ =	sdelay $0x1  }
0x134: {  	v3 =	vpop (erf);
	v2 =	vsub.f32 $0.0e+00, v2  }
0x135: {  	v3 =	vadd.f32 $1.000000000e+00, v3  }
0x136: {  	v2 =	vmul.f32 $1.442695020e+00, v2  }
0x137: {  	(erf) = vrcp.f32 v3  }
0x138: {  	(erf) = vpow2.f32 v2;
	_ =	sdelay $0x7  }
0x139: {  	v2 =	vpop (erf)  }
0x13a: {  	v3 =	vpop (erf)  }
0x13b: {  	v3 =	vadd.f32 $1.000000000e+00, v3;
	_ =	sdelay $0x1  }
0x13c: {  	(erf) = vrcp.f32 v3;
	_ =	sdelay $0x8  }
0x13d: {  	[tilespmem:s29+$0x6200] =	vst v2;
	v2 =	vpop (erf)  }
0x13e: {  	[tilespmem:s31+$0x6200] =	vst v2  }
0x13f: {  	_ =	swait.ge [sflag:s23], $0x800  }
0x140: {  	[sflag:s23] =	ssyncset.done $0x0  }
0x141: {  	s30 =	simm.s32 $0x0;
	[sflag:s23] =	ssyncadd.s32 $0xFFFFF800  }
0x142: {  	v2 =	vld [tilespmem:s30+$0x2A00]  }
0x143: {  	v3 =	vld [tilespmem:s30+$0x4A00]  }
0x144: {  	v4 =	vld [tilespmem:s30+$0x2A80]  }
0x145: {  	v5 =	vld [tilespmem:s30+$0x4A80]  }
0x146: {  	v6 =	vld [tilespmem:s30+$0x2B00]  }
0x147: {  	v7 =	vld [tilespmem:s30+$0x4B00]  }
0x148: {  	v8 =	vld [tilespmem:s30+$0x2B80]  }
0x149: {  	v9 =	vld [tilespmem:s30+$0x4B80]  }
0x14a: {  	v10 =	vld [tilespmem:s30+$0x2C00]  }
0x14b: {  	v11 =	vld [tilespmem:s30+$0x2C80];
	v2 =	vmul.f32 v3, v2  }
0x14c: {  	v61 =	vld [tilespmem:s30+$0x2D00]  }
0x14d: {  	v62 =	vld [tilespmem:s30+$0x2F80];
	v4 =	vmul.f32 v5, v4;
	v2 =	vadd.f32 $0.0e+00, v2  }
0x14e: {  	s29 =	simm.s32 $0x10;
	v3 =	vld [tilespmem:s30+$0x4C00]  }
0x14f: {  	v63 =	vld [tilespmem:s29+$0x2A00];
	v2 =	vadd.f32 v4, v2;
	v4 =	vmul.f32 v7, v6  }
0x150: {  	v5 =	vld [tilespmem:s30+$0x4C80]  }
0x151: {  	v6 =	vld [tilespmem:s30+$0x4D00];
	v2 =	vadd.f32 v4, v2;
	v4 =	vmul.f32 v9, v8  }
0x152: {  	v7 =	vld [tilespmem:s30+$0x2D80]  }
0x153: {  	v3 =	vmul.f32 v3, v10;
	v10 =	vld [tilespmem:s30+$0x2E80];
	v2 =	vadd.f32 v4, v2  }
0x154: {  	v8 =	vld [tilespmem:s30+$0x4D80]  }
0x155: {  	v9 =	vld [tilespmem:s30+$0x2E00];
	v2 =	vadd.f32 v3, v2;
	v3 =	vmul.f32 v5, v11  }
0x156: {  	v4 =	vld [tilespmem:s30+$0x4E00]  }
0x157: {  	v5 =	vld [tilespmem:s30+$0x4E80];
	v2 =	vadd.f32 v3, v2;
	v3 =	vmul.f32 v6, v61  }
0x158: {  	v11 =	vld [tilespmem:s30+$0x2F00]  }
0x159: {  	v6 =	vld [tilespmem:s30+$0x4F00];
	v2 =	vadd.f32 v3, v2;
	v3 =	vmul.f32 v8, v7  }
0x15a: {  	v7 =	vld [tilespmem:s30+$0x4F80]  }
0x15b: {  	v8 =	vld [tilespmem:s30+$0x3000];
	v2 =	vadd.f32 v3, v2;
	v3 =	vmul.f32 v4, v9  }
0x15c: {  	v4 =	vld [tilespmem:s30+$0x5000]  }
0x15d: {  	v9 =	vld [tilespmem:s30+$0x3080];
	v2 =	vadd.f32 v3, v2;
	v3 =	vmul.f32 v5, v10  }
0x15e: {  	v5 =	vld [tilespmem:s30+$0x5080]  }
0x15f: {  	v10 =	vld [tilespmem:s30+$0x3100];
	v2 =	vadd.f32 v3, v2;
	v3 =	vmul.f32 v6, v11  }
0x160: {  	v6 =	vld [tilespmem:s30+$0x5100]  }
0x161: {  	v11 =	vld [tilespmem:s30+$0x3180];
	v2 =	vadd.f32 v3, v2;
	v3 =	vmul.f32 v7, v62  }
0x162: {  	v7 =	vld [tilespmem:s30+$0x5180]  }
0x163: {  	v2 =	vadd.f32 v3, v2;
	v3 =	vmul.f32 v4, v8;
	v4 =	vld [tilespmem:s29+$0x4A00]  }
0x164: {  	v8 =	vld [tilespmem:s29+$0x2A80]  }
0x165: {  	v2 =	vadd.f32 v3, v2;
	v3 =	vmul.f32 v5, v9;
	v5 =	vld [tilespmem:s29+$0x4A80]  }
0x166: {  	v9 =	vld [tilespmem:s29+$0x2B00]  }
0x167: {  	v2 =	vadd.f32 v3, v2;
	v3 =	vmul.f32 v6, v10;
	v6 =	vld [tilespmem:s29+$0x4B00]  }
0x168: {  	v10 =	vld [tilespmem:s29+$0x2B80];
	v4 =	vmul.f32 v4, v63  }
0x169: {  	v7 =	vmul.f32 v7, v11;
	v2 =	vadd.f32 v3, v2;
	v3 =	vld [tilespmem:s29+$0x4B80]  }
0x16a: {  	v11 =	vld [tilespmem:s29+$0x4C00];
	v4 =	vadd.f32 $0.0e+00, v4;
	v5 =	vmul.f32 v5, v8  }
0x16b: {  	v8 =	vld [tilespmem:s29+$0x2C00];
	v2 =	vadd.f32 v7, v2  }
0x16c: {  	v7 =	vld [tilespmem:s29+$0x4C80];
	v4 =	vadd.f32 v5, v4;
	v5 =	vmul.f32 v6, v9  }
0x16d: {  	v6 =	vld [tilespmem:s29+$0x2C80];
	v2 =	vmul.f32 v2, v0  }
0x16e: {  	v9 =	vld [tilespmem:s29+$0x4D00];
	v4 =	vadd.f32 v5, v4;
	v3 =	vmul.f32 v3, v10  }
0x16f: {  	v5 =	vld [tilespmem:s29+$0x2D00];
	v2 =	vadd.f32 v2, v1  }
0x170: {  	v10 =	vld [tilespmem:s29+$0x4D80];
	v3 =	vadd.f32 v3, v4;
	v4 =	vmul.f32 v11, v8  }
0x171: {  	v8 =	vld [tilespmem:s29+$0x2D80];
	v2 =	vsub.f32 $0.0e+00, v2  }
0x172: {  	v3 =	vadd.f32 v4, v3;
	v4 =	vmul.f32 v7, v6;
	v6 =	vld [tilespmem:s29+$0x2E00]  }
0x173: {  	v7 =	vld [tilespmem:s29+$0x4E00];
	v2 =	vmul.f32 $1.442695020e+00, v2  }
0x174: {  	v3 =	vadd.f32 v4, v3;
	v4 =	vmul.f32 v9, v5  }
0x175: {  	v5 =	vld [tilespmem:s29+$0x2E80];
	(erf) = vpow2.f32 v2  }
0x176: {  	v9 =	vld [tilespmem:s29+$0x4E80];
	v2 =	vadd.f32 v4, v3;
	v3 =	vmul.f32 v10, v8  }
0x177: {  	v4 =	vld [tilespmem:s29+$0x2F00]  }
0x178: {  	v2 =	vadd.f32 v3, v2;
	v3 =	vmul.f32 v7, v6;
	v6 =	vld [tilespmem:s29+$0x2F80]  }
0x179: {  	v7 =	vld [tilespmem:s29+$0x4F80]  }
0x17a: {  	v8 =	vld [tilespmem:s29+$0x4F00];
	_ =	sdelay $0x2  }
0x17b: {  	v2 =	vadd.f32 v3, v2;
	v3 =	vmul.f32 v9, v5;
	v5 =	vld [tilespmem:s29+$0x3000]  }
0x17c: {  	v9 =	vld [tilespmem:s29+$0x5000];
	v6 =	vmul.f32 v7, v6;
	v7 =	vpop (erf)  }
0x17d: {  	v11 =	vld [tilespmem:s29+$0x5080];
	v2 =	vadd.f32 v3, v2;
	v3 =	vmul.f32 v8, v4;
	v7 =	vadd.f32 $1.000000000e+00, v7  }
0x17e: {  	v10 =	vld [tilespmem:s29+$0x3080]  }
0x17f: {  	v4 =	vld [tilespmem:s29+$0x5100];
	v3 =	vadd.f32 v3, v2;
	(erf) = vrcp.f32 v7  }
0x180: {  	v2 =	vld [tilespmem:s29+$0x3100]  }
0x181: {  	v9 =	vmul.f32 v9, v5;
	v5 =	vld [tilespmem:s29+$0x5180];
	v6 =	vadd.f32 v6, v3  }
0x182: {  	s31 =	simm.s32 $0x20;
	v3 =	vld [tilespmem:s29+$0x3180]  }
0x183: {  	s0 =	simm.s32 $0xC0;
	v8 =	vld [tilespmem:s31+$0x2A00];
	v7 =	vmul.f32 v11, v10;
	v6 =	vadd.f32 v9, v6  }
.LBB2_12:
0x184: {  	p0 =	sne.s32 s0, $0x1C0;
	v9 =	vld [tilespmem:s31+$0x4A00]  }
0x185: {  	v10 =	vld [tilespmem:s31+$0x2A80];
	v11 =	vadd.f32 v7, v6;
	v2 =	vmul.f32 v4, v2  }
0x186: {  	v4 =	vld [tilespmem:s31+$0x4A80]  }
0x187: {  	v7 =	vld [tilespmem:s31+$0x2B00];
	v2 =	vadd.f32 v2, v11;
	v3 =	vmul.f32 v5, v3  }
0x188: {  	v5 =	vld [tilespmem:s31+$0x4B00];
	v6 =	vpop (erf)  }
0x189: {  	v8 =	vmul.f32 v9, v8;
	v9 =	vld [tilespmem:s31+$0x2B80];
	v2 =	vadd.f32 v3, v2;
	[tilespmem:s30+$0x6280] =	vst v6;
	s30 =	smov.u32 s29;
	s29 =	smov.u32 s31  }
0x18a: {  	v3 =	vld [tilespmem:s29+$0x4B80]  }
0x18b: {  	v6 =	vadd.f32 $0.0e+00, v8;
	v4 =	vmul.f32 v4, v10;
	v8 =	vld [tilespmem:s29+$0x2C00];
	v2 =	vmul.f32 v2, v0  }
0x18c: {  	v10 =	vld [tilespmem:s29+$0x4C00]  }
0x18d: {  	v4 =	vadd.f32 v4, v6;
	v5 =	vmul.f32 v5, v7;
	v6 =	vld [tilespmem:s29+$0x2C80];
	v2 =	vadd.f32 v2, v1  }
0x18e: {  	v7 =	vld [tilespmem:s29+$0x4C80]  }
0x18f: {  	v4 =	vadd.f32 v5, v4;
	v3 =	vmul.f32 v3, v9;
	v5 =	vld [tilespmem:s29+$0x2D00];
	v2 =	vsub.f32 $0.0e+00, v2  }
0x190: {  	v9 =	vld [tilespmem:s29+$0x4D00]  }
0x191: {  	v3 =	vadd.f32 v3, v4;
	v4 =	vmul.f32 v10, v8;
	v8 =	vld [tilespmem:s29+$0x2D80];
	v2 =	vmul.f32 $1.442695020e+00, v2  }
0x192: {  	v10 =	vld [tilespmem:s29+$0x4D80]  }
0x193: {  	v3 =	vadd.f32 v4, v3;
	v4 =	vmul.f32 v7, v6;
	v6 =	vld [tilespmem:s29+$0x2E00];
	(erf) = vpow2.f32 v2  }
0x194: {  	v2 =	vld [tilespmem:s29+$0x4E00]  }
0x195: {  	v3 =	vadd.f32 v4, v3;
	v4 =	vmul.f32 v9, v5;
	v5 =	vld [tilespmem:s29+$0x2E80]  }
0x196: {  	v7 =	vld [tilespmem:s29+$0x4E80]  }
0x197: {  	v3 =	vadd.f32 v4, v3;
	v4 =	vmul.f32 v10, v8;
	v8 =	vld [tilespmem:s29+$0x2F00]  }
0x198: {  	v9 =	vld [tilespmem:s29+$0x4F00]  }
0x199: {  	v3 =	vadd.f32 v4, v3;
	v2 =	vmul.f32 v2, v6;
	v4 =	vld [tilespmem:s29+$0x2F80]  }
0x19a: {  	v6 =	vld [tilespmem:s29+$0x4F80]  }
0x19b: {  	v2 =	vadd.f32 v2, v3;
	v3 =	vmul.f32 v7, v5;
	v5 =	vld [tilespmem:s29+$0x3000]  }
0x19c: {  	v7 =	vld [tilespmem:s29+$0x5000];
	v10 =	vpop (erf)  }
0x19d: {  	v2 =	vadd.f32 v3, v2;
	v3 =	vmul.f32 v9, v8;
	v9 =	vld [tilespmem:s29+$0x3080];
	v8 =	vadd.f32 $1.000000000e+00, v10  }
0x19e: {  	v10 =	vld [tilespmem:s29+$0x5080]  }
.Ltmp5:
0x19f: {  	v3 =	vadd.f32 v3, v2;
	v6 =	vmul.f32 v6, v4;
	v2 =	vld [tilespmem:s29+$0x3100];
	(erf) = vrcp.f32 v8;
	(pc) =	sbr.rel @p0 .LBB2_12-.Ltmp5, $4  }
0x1a0: {  	v4 =	vld [tilespmem:s29+$0x5100]  }
0x1a1: {  	v6 =	vadd.f32 v6, v3;
	v7 =	vmul.f32 v7, v5;
	v3 =	vld [tilespmem:s29+$0x3180]  }
0x1a2: {  	s31 =	sshra.s32 s0, $0x2;
	v5 =	vld [tilespmem:s29+$0x5180]  }
0x1a3: {  	s0 =	sadd.s32 $0x40, s0;
	v8 =	vld [tilespmem:s31+$0x2A00];
	v6 =	vadd.f32 v7, v6;
	v7 =	vmul.f32 v10, v9  }
0x1a4: {  	v9 =	vld [tilespmem:s31+$0x4A00]  }
0x1a5: {  	v10 =	vld [tilespmem:s31+$0x2A80]  }
0x1a6: {  	v11 =	vld [tilespmem:s31+$0x4A80]  }
0x1a7: {  	v12 =	vld [tilespmem:s31+$0x2B00]  }
0x1a8: {  	v13 =	vld [tilespmem:s31+$0x4B00];
	v14 =	vpop (erf)  }
0x1a9: {  	v15 =	vld [tilespmem:s31+$0x2B80];
	v8 =	vmul.f32 v9, v8;
	[tilespmem:s30+$0x6280] =	vst v14  }
0x1aa: {  	v9 =	vld [tilespmem:s31+$0x4B80]  }
0x1ab: {  	v10 =	vmul.f32 v11, v10;
	v11 =	vld [tilespmem:s31+$0x2C00];
	v8 =	vadd.f32 $0.0e+00, v8  }
0x1ac: {  	v14 =	vld [tilespmem:s31+$0x4C00]  }
0x1ad: {  	v54 =	vld [tilespmem:s31+$0x2C80];
	v8 =	vadd.f32 v10, v8;
	v10 =	vmul.f32 v13, v12  }
0x1ae: {  	v55 =	vld [tilespmem:s31+$0x4C80]  }
0x1af: {  	v56 =	vld [tilespmem:s31+$0x4D00];
	v8 =	vadd.f32 v10, v8;
	v9 =	vmul.f32 v9, v15  }
0x1b0: {  	v10 =	vld [tilespmem:s31+$0x2D00]  }
0x1b1: {  	v57 =	vld [tilespmem:s31+$0x4D80];
	v8 =	vadd.f32 v9, v8;
	v9 =	vmul.f32 v14, v11  }
0x1b2: {  	v11 =	vld [tilespmem:s31+$0x2D80]  }
0x1b3: {  	v58 =	vld [tilespmem:s31+$0x2E00];
	v8 =	vadd.f32 v9, v8;
	v9 =	vmul.f32 v55, v54  }
0x1b4: {  	v59 =	vld [tilespmem:s31+$0x4E00]  }
0x1b5: {  	v60 =	vld [tilespmem:s31+$0x4E80];
	v8 =	vadd.f32 v9, v8;
	v9 =	vmul.f32 v56, v10  }
0x1b6: {  	v6 =	vadd.f32 v7, v6;
	v2 =	vmul.f32 v4, v2;
	v10 =	vld [tilespmem:s31+$0x2E80]  }
0x1b7: {  	v4 =	vld [tilespmem:s31+$0x4F00];
	v8 =	vadd.f32 v9, v8;
	v9 =	vmul.f32 v57, v11  }
0x1b8: {  	v2 =	vadd.f32 v2, v6;
	v11 =	vld [tilespmem:s31+$0x2F00]  }
0x1b9: {  	v3 =	vmul.f32 v5, v3;
	v5 =	vld [tilespmem:s31+$0x4F80];
	v7 =	vadd.f32 v9, v8;
	v8 =	vmul.f32 v59, v58  }
0x1ba: {  	v9 =	vld [tilespmem:s31+$0x2F80]  }
0x1bb: {  	v2 =	vadd.f32 v3, v2;
	v3 =	vld [tilespmem:s31+$0x5000];
	v6 =	vadd.f32 v8, v7;
	v7 =	vmul.f32 v60, v10  }
0x1bc: {  	v8 =	vld [tilespmem:s31+$0x3000]  }
0x1bd: {  	v10 =	vld [tilespmem:s31+$0x5080];
	v4 =	vmul.f32 v4, v11;
	v6 =	vadd.f32 v7, v6  }
0x1be: {  	v2 =	vmul.f32 v2, v0;
	v7 =	vld [tilespmem:s31+$0x3080]  }
0x1bf: {  	v5 =	vmul.f32 v5, v9;
	v9 =	vld [tilespmem:s31+$0x5100];
	v4 =	vadd.f32 v4, v6  }
0x1c0: {  	v2 =	vadd.f32 v2, v1;
	v6 =	vld [tilespmem:s31+$0x3100]  }
0x1c1: {  	v3 =	vmul.f32 v3, v8;
	v8 =	vld [tilespmem:s31+$0x5180];
	v4 =	vadd.f32 v5, v4  }
0x1c2: {  	v2 =	vsub.f32 $0.0e+00, v2;
	v5 =	vld [tilespmem:s31+$0x3180]  }
0x1c3: {  	v3 =	vadd.f32 v3, v4;
	v4 =	vmul.f32 v10, v7  }
0x1c4: {  	v2 =	vmul.f32 $1.442695020e+00, v2  }
0x1c5: {  	v3 =	vadd.f32 v4, v3;
	v4 =	vmul.f32 v9, v6  }
0x1c6: {  	(erf) = vpow2.f32 v2  }
0x1c7: {  	v2 =	vadd.f32 v4, v3;
	v3 =	vmul.f32 v8, v5;
	_ =	sdelay $0x1  }
0x1c8: {  	v2 =	vadd.f32 v3, v2;
	_ =	sdelay $0x1  }
0x1c9: {  	v2 =	vmul.f32 v2, v0;
	_ =	sdelay $0x1  }
0x1ca: {  	v2 =	vadd.f32 v2, v1;
	_ =	sdelay $0x1  }
0x1cb: {  	v3 =	vpop (erf);
	v2 =	vsub.f32 $0.0e+00, v2  }
0x1cc: {  	v3 =	vadd.f32 $1.000000000e+00, v3  }
0x1cd: {  	v2 =	vmul.f32 $1.442695020e+00, v2  }
0x1ce: {  	(erf) = vrcp.f32 v3  }
0x1cf: {  	(erf) = vpow2.f32 v2;
	_ =	sdelay $0x7  }
0x1d0: {  	v2 =	vpop (erf)  }
0x1d1: {  	v3 =	vpop (erf)  }
0x1d2: {  	v3 =	vadd.f32 $1.000000000e+00, v3;
	_ =	sdelay $0x1  }
0x1d3: {  	(erf) = vrcp.f32 v3;
	_ =	sdelay $0x8  }
0x1d4: {  	[tilespmem:s29+$0x6280] =	vst v2;
	v2 =	vpop (erf)  }
0x1d5: {  	[tilespmem:s31+$0x6280] =	vst v2  }
0x1d6: {  	_ =	swait.ge [sflag:s24], $0x800  }
0x1d7: {  	[sflag:s24] =	ssyncset.done $0x0  }
0x1d8: {  	s30 =	simm.s32 $0x0;
	[sflag:s24] =	ssyncadd.s32 $0xFFFFF800  }
0x1d9: {  	v2 =	vld [tilespmem:s30+$0x3200]  }
0x1da: {  	v3 =	vld [tilespmem:s30+$0x5200]  }
0x1db: {  	v4 =	vld [tilespmem:s30+$0x3280]  }
0x1dc: {  	v5 =	vld [tilespmem:s30+$0x5280]  }
0x1dd: {  	v6 =	vld [tilespmem:s30+$0x3300]  }
0x1de: {  	v7 =	vld [tilespmem:s30+$0x5300]  }
0x1df: {  	v8 =	vld [tilespmem:s30+$0x3380]  }
0x1e0: {  	v9 =	vld [tilespmem:s30+$0x5380]  }
0x1e1: {  	v10 =	vld [tilespmem:s30+$0x3400]  }
0x1e2: {  	v11 =	vld [tilespmem:s30+$0x3480];
	v2 =	vmul.f32 v3, v2  }
0x1e3: {  	v61 =	vld [tilespmem:s30+$0x3500]  }
0x1e4: {  	v62 =	vld [tilespmem:s30+$0x3780];
	v4 =	vmul.f32 v5, v4;
	v2 =	vadd.f32 $0.0e+00, v2  }
0x1e5: {  	s29 =	simm.s32 $0x10;
	v3 =	vld [tilespmem:s30+$0x5400]  }
0x1e6: {  	v63 =	vld [tilespmem:s29+$0x3200];
	v2 =	vadd.f32 v4, v2;
	v4 =	vmul.f32 v7, v6  }
0x1e7: {  	v5 =	vld [tilespmem:s30+$0x5480]  }
0x1e8: {  	v6 =	vld [tilespmem:s30+$0x5500];
	v2 =	vadd.f32 v4, v2;
	v4 =	vmul.f32 v9, v8  }
0x1e9: {  	v7 =	vld [tilespmem:s30+$0x3580]  }
0x1ea: {  	v3 =	vmul.f32 v3, v10;
	v10 =	vld [tilespmem:s30+$0x3680];
	v2 =	vadd.f32 v4, v2  }
0x1eb: {  	v8 =	vld [tilespmem:s30+$0x5580]  }
0x1ec: {  	v9 =	vld [tilespmem:s30+$0x3600];
	v2 =	vadd.f32 v3, v2;
	v3 =	vmul.f32 v5, v11  }
0x1ed: {  	v4 =	vld [tilespmem:s30+$0x5600]  }
0x1ee: {  	v5 =	vld [tilespmem:s30+$0x5680];
	v2 =	vadd.f32 v3, v2;
	v3 =	vmul.f32 v6, v61  }
0x1ef: {  	v11 =	vld [tilespmem:s30+$0x3700]  }
0x1f0: {  	v6 =	vld [tilespmem:s30+$0x5700];
	v2 =	vadd.f32 v3, v2;
	v3 =	vmul.f32 v8, v7  }
0x1f1: {  	v7 =	vld [tilespmem:s30+$0x5780]  }
0x1f2: {  	v8 =	vld [tilespmem:s30+$0x3800];
	v2 =	vadd.f32 v3, v2;
	v3 =	vmul.f32 v4, v9  }
0x1f3: {  	v4 =	vld [tilespmem:s30+$0x5800]  }
0x1f4: {  	v9 =	vld [tilespmem:s30+$0x3880];
	v2 =	vadd.f32 v3, v2;
	v3 =	vmul.f32 v5, v10  }
0x1f5: {  	v5 =	vld [tilespmem:s30+$0x5880]  }
0x1f6: {  	v10 =	vld [tilespmem:s30+$0x3900];
	v2 =	vadd.f32 v3, v2;
	v3 =	vmul.f32 v6, v11  }
0x1f7: {  	v6 =	vld [tilespmem:s30+$0x5900]  }
0x1f8: {  	v11 =	vld [tilespmem:s30+$0x3980];
	v2 =	vadd.f32 v3, v2;
	v3 =	vmul.f32 v7, v62  }
0x1f9: {  	v7 =	vld [tilespmem:s30+$0x5980]  }
0x1fa: {  	v2 =	vadd.f32 v3, v2;
	v3 =	vmul.f32 v4, v8;
	v4 =	vld [tilespmem:s29+$0x5200]  }
0x1fb: {  	v8 =	vld [tilespmem:s29+$0x3280]  }
0x1fc: {  	v2 =	vadd.f32 v3, v2;
	v3 =	vmul.f32 v5, v9;
	v5 =	vld [tilespmem:s29+$0x5280]  }
0x1fd: {  	v9 =	vld [tilespmem:s29+$0x3300]  }
0x1fe: {  	v2 =	vadd.f32 v3, v2;
	v3 =	vmul.f32 v6, v10;
	v6 =	vld [tilespmem:s29+$0x5300]  }
0x1ff: {  	v10 =	vld [tilespmem:s29+$0x3380];
	v4 =	vmul.f32 v4, v63  }
0x200: {  	v7 =	vmul.f32 v7, v11;
	v2 =	vadd.f32 v3, v2;
	v3 =	vld [tilespmem:s29+$0x5380]  }
0x201: {  	v11 =	vld [tilespmem:s29+$0x5400];
	v4 =	vadd.f32 $0.0e+00, v4;
	v5 =	vmul.f32 v5, v8  }
0x202: {  	v8 =	vld [tilespmem:s29+$0x3400];
	v2 =	vadd.f32 v7, v2  }
0x203: {  	v7 =	vld [tilespmem:s29+$0x5480];
	v4 =	vadd.f32 v5, v4;
	v5 =	vmul.f32 v6, v9  }
0x204: {  	v6 =	vld [tilespmem:s29+$0x3480];
	v2 =	vmul.f32 v2, v0  }
0x205: {  	v9 =	vld [tilespmem:s29+$0x5500];
	v4 =	vadd.f32 v5, v4;
	v3 =	vmul.f32 v3, v10  }
0x206: {  	v5 =	vld [tilespmem:s29+$0x3500];
	v2 =	vadd.f32 v2, v1  }
0x207: {  	v10 =	vld [tilespmem:s29+$0x5580];
	v3 =	vadd.f32 v3, v4;
	v4 =	vmul.f32 v11, v8  }
0x208: {  	v8 =	vld [tilespmem:s29+$0x3580];
	v2 =	vsub.f32 $0.0e+00, v2  }
0x209: {  	v3 =	vadd.f32 v4, v3;
	v4 =	vmul.f32 v7, v6;
	v6 =	vld [tilespmem:s29+$0x3600]  }
0x20a: {  	v7 =	vld [tilespmem:s29+$0x5600];
	v2 =	vmul.f32 $1.442695020e+00, v2  }
0x20b: {  	v3 =	vadd.f32 v4, v3;
	v4 =	vmul.f32 v9, v5  }
0x20c: {  	v5 =	vld [tilespmem:s29+$0x3680];
	(erf) = vpow2.f32 v2  }
0x20d: {  	v9 =	vld [tilespmem:s29+$0x5680];
	v2 =	vadd.f32 v4, v3;
	v3 =	vmul.f32 v10, v8  }
0x20e: {  	v4 =	vld [tilespmem:s29+$0x3700]  }
0x20f: {  	v2 =	vadd.f32 v3, v2;
	v3 =	vmul.f32 v7, v6;
	v6 =	vld [tilespmem:s29+$0x3780]  }
0x210: {  	v7 =	vld [tilespmem:s29+$0x5780]  }
0x211: {  	v8 =	vld [tilespmem:s29+$0x5700];
	_ =	sdelay $0x2  }
0x212: {  	v2 =	vadd.f32 v3, v2;
	v3 =	vmul.f32 v9, v5;
	v5 =	vld [tilespmem:s29+$0x3800]  }
0x213: {  	v9 =	vld [tilespmem:s29+$0x5800];
	v6 =	vmul.f32 v7, v6;
	v7 =	vpop (erf)  }
0x214: {  	v11 =	vld [tilespmem:s29+$0x5880];
	v2 =	vadd.f32 v3, v2;
	v3 =	vmul.f32 v8, v4;
	v7 =	vadd.f32 $1.000000000e+00, v7  }
0x215: {  	v10 =	vld [tilespmem:s29+$0x3880]  }
0x216: {  	v4 =	vld [tilespmem:s29+$0x5900];
	v3 =	vadd.f32 v3, v2;
	(erf) = vrcp.f32 v7  }
0x217: {  	v2 =	vld [tilespmem:s29+$0x3900]  }
0x218: {  	v9 =	vmul.f32 v9, v5;
	v5 =	vld [tilespmem:s29+$0x5980];
	v6 =	vadd.f32 v6, v3  }
0x219: {  	s31 =	simm.s32 $0x20;
	v3 =	vld [tilespmem:s29+$0x3980]  }
0x21a: {  	s0 =	simm.s32 $0xC0;
	v8 =	vld [tilespmem:s31+$0x3200];
	v7 =	vmul.f32 v11, v10;
	v6 =	vadd.f32 v9, v6  }
.LBB2_14:
0x21b: {  	p0 =	sne.s32 s0, $0x1C0;
	v9 =	vld [tilespmem:s31+$0x5200]  }
0x21c: {  	v10 =	vld [tilespmem:s31+$0x3280];
	v11 =	vadd.f32 v7, v6;
	v2 =	vmul.f32 v4, v2  }
0x21d: {  	v4 =	vld [tilespmem:s31+$0x5280]  }
0x21e: {  	v7 =	vld [tilespmem:s31+$0x3300];
	v2 =	vadd.f32 v2, v11;
	v3 =	vmul.f32 v5, v3  }
0x21f: {  	v5 =	vld [tilespmem:s31+$0x5300];
	v6 =	vpop (erf)  }
0x220: {  	v8 =	vmul.f32 v9, v8;
	v9 =	vld [tilespmem:s31+$0x3380];
	v2 =	vadd.f32 v3, v2;
	[tilespmem:s30+$0x6300] =	vst v6;
	s30 =	smov.u32 s29;
	s29 =	smov.u32 s31  }
0x221: {  	v3 =	vld [tilespmem:s29+$0x5380]  }
0x222: {  	v6 =	vadd.f32 $0.0e+00, v8;
	v4 =	vmul.f32 v4, v10;
	v8 =	vld [tilespmem:s29+$0x3400];
	v2 =	vmul.f32 v2, v0  }
0x223: {  	v10 =	vld [tilespmem:s29+$0x5400]  }
0x224: {  	v4 =	vadd.f32 v4, v6;
	v5 =	vmul.f32 v5, v7;
	v6 =	vld [tilespmem:s29+$0x3480];
	v2 =	vadd.f32 v2, v1  }
0x225: {  	v7 =	vld [tilespmem:s29+$0x5480]  }
0x226: {  	v4 =	vadd.f32 v5, v4;
	v3 =	vmul.f32 v3, v9;
	v5 =	vld [tilespmem:s29+$0x3500];
	v2 =	vsub.f32 $0.0e+00, v2  }
0x227: {  	v9 =	vld [tilespmem:s29+$0x5500]  }
0x228: {  	v3 =	vadd.f32 v3, v4;
	v4 =	vmul.f32 v10, v8;
	v8 =	vld [tilespmem:s29+$0x3580];
	v2 =	vmul.f32 $1.442695020e+00, v2  }
0x229: {  	v10 =	vld [tilespmem:s29+$0x5580]  }
0x22a: {  	v3 =	vadd.f32 v4, v3;
	v4 =	vmul.f32 v7, v6;
	v6 =	vld [tilespmem:s29+$0x3600];
	(erf) = vpow2.f32 v2  }
0x22b: {  	v2 =	vld [tilespmem:s29+$0x5600]  }
0x22c: {  	v3 =	vadd.f32 v4, v3;
	v4 =	vmul.f32 v9, v5;
	v5 =	vld [tilespmem:s29+$0x3680]  }
0x22d: {  	v7 =	vld [tilespmem:s29+$0x5680]  }
0x22e: {  	v3 =	vadd.f32 v4, v3;
	v4 =	vmul.f32 v10, v8;
	v8 =	vld [tilespmem:s29+$0x3700]  }
0x22f: {  	v9 =	vld [tilespmem:s29+$0x5700]  }
0x230: {  	v3 =	vadd.f32 v4, v3;
	v2 =	vmul.f32 v2, v6;
	v4 =	vld [tilespmem:s29+$0x3780]  }
0x231: {  	v6 =	vld [tilespmem:s29+$0x5780]  }
0x232: {  	v2 =	vadd.f32 v2, v3;
	v3 =	vmul.f32 v7, v5;
	v5 =	vld [tilespmem:s29+$0x3800]  }
0x233: {  	v7 =	vld [tilespmem:s29+$0x5800];
	v10 =	vpop (erf)  }
0x234: {  	v2 =	vadd.f32 v3, v2;
	v3 =	vmul.f32 v9, v8;
	v9 =	vld [tilespmem:s29+$0x3880];
	v8 =	vadd.f32 $1.000000000e+00, v10  }
0x235: {  	v10 =	vld [tilespmem:s29+$0x5880]  }
.Ltmp6:
0x236: {  	v3 =	vadd.f32 v3, v2;
	v6 =	vmul.f32 v6, v4;
	v2 =	vld [tilespmem:s29+$0x3900];
	(erf) = vrcp.f32 v8;
	(pc) =	sbr.rel @p0 .LBB2_14-.Ltmp6, $4  }
0x237: {  	v4 =	vld [tilespmem:s29+$0x5900]  }
0x238: {  	v6 =	vadd.f32 v6, v3;
	v7 =	vmul.f32 v7, v5;
	v3 =	vld [tilespmem:s29+$0x3980]  }
0x239: {  	s31 =	sshra.s32 s0, $0x2;
	v5 =	vld [tilespmem:s29+$0x5980]  }
0x23a: {  	s0 =	sadd.s32 $0x40, s0;
	v8 =	vld [tilespmem:s31+$0x3200];
	v6 =	vadd.f32 v7, v6;
	v7 =	vmul.f32 v10, v9  }
0x23b: {  	v9 =	vld [tilespmem:s31+$0x5200]  }
0x23c: {  	v10 =	vld [tilespmem:s31+$0x3280]  }
0x23d: {  	v11 =	vld [tilespmem:s31+$0x5280]  }
0x23e: {  	v12 =	vld [tilespmem:s31+$0x3300]  }
0x23f: {  	v13 =	vld [tilespmem:s31+$0x5300];
	v14 =	vpop (erf)  }
0x240: {  	v15 =	vld [tilespmem:s31+$0x3380];
	v8 =	vmul.f32 v9, v8;
	[tilespmem:s30+$0x6300] =	vst v14  }
0x241: {  	v9 =	vld [tilespmem:s31+$0x5380]  }
0x242: {  	v10 =	vmul.f32 v11, v10;
	v11 =	vld [tilespmem:s31+$0x3400];
	v8 =	vadd.f32 $0.0e+00, v8  }
0x243: {  	v14 =	vld [tilespmem:s31+$0x5400]  }
0x244: {  	v54 =	vld [tilespmem:s31+$0x3480];
	v8 =	vadd.f32 v10, v8;
	v10 =	vmul.f32 v13, v12  }
0x245: {  	v55 =	vld [tilespmem:s31+$0x5480]  }
0x246: {  	v56 =	vld [tilespmem:s31+$0x5500];
	v8 =	vadd.f32 v10, v8;
	v9 =	vmul.f32 v9, v15  }
0x247: {  	v10 =	vld [tilespmem:s31+$0x3500]  }
0x248: {  	v57 =	vld [tilespmem:s31+$0x5580];
	v8 =	vadd.f32 v9, v8;
	v9 =	vmul.f32 v14, v11  }
0x249: {  	v11 =	vld [tilespmem:s31+$0x3580]  }
0x24a: {  	v58 =	vld [tilespmem:s31+$0x3600];
	v8 =	vadd.f32 v9, v8;
	v9 =	vmul.f32 v55, v54  }
0x24b: {  	v59 =	vld [tilespmem:s31+$0x5600]  }
0x24c: {  	v60 =	vld [tilespmem:s31+$0x5680];
	v8 =	vadd.f32 v9, v8;
	v9 =	vmul.f32 v56, v10  }
0x24d: {  	v6 =	vadd.f32 v7, v6;
	v2 =	vmul.f32 v4, v2;
	v10 =	vld [tilespmem:s31+$0x3680]  }
0x24e: {  	v4 =	vld [tilespmem:s31+$0x5700];
	v8 =	vadd.f32 v9, v8;
	v9 =	vmul.f32 v57, v11  }
0x24f: {  	v2 =	vadd.f32 v2, v6;
	v11 =	vld [tilespmem:s31+$0x3700]  }
0x250: {  	v3 =	vmul.f32 v5, v3;
	v5 =	vld [tilespmem:s31+$0x5780];
	v7 =	vadd.f32 v9, v8;
	v8 =	vmul.f32 v59, v58  }
0x251: {  	v9 =	vld [tilespmem:s31+$0x3780]  }
0x252: {  	v2 =	vadd.f32 v3, v2;
	v3 =	vld [tilespmem:s31+$0x5800];
	v6 =	vadd.f32 v8, v7;
	v7 =	vmul.f32 v60, v10  }
0x253: {  	v8 =	vld [tilespmem:s31+$0x3800]  }
0x254: {  	v10 =	vld [tilespmem:s31+$0x5880];
	v4 =	vmul.f32 v4, v11;
	v6 =	vadd.f32 v7, v6  }
0x255: {  	v2 =	vmul.f32 v2, v0;
	v7 =	vld [tilespmem:s31+$0x3880]  }
0x256: {  	v5 =	vmul.f32 v5, v9;
	v9 =	vld [tilespmem:s31+$0x5900];
	v4 =	vadd.f32 v4, v6  }
0x257: {  	v2 =	vadd.f32 v2, v1;
	v6 =	vld [tilespmem:s31+$0x3900]  }
0x258: {  	v3 =	vmul.f32 v3, v8;
	v8 =	vld [tilespmem:s31+$0x5980];
	v4 =	vadd.f32 v5, v4  }
0x259: {  	v2 =	vsub.f32 $0.0e+00, v2;
	v5 =	vld [tilespmem:s31+$0x3980]  }
0x25a: {  	v3 =	vadd.f32 v3, v4;
	v4 =	vmul.f32 v10, v7  }
0x25b: {  	v2 =	vmul.f32 $1.442695020e+00, v2  }
0x25c: {  	v3 =	vadd.f32 v4, v3;
	v4 =	vmul.f32 v9, v6  }
0x25d: {  	(erf) = vpow2.f32 v2  }
0x25e: {  	v2 =	vadd.f32 v4, v3;
	v3 =	vmul.f32 v8, v5;
	_ =	sdelay $0x1  }
0x25f: {  	v2 =	vadd.f32 v3, v2;
	_ =	sdelay $0x1  }
0x260: {  	v2 =	vmul.f32 v2, v0;
	_ =	sdelay $0x1  }
0x261: {  	v2 =	vadd.f32 v2, v1;
	_ =	sdelay $0x1  }
0x262: {  	v3 =	vpop (erf);
	v2 =	vsub.f32 $0.0e+00, v2  }
0x263: {  	v3 =	vadd.f32 $1.000000000e+00, v3  }
0x264: {  	v2 =	vmul.f32 $1.442695020e+00, v2  }
0x265: {  	(erf) = vrcp.f32 v3  }
0x266: {  	(erf) = vpow2.f32 v2;
	_ =	sdelay $0x7  }
0x267: {  	v2 =	vpop (erf)  }
0x268: {  	v3 =	vpop (erf)  }
0x269: {  	v3 =	vadd.f32 $1.000000000e+00, v3;
	_ =	sdelay $0x1  }
0x26a: {  	(erf) = vrcp.f32 v3;
	_ =	sdelay $0x8  }
0x26b: {  	[tilespmem:s29+$0x6300] =	vst v2;
	v2 =	vpop (erf)  }
0x26c: {  	[tilespmem:s31+$0x6300] =	vst v2  }
0x26d: {  	_ =	swait.ge [sflag:s25], $0x800  }
0x26e: {  	[sflag:s25] =	ssyncset.done $0x0  }
0x26f: {  	s30 =	simm.s32 $0x0;
	[sflag:s25] =	ssyncadd.s32 $0xFFFFF800  }
0x270: {  	v2 =	vld [tilespmem:s30+$0x3A00]  }
0x271: {  	v3 =	vld [tilespmem:s30+$0x5A00]  }
0x272: {  	v4 =	vld [tilespmem:s30+$0x3A80]  }
0x273: {  	v5 =	vld [tilespmem:s30+$0x5A80]  }
0x274: {  	v6 =	vld [tilespmem:s30+$0x3B00]  }
0x275: {  	v7 =	vld [tilespmem:s30+$0x5B00]  }
0x276: {  	v8 =	vld [tilespmem:s30+$0x3B80]  }
0x277: {  	v9 =	vld [tilespmem:s30+$0x5B80]  }
0x278: {  	v10 =	vld [tilespmem:s30+$0x3C00]  }
0x279: {  	v11 =	vld [tilespmem:s30+$0x3C80];
	v2 =	vmul.f32 v3, v2  }
0x27a: {  	v61 =	vld [tilespmem:s30+$0x3D00]  }
0x27b: {  	v62 =	vld [tilespmem:s30+$0x3F80];
	v4 =	vmul.f32 v5, v4;
	v2 =	vadd.f32 $0.0e+00, v2  }
0x27c: {  	s29 =	simm.s32 $0x10;
	v3 =	vld [tilespmem:s30+$0x5C00]  }
0x27d: {  	v63 =	vld [tilespmem:s29+$0x3A00];
	v2 =	vadd.f32 v4, v2;
	v4 =	vmul.f32 v7, v6  }
0x27e: {  	v5 =	vld [tilespmem:s30+$0x5C80]  }
0x27f: {  	v6 =	vld [tilespmem:s30+$0x5D00];
	v2 =	vadd.f32 v4, v2;
	v4 =	vmul.f32 v9, v8  }
0x280: {  	v7 =	vld [tilespmem:s30+$0x3D80]  }
0x281: {  	v3 =	vmul.f32 v3, v10;
	v10 =	vld [tilespmem:s30+$0x3E80];
	v2 =	vadd.f32 v4, v2  }
0x282: {  	v8 =	vld [tilespmem:s30+$0x5D80]  }
0x283: {  	v9 =	vld [tilespmem:s30+$0x3E00];
	v2 =	vadd.f32 v3, v2;
	v3 =	vmul.f32 v5, v11  }
0x284: {  	v4 =	vld [tilespmem:s30+$0x5E00]  }
0x285: {  	v5 =	vld [tilespmem:s30+$0x5E80];
	v2 =	vadd.f32 v3, v2;
	v3 =	vmul.f32 v6, v61  }
0x286: {  	v11 =	vld [tilespmem:s30+$0x3F00]  }
0x287: {  	v6 =	vld [tilespmem:s30+$0x5F00];
	v2 =	vadd.f32 v3, v2;
	v3 =	vmul.f32 v8, v7  }
0x288: {  	v7 =	vld [tilespmem:s30+$0x5F80]  }
0x289: {  	v8 =	vld [tilespmem:s30+$0x4000];
	v2 =	vadd.f32 v3, v2;
	v3 =	vmul.f32 v4, v9  }
0x28a: {  	v4 =	vld [tilespmem:s30+$0x6000]  }
0x28b: {  	v9 =	vld [tilespmem:s30+$0x4080];
	v2 =	vadd.f32 v3, v2;
	v3 =	vmul.f32 v5, v10  }
0x28c: {  	v5 =	vld [tilespmem:s30+$0x6080]  }
0x28d: {  	v10 =	vld [tilespmem:s30+$0x4100];
	v2 =	vadd.f32 v3, v2;
	v3 =	vmul.f32 v6, v11  }
0x28e: {  	v6 =	vld [tilespmem:s30+$0x6100]  }
0x28f: {  	v11 =	vld [tilespmem:s30+$0x4180];
	v2 =	vadd.f32 v3, v2;
	v3 =	vmul.f32 v7, v62  }
0x290: {  	v7 =	vld [tilespmem:s30+$0x6180]  }
0x291: {  	v2 =	vadd.f32 v3, v2;
	v3 =	vmul.f32 v4, v8;
	v4 =	vld [tilespmem:s29+$0x5A00]  }
0x292: {  	v8 =	vld [tilespmem:s29+$0x3A80]  }
0x293: {  	v2 =	vadd.f32 v3, v2;
	v3 =	vmul.f32 v5, v9;
	v5 =	vld [tilespmem:s29+$0x5A80]  }
0x294: {  	v9 =	vld [tilespmem:s29+$0x3B00]  }
0x295: {  	v2 =	vadd.f32 v3, v2;
	v3 =	vmul.f32 v6, v10;
	v6 =	vld [tilespmem:s29+$0x5B00]  }
0x296: {  	v10 =	vld [tilespmem:s29+$0x3B80];
	v4 =	vmul.f32 v4, v63  }
0x297: {  	v7 =	vmul.f32 v7, v11;
	v2 =	vadd.f32 v3, v2;
	v3 =	vld [tilespmem:s29+$0x5B80]  }
0x298: {  	v11 =	vld [tilespmem:s29+$0x5C00];
	v4 =	vadd.f32 $0.0e+00, v4;
	v5 =	vmul.f32 v5, v8  }
0x299: {  	v8 =	vld [tilespmem:s29+$0x3C00];
	v2 =	vadd.f32 v7, v2  }
0x29a: {  	v7 =	vld [tilespmem:s29+$0x5C80];
	v4 =	vadd.f32 v5, v4;
	v5 =	vmul.f32 v6, v9  }
0x29b: {  	v6 =	vld [tilespmem:s29+$0x3C80];
	v2 =	vmul.f32 v2, v0  }
0x29c: {  	v9 =	vld [tilespmem:s29+$0x5D00];
	v4 =	vadd.f32 v5, v4;
	v3 =	vmul.f32 v3, v10  }
0x29d: {  	v5 =	vld [tilespmem:s29+$0x3D00];
	v2 =	vadd.f32 v2, v1  }
0x29e: {  	v10 =	vld [tilespmem:s29+$0x5D80];
	v3 =	vadd.f32 v3, v4;
	v4 =	vmul.f32 v11, v8  }
0x29f: {  	v8 =	vld [tilespmem:s29+$0x3D80];
	v2 =	vsub.f32 $0.0e+00, v2  }
0x2a0: {  	v3 =	vadd.f32 v4, v3;
	v4 =	vmul.f32 v7, v6;
	v6 =	vld [tilespmem:s29+$0x3E00]  }
0x2a1: {  	v7 =	vld [tilespmem:s29+$0x5E00];
	v2 =	vmul.f32 $1.442695020e+00, v2  }
0x2a2: {  	v3 =	vadd.f32 v4, v3;
	v4 =	vmul.f32 v9, v5  }
0x2a3: {  	v5 =	vld [tilespmem:s29+$0x3E80];
	(erf) = vpow2.f32 v2  }
0x2a4: {  	v9 =	vld [tilespmem:s29+$0x5E80];
	v2 =	vadd.f32 v4, v3;
	v3 =	vmul.f32 v10, v8  }
0x2a5: {  	v4 =	vld [tilespmem:s29+$0x3F00]  }
0x2a6: {  	v2 =	vadd.f32 v3, v2;
	v3 =	vmul.f32 v7, v6;
	v6 =	vld [tilespmem:s29+$0x3F80]  }
0x2a7: {  	v7 =	vld [tilespmem:s29+$0x5F80]  }
0x2a8: {  	v8 =	vld [tilespmem:s29+$0x5F00];
	_ =	sdelay $0x2  }
0x2a9: {  	v2 =	vadd.f32 v3, v2;
	v3 =	vmul.f32 v9, v5;
	v5 =	vld [tilespmem:s29+$0x4000]  }
0x2aa: {  	v9 =	vld [tilespmem:s29+$0x6000];
	v6 =	vmul.f32 v7, v6;
	v7 =	vpop (erf)  }
0x2ab: {  	v11 =	vld [tilespmem:s29+$0x6080];
	v2 =	vadd.f32 v3, v2;
	v3 =	vmul.f32 v8, v4;
	v7 =	vadd.f32 $1.000000000e+00, v7  }
0x2ac: {  	v10 =	vld [tilespmem:s29+$0x4080]  }
0x2ad: {  	v4 =	vld [tilespmem:s29+$0x6100];
	v3 =	vadd.f32 v3, v2;
	(erf) = vrcp.f32 v7  }
0x2ae: {  	v2 =	vld [tilespmem:s29+$0x4100]  }
0x2af: {  	v9 =	vmul.f32 v9, v5;
	v5 =	vld [tilespmem:s29+$0x6180];
	v6 =	vadd.f32 v6, v3  }
0x2b0: {  	s31 =	simm.s32 $0x20;
	v3 =	vld [tilespmem:s29+$0x4180]  }
0x2b1: {  	s0 =	simm.s32 $0xC0;
	v8 =	vld [tilespmem:s31+$0x3A00];
	v7 =	vmul.f32 v11, v10;
	v6 =	vadd.f32 v9, v6  }
.LBB2_16:
0x2b2: {  	p0 =	sne.s32 s0, $0x1C0;
	v9 =	vld [tilespmem:s31+$0x5A00]  }
0x2b3: {  	v10 =	vld [tilespmem:s31+$0x3A80];
	v11 =	vadd.f32 v7, v6;
	v2 =	vmul.f32 v4, v2  }
0x2b4: {  	v4 =	vld [tilespmem:s31+$0x5A80]  }
0x2b5: {  	v7 =	vld [tilespmem:s31+$0x3B00];
	v2 =	vadd.f32 v2, v11;
	v3 =	vmul.f32 v5, v3  }
0x2b6: {  	v5 =	vld [tilespmem:s31+$0x5B00];
	v6 =	vpop (erf)  }
0x2b7: {  	v8 =	vmul.f32 v9, v8;
	v9 =	vld [tilespmem:s31+$0x3B80];
	v2 =	vadd.f32 v3, v2;
	[tilespmem:s30+$0x6380] =	vst v6;
	s30 =	smov.u32 s29;
	s29 =	smov.u32 s31  }
0x2b8: {  	v3 =	vld [tilespmem:s29+$0x5B80]  }
0x2b9: {  	v6 =	vadd.f32 $0.0e+00, v8;
	v4 =	vmul.f32 v4, v10;
	v8 =	vld [tilespmem:s29+$0x3C00];
	v2 =	vmul.f32 v2, v0  }
0x2ba: {  	v10 =	vld [tilespmem:s29+$0x5C00]  }
0x2bb: {  	v4 =	vadd.f32 v4, v6;
	v5 =	vmul.f32 v5, v7;
	v6 =	vld [tilespmem:s29+$0x3C80];
	v2 =	vadd.f32 v2, v1  }
0x2bc: {  	v7 =	vld [tilespmem:s29+$0x5C80]  }
0x2bd: {  	v4 =	vadd.f32 v5, v4;
	v3 =	vmul.f32 v3, v9;
	v5 =	vld [tilespmem:s29+$0x3D00];
	v2 =	vsub.f32 $0.0e+00, v2  }
0x2be: {  	v9 =	vld [tilespmem:s29+$0x5D00]  }
0x2bf: {  	v3 =	vadd.f32 v3, v4;
	v4 =	vmul.f32 v10, v8;
	v8 =	vld [tilespmem:s29+$0x3D80];
	v2 =	vmul.f32 $1.442695020e+00, v2  }
0x2c0: {  	v10 =	vld [tilespmem:s29+$0x5D80]  }
0x2c1: {  	v3 =	vadd.f32 v4, v3;
	v4 =	vmul.f32 v7, v6;
	v6 =	vld [tilespmem:s29+$0x3E00];
	(erf) = vpow2.f32 v2  }
0x2c2: {  	v2 =	vld [tilespmem:s29+$0x5E00]  }
0x2c3: {  	v3 =	vadd.f32 v4, v3;
	v4 =	vmul.f32 v9, v5;
	v5 =	vld [tilespmem:s29+$0x3E80]  }
0x2c4: {  	v7 =	vld [tilespmem:s29+$0x5E80]  }
0x2c5: {  	v3 =	vadd.f32 v4, v3;
	v4 =	vmul.f32 v10, v8;
	v8 =	vld [tilespmem:s29+$0x3F00]  }
0x2c6: {  	v9 =	vld [tilespmem:s29+$0x5F00]  }
0x2c7: {  	v3 =	vadd.f32 v4, v3;
	v2 =	vmul.f32 v2, v6;
	v4 =	vld [tilespmem:s29+$0x3F80]  }
0x2c8: {  	v6 =	vld [tilespmem:s29+$0x5F80]  }
0x2c9: {  	v2 =	vadd.f32 v2, v3;
	v3 =	vmul.f32 v7, v5;
	v5 =	vld [tilespmem:s29+$0x4000]  }
0x2ca: {  	v7 =	vld [tilespmem:s29+$0x6000];
	v10 =	vpop (erf)  }
0x2cb: {  	v2 =	vadd.f32 v3, v2;
	v3 =	vmul.f32 v9, v8;
	v9 =	vld [tilespmem:s29+$0x4080];
	v8 =	vadd.f32 $1.000000000e+00, v10  }
0x2cc: {  	v10 =	vld [tilespmem:s29+$0x6080]  }
.Ltmp7:
0x2cd: {  	v3 =	vadd.f32 v3, v2;
	v6 =	vmul.f32 v6, v4;
	v2 =	vld [tilespmem:s29+$0x4100];
	(erf) = vrcp.f32 v8;
	(pc) =	sbr.rel @p0 .LBB2_16-.Ltmp7, $4  }
0x2ce: {  	v4 =	vld [tilespmem:s29+$0x6100]  }
0x2cf: {  	v6 =	vadd.f32 v6, v3;
	v7 =	vmul.f32 v7, v5;
	v3 =	vld [tilespmem:s29+$0x4180]  }
0x2d0: {  	s31 =	sshra.s32 s0, $0x2;
	v5 =	vld [tilespmem:s29+$0x6180]  }
0x2d1: {  	s0 =	sadd.s32 $0x40, s0;
	v8 =	vld [tilespmem:s31+$0x3A00];
	v6 =	vadd.f32 v7, v6;
	v7 =	vmul.f32 v10, v9  }
0x2d2: {  	v9 =	vld [tilespmem:s31+$0x5A00]  }
0x2d3: {  	v10 =	vld [tilespmem:s31+$0x3A80]  }
0x2d4: {  	v11 =	vld [tilespmem:s31+$0x5A80]  }
0x2d5: {  	v12 =	vld [tilespmem:s31+$0x3B00]  }
0x2d6: {  	v13 =	vld [tilespmem:s31+$0x5B00];
	v14 =	vpop (erf)  }
0x2d7: {  	v15 =	vld [tilespmem:s31+$0x3B80];
	v8 =	vmul.f32 v9, v8;
	[tilespmem:s30+$0x6380] =	vst v14  }
0x2d8: {  	v22 =	vld [tilespmem:s31+$0x5B80]  }
0x2d9: {  	v10 =	vmul.f32 v11, v10;
	v23 =	vld [tilespmem:s31+$0x3C00];
	v8 =	vadd.f32 $0.0e+00, v8  }
0x2da: {  	v14 =	vld [tilespmem:s31+$0x5C00]  }
0x2db: {  	v24 =	vmul.f32 v13, v12;
	v25 =	vld [tilespmem:s31+$0x3C80];
	v8 =	vadd.f32 v10, v8  }
0x2dc: {  	v26 =	vld [tilespmem:s31+$0x5C80]  }
0x2dd: {  	v27 =	vld [tilespmem:s31+$0x3D00];
	v8 =	vadd.f32 v24, v8;
	v9 =	vmul.f32 v22, v15  }
0x2de: {  	v28 =	vld [tilespmem:s31+$0x5D00]  }
0x2df: {  	v30 =	vld [tilespmem:s31+$0x3D80];
	v29 =	vmul.f32 v14, v23;
	v8 =	vadd.f32 v9, v8  }
0x2e0: {  	v31 =	vld [tilespmem:s31+$0x5D80]  }
0x2e1: {  	v33 =	vld [tilespmem:s31+$0x3E00];
	v32 =	vmul.f32 v26, v25;
	v8 =	vadd.f32 v29, v8  }
0x2e2: {  	v34 =	vld [tilespmem:s31+$0x5E00]  }
0x2e3: {  	v36 =	vld [tilespmem:s31+$0x3E80];
	v35 =	vmul.f32 v28, v27;
	v8 =	vadd.f32 v32, v8  }
0x2e4: {  	v37 =	vld [tilespmem:s31+$0x5E80]  }
0x2e5: {  	v39 =	vld [tilespmem:s31+$0x3F00];
	v38 =	vmul.f32 v31, v30;
	v8 =	vadd.f32 v35, v8  }
0x2e6: {  	v6 =	vadd.f32 v7, v6;
	v2 =	vmul.f32 v4, v2;
	v40 =	vld [tilespmem:s31+$0x5F00]  }
0x2e7: {  	v43 =	vld [tilespmem:s31+$0x3F80];
	v42 =	vmul.f32 v34, v33;
	v41 =	vadd.f32 v38, v8  }
0x2e8: {  	v2 =	vadd.f32 v2, v6;
	v3 =	vmul.f32 v5, v3;
	v44 =	vld [tilespmem:s31+$0x5F80]  }
0x2e9: {  	v47 =	vld [tilespmem:s31+$0x4000];
	v46 =	vmul.f32 v37, v36;
	v45 =	vadd.f32 v42, v41  }
0x2ea: {  	v2 =	vadd.f32 v3, v2;
	v48 =	vld [tilespmem:s31+$0x6000]  }
0x2eb: {  	v49 =	vld [tilespmem:s31+$0x4080];
	v4 =	vmul.f32 v40, v39;
	v6 =	vadd.f32 v46, v45  }
0x2ec: {  	v50 =	vld [tilespmem:s31+$0x6080];
	v2 =	vmul.f32 v2, v0  }
0x2ed: {  	v51 =	vld [tilespmem:s31+$0x4100];
	v5 =	vmul.f32 v44, v43;
	v4 =	vadd.f32 v4, v6  }
0x2ee: {  	v52 =	vld [tilespmem:s31+$0x6100];
	v2 =	vadd.f32 v2, v1  }
0x2ef: {  	v53 =	vld [tilespmem:s31+$0x4180];
	v3 =	vmul.f32 v48, v47;
	v4 =	vadd.f32 v5, v4  }
0x2f0: {  	v54 =	vld [tilespmem:s31+$0x6180];
	v2 =	vsub.f32 $0.0e+00, v2  }
0x2f1: {  	v55 =	vmul.f32 v50, v49;
	v3 =	vadd.f32 v3, v4  }
0x2f2: {  	v2 =	vmul.f32 $1.442695020e+00, v2  }
0x2f3: {  	v56 =	vmul.f32 v52, v51;
	v3 =	vadd.f32 v55, v3  }
0x2f4: {  	(erf) = vpow2.f32 v2  }
0x2f5: {  	v58 =	vmul.f32 v54, v53;
	v57 =	vadd.f32 v56, v3;
	_ =	sdelay $0x1  }
0x2f6: {  	v2 =	vadd.f32 v58, v57;
	_ =	sdelay $0x1  }
0x2f7: {  	v59 =	vmul.f32 v2, v0;
	_ =	sdelay $0x1  }
0x2f8: {  	v0 =	vadd.f32 v59, v1;
	_ =	sdelay $0x1  }
0x2f9: {  	v60 =	vpop (erf);
	v0 =	vsub.f32 $0.0e+00, v0  }
0x2fa: {  	v1 =	vadd.f32 $1.000000000e+00, v60  }
0x2fb: {  	v0 =	vmul.f32 $1.442695020e+00, v0  }
0x2fc: {  	(erf) = vrcp.f32 v1  }
0x2fd: {  	(erf) = vpow2.f32 v0;
	_ =	sdelay $0x7  }
0x2fe: {  	v61 =	vpop (erf)  }
0x2ff: {  	v62 =	vpop (erf)  }
0x300: {  	v1 =	vadd.f32 $1.000000000e+00, v62;
	_ =	sdelay $0x1  }
0x301: {  	(erf) = vrcp.f32 v1;
	_ =	sdelay $0x7  }
0x302: {  	s28 =	sadd.s32 $0x1, s28  }
0x303: {  	p0 =	sne.s32 s28, s8;
	[tilespmem:s29+$0x6380] =	vst v61;
	v63 =	vpop (erf)  }
.Ltmp8:
0x304: {  	[tilespmem:s31+$0x6380] =	vst v63;
	(pc) =	sbr.rel @p0 .LBB2_1-.Ltmp8, $4  }
0x305: {  	[hbm4b:s7+s4] =	stream.linear.scatter [tilespmem:s26], [sflag:$0x6], $0x200, $0x38;
	[tilespmem:$0x6480] =	vst v63  }
0x306: {  	_ =	swait.ge [sflag:s9], $0x200  }
0x307: {  	[sflag:s9] =	ssyncset.done $0x0  }
0x308: {  	[sflag:s9] =	ssyncadd.s32 $0xFFFFFE00  }
0x309: {  	_ =	sfence.sel $0x180000  }
0x30a: {  	[bflag:$0x0] =	sbarrier.arrive $0xFFFF  }
0x30b: {  	_ =	strace $0x9000004A  }
0x30c: {  	[bflag:$0x2] =	sbarrier.arrive $0xFFFF  }
0x30d: {  	p0 =	sne.s32 s2, $0x0;
	s0 =	rddreg [dreg:$0x5]  }
0x30e: {  	s0 =	sadd.s32 @!p0 $0x100000, s0  }
0x30f: {  	[sflag:s0] =	ssyncadd.tile.s32 @!p0 $0x1;
	_ =	shalt  }
.Lfunc_end2:
_tile_overlayer_lowered:
.L_overlay_start_2:
0x310: {  	(tag) =	ssettag $0x2  }
0x311: {  	s0 =	rddreg [dreg:$0x0];
	s2 =	stileid.u32  }
0x312: {  	s1 =	rddreg [dreg:$0x1];
	p0 =	sne.s32 s2, $0x0  }
0x313: {  	s3 =	rddreg [dreg:$0x2];
	[bflag:$0x3] =	sbarrier.arrive $0xFFFF;
	s2 =	simm.s32 @!p0 $0x1C06  }
0x314: {  	[timem:s3], [sflag:s2] =	dma.local @!p0 [hbm:s0], s1  }
0x315: {  	s0 =	simm.s32 @!p0 $0x6  }
0x316: {  	_ =	swait.ge @!p0 [sflag:s0], s1  }
0x317: {  	s1 =	ssub.s32 @!p0 $0x0, s1;
	[sflag:s0] =	ssyncset.done @!p0 $0x0  }
0x318: {  	[sflag:s0] =	ssyncadd.s32 @!p0 s1  }
0x319: {  	[bflag:$0x3] =	sbarrier.arrive $0xFFFF  }
0x31a: {  	_ =	shalt  }

</sc_bundles>
